<compile_context>
chip_gen: v7x
topology: tpu7x:2x2x1
jax: 0.10.2.dev20260603
libtpu: 0.0.44.dev20260713+nightly
codegen_flags: <defaults>
</compile_context>

<pallas_src>
import functools

import jax
import jax.numpy as jnp
from jax import lax
from jax.experimental import pallas as pl
from jax.experimental.pallas import tpu as pltpu
from jax.experimental.pallas import tpu_sc as plsc

N = 10000
E = 320000
G = 64
EPS = 1e-5
NC, NS = 2, 16
BM = 2000
GRID = N // BM
K = 128
EA = 331776
NP = N + 16
STRIPE = 624


def _mesh():
    return plsc.VectorSubcoreMesh(
        core_axis_name="c", subcore_axis_name="s",
        num_cores=NC, num_subcores=NS)


def _init_zero(zero_hbm, zsh, s):
    r0 = s * STRIPE
    pltpu.sync_copy(zero_hbm.at[pl.ds(r0, STRIPE)], zsh.at[pl.ds(r0, STRIPE)])

    @pl.when(s == NS - 1)
    def _():
        t0 = NS * STRIPE
        pltpu.sync_copy(zero_hbm.at[pl.ds(t0, NP - t0)], zsh.at[pl.ds(t0, NP - t0)])


def _write_out(zsh, out_hbm, c, s):
    r0 = s * STRIPE
    pltpu.sync_copy(zsh.at[pl.ds(r0, STRIPE)], out_hbm.at[c, pl.ds(r0, STRIPE)])

    @pl.when(s == NS - 1)
    def _():
        t0 = NS * STRIPE
        pltpu.sync_copy(zsh.at[pl.ds(t0, N - t0)], out_hbm.at[c, pl.ds(t0, N - t0)])


def _make_deg():
    ept = EA // (NC * NS)
    nblk = ept // K

    @functools.partial(
        pl.kernel, mesh=_mesh(),
        out_type=jax.ShapeDtypeStruct((NC, N, 128), jnp.float32),
        scratch_types=[
            pltpu.VMEM((3, K), jnp.int32),
            pltpu.VMEM((K, 128), jnp.float32),
            pltpu.VMEM_SHARED((NP, 128), jnp.float32),
        ] + [pltpu.SemaphoreType.DMA] * 6,
    )
    def deg_kernel(dst_hbm, ones_hbm, zero_hbm, degz_hbm, idx_d, ones_v, zsh,
                   *sems):
        sem_i = sems[0:3]
        sem_s = sems[3:6]
        c = lax.axis_index("c")
        s = lax.axis_index("s")
        _init_zero(zero_hbm, zsh, s)
        pltpu.sync_copy(ones_hbm, ones_v)
        base = (s * NC + c) * ept

        def issue_idx(kk, u):
            pltpu.async_copy(dst_hbm.at[pl.ds(base + kk * K, K)],
                             idx_d.at[u], sem_i[u])

        def wait_idx(u):
            pltpu.make_async_copy(dst_hbm.at[pl.ds(base, K)],
                                  idx_d.at[u], sem_i[u]).wait()

        def wait_scat(u):
            pltpu.make_async_copy(ones_v, zsh.at[idx_d.at[u]],
                                  sem_s[u]).wait()

        issue_idx(0, 0)
        issue_idx(1, 1)
        plsc.subcore_barrier()

        def turn(kk, u):
            wait_idx(u)
            pltpu.async_copy(ones_v, zsh.at[idx_d.at[u]], sem_s[u], add=True)

            @pl.when(kk >= 1)
            def _():
                wait_scat((u + 2) % 3)

            @pl.when(kk + 2 < nblk)
            def _():
                issue_idx(kk + 2, (u + 2) % 3)

        def outer(j, carry):
            for u in range(3):
                turn(3 * j + u, u)
            return carry

        lax.fori_loop(0, nblk // 3, outer, 0)
        wait_scat((nblk - 1) % 3)
        plsc.subcore_barrier()
        _write_out(zsh, degz_hbm, c, s)

    return deg_kernel


def _make_scatter():
    ept = EA // (NC * NS)
    nblk = ept // K

    @functools.partial(
        pl.kernel, mesh=_mesh(),
        out_type=jax.ShapeDtypeStruct((NC, N, 128), jnp.float32),
        scratch_types=[
            pltpu.VMEM((2, K), jnp.int32),
            pltpu.VMEM((2, K), jnp.int32),
            pltpu.VMEM((2, K, 128), jnp.float32),
            pltpu.VMEM_SHARED((NP, 128), jnp.float32),
        ] + [pltpu.SemaphoreType.DMA] * 4,
    )
    def scat_kernel(src_hbm, dst_hbm, u_hbm, zero_hbm, z_hbm,
                    idx_s, idx_d, rows, zsh, semg0, semg1, semi0, semi1):
        sem_g = (semg0, semg1)
        sem_i = (semi0, semi1)
        c = lax.axis_index("c")
        s = lax.axis_index("s")
        _init_zero(zero_hbm, zsh, s)
        base = (s * NC + c) * ept

        def issue_idx(kk, u):
            off = base + kk * K
            pltpu.async_copy(src_hbm.at[pl.ds(off, K)], idx_s.at[u], sem_i[u])
            pltpu.async_copy(dst_hbm.at[pl.ds(off, K)], idx_d.at[u], sem_i[u])

        def wait_idx(u):
            pltpu.make_async_copy(src_hbm.at[pl.ds(base, K)],
                                  idx_s.at[u], sem_i[u]).wait()
            pltpu.make_async_copy(dst_hbm.at[pl.ds(base, K)],
                                  idx_d.at[u], sem_i[u]).wait()

        issue_idx(0, 0)
        issue_idx(1, 1)
        plsc.subcore_barrier()
        wait_idx(0)
        pltpu.async_copy(u_hbm.at[idx_s.at[0]], rows.at[0], sem_g[0])

        def turn(kk, u):
            wait_idx(1 - u)
            pltpu.async_copy(u_hbm.at[idx_s.at[1 - u]], rows.at[1 - u],
                             sem_g[1 - u])
            pltpu.make_async_copy(u_hbm.at[idx_s.at[u]], rows.at[u],
                                  sem_g[u]).wait()
            pltpu.sync_copy(rows.at[u], zsh.at[idx_d.at[u]], add=True)
            issue_idx(kk + 2, u)

        def outer(j, carry):
            turn(2 * j, 0)
            turn(2 * j + 1, 1)
            return carry

        lax.fori_loop(0, (nblk - 1) // 2, outer, 0)
        ul = (nblk - 1) % 2
        pltpu.make_async_copy(u_hbm.at[idx_s.at[ul]], rows.at[ul],
                              sem_g[ul]).wait()
        pltpu.sync_copy(rows.at[ul], zsh.at[idx_d.at[ul]], add=True)
        wait_idx(1 - ul)
        plsc.subcore_barrier()
        _write_out(zsh, z_hbm, c, s)

    return scat_kernel


_DEG = _make_deg()
_SCAT = _make_scatter()


def _tc_u1(x, degz):
    def body(x_ref, dz_ref, u_ref, dinv_ref):
        dz = dz_ref[...]
        dinv = lax.rsqrt(dz[0][:, 0:1] + dz[1][:, 0:1])
        u_ref[...] = x_ref[...] * dinv
        dinv_ref[...] = jnp.broadcast_to(dinv, (BM, 8))

    return pl.pallas_call(
        body,
        grid=(GRID,),
        in_specs=[pl.BlockSpec((BM, 128), lambda i: (i, 0)),
                  pl.BlockSpec((2, BM, 128), lambda i: (0, i, 0))],
        out_specs=[pl.BlockSpec((BM, 128), lambda i: (i, 0)),
                   pl.BlockSpec((BM, 8), lambda i: (i, 0))],
        out_shape=[jax.ShapeDtypeStruct((N, 128), jnp.float32),
                   jax.ShapeDtypeStruct((N, 8), jnp.float32)],
    )(x, degz)


def _tc_layer(z, dinv8, W, b, g, be, rm, rv):
    def body(z_ref, dinv_ref, w_ref, b_ref, g_ref, be_ref, rm_ref, rv_ref,
             u_ref):
        dinv = dinv_ref[:, 0:1]
        mm = jnp.dot(z_ref[0] + z_ref[1], w_ref[...],
                     preferred_element_type=jnp.float32)
        pre = mm * dinv + b_ref[...]
        scale = g_ref[...] * lax.rsqrt(rv_ref[...] + EPS)
        h = jnp.maximum((pre - rm_ref[...]) * scale + be_ref[...], 0.0)
        u_ref[...] = h * dinv

    pspec = pl.BlockSpec((1, 128), lambda i: (0, 0))
    return pl.pallas_call(
        body,
        grid=(GRID,),
        in_specs=[pl.BlockSpec((2, BM, 128), lambda i: (0, i, 0)),
                  pl.BlockSpec((BM, 8), lambda i: (i, 0)),
                  pl.BlockSpec((128, 128), lambda i: (0, 0)),
                  pspec, pspec, pspec, pspec, pspec],
        out_specs=pl.BlockSpec((BM, 128), lambda i: (i, 0)),
        out_shape=jax.ShapeDtypeStruct((N, 128), jnp.float32),
    )(z, dinv8, W, b, g, be, rm, rv)


def _tc_final(z3, dinv8, W3, b3, batch3):
    def body(z_ref, dinv_ref, w_ref, b_ref, bat_ref, out_ref, acc_ref, cnt_ref):
        i = pl.program_id(0)

        @pl.when(i == 0)
        def _():
            acc_ref[...] = jnp.zeros_like(acc_ref)
            cnt_ref[...] = jnp.zeros_like(cnt_ref)

        dinv = dinv_ref[:, 0:1]
        mm = jnp.dot(z_ref[0] + z_ref[1], w_ref[...],
                     preferred_element_type=jnp.float32)
        h = mm * dinv + b_ref[...]
        bidx = bat_ref[0, 0, :]
        oh = (bidx[:, None] == lax.broadcasted_iota(jnp.int32, (BM, G), 1)
              ).astype(jnp.float32)
        dn = (((0,), (0,)), ((), ()))
        acc_ref[...] += lax.dot_general(
            oh, h, dn, preferred_element_type=jnp.float32)
        cnt_ref[...] += lax.dot_general(
            oh, jnp.ones((BM, 128), jnp.float32), dn,
            preferred_element_type=jnp.float32)

        @pl.when(i == GRID - 1)
        def _():
            cnt = jnp.maximum(cnt_ref[:, 0:1], 1.0)
            out_ref[...] = acc_ref[...] / cnt

    return pl.pallas_call(
        body,
        grid=(GRID,),
        in_specs=[pl.BlockSpec((2, BM, 128), lambda i: (0, i, 0)),
                  pl.BlockSpec((BM, 8), lambda i: (i, 0)),
                  pl.BlockSpec((128, 256), lambda i: (0, 0)),
                  pl.BlockSpec((1, 256), lambda i: (0, 0)),
                  pl.BlockSpec((1, 1, BM), lambda i: (i, 0, 0))],
        out_specs=pl.BlockSpec((G, 256), lambda i: (0, 0)),
        out_shape=jax.ShapeDtypeStruct((G, 256), jnp.float32),
        scratch_shapes=[pltpu.VMEM((G, 256), jnp.float32),
                        pltpu.VMEM((G, 128), jnp.float32)],
    )(z3, dinv8, W3, b3, batch3)


def kernel(x, edge_index, batch, W1, b1, g1, be1, rm1, rv1,
           W2, b2, g2, be2, rm2, rv2, W3, b3):
    ei = edge_index.astype(jnp.int32)
    loops = jnp.arange(N, dtype=jnp.int32)
    pad = EA - E - N + K
    src_a = jnp.concatenate([ei[0], loops, jnp.zeros((pad,), jnp.int32)])
    dst_a = jnp.concatenate([ei[1], loops, jnp.full((pad,), N, jnp.int32)])
    batch3 = batch.astype(jnp.int32).reshape(GRID, 1, BM)
    ones_k = jnp.ones((K, 128), jnp.float32)
    zeros_np = jnp.zeros((NP, 128), jnp.float32)

    def row(a):
        return a.reshape(1, -1)

    degz = _DEG(dst_a, ones_k, zeros_np)
    u1, dinv8 = _tc_u1(x, degz)
    z1 = _SCAT(src_a, dst_a, u1, zeros_np)
    u2 = _tc_layer(z1, dinv8, W1, row(b1), row(g1), row(be1), row(rm1), row(rv1))
    z2 = _SCAT(src_a, dst_a, u2, zeros_np)
    u3 = _tc_layer(z2, dinv8, W2, row(b2), row(g2), row(be2), row(rm2), row(rv2))
    z3 = _SCAT(src_a, dst_a, u3, zeros_np)
    return _tc_final(z3, dinv8, W3, row(b3), batch3)

# --- scband reference (transcript-rebuilt; emitter-appended) ---
"""Pipeline reference for scband-simple-graph-encoder-66795331387602 (READ-ONLY COPY).

The authoritative reference and input builder live on the scoring server;
editing this copy changes nothing except your own understanding.
"""

import jax, jax.numpy as jnp
import numpy as np

N = 10000
E = 320000
NUM_GRAPHS = 64
IN_DIM = 128
HID_DIM = 128
OUT_DIM = 256
EPS = 1e-5


def setup_inputs(seed: int = 0) -> dict:
    key = jax.random.key(seed)
    ks = jax.random.split(key, 8)
    x = jax.random.normal(ks[0], (N, IN_DIM), dtype=jnp.float32)
    edge_index = jax.random.randint(ks[1], (2, E), 0, N)
    batch = jnp.sort(jax.random.randint(ks[2], (N,), 0, NUM_GRAPHS))
    W1 = jax.random.normal(ks[3], (IN_DIM, HID_DIM), dtype=jnp.float32) * 0.05
    b1 = jnp.zeros((HID_DIM,), dtype=jnp.float32)
    g1 = jnp.ones((HID_DIM,), dtype=jnp.float32)
    be1 = jnp.zeros((HID_DIM,), dtype=jnp.float32)
    rm1 = jnp.zeros((HID_DIM,), dtype=jnp.float32)
    rv1 = jnp.ones((HID_DIM,), dtype=jnp.float32)
    W2 = jax.random.normal(ks[4], (HID_DIM, HID_DIM), dtype=jnp.float32) * 0.05
    b2 = jnp.zeros((HID_DIM,), dtype=jnp.float32)
    g2 = jnp.ones((HID_DIM,), dtype=jnp.float32)
    be2 = jnp.zeros((HID_DIM,), dtype=jnp.float32)
    rm2 = jnp.zeros((HID_DIM,), dtype=jnp.float32)
    rv2 = jnp.ones((HID_DIM,), dtype=jnp.float32)
    W3 = jax.random.normal(ks[5], (HID_DIM, OUT_DIM), dtype=jnp.float32) * 0.05
    b3 = jnp.zeros((OUT_DIM,), dtype=jnp.float32)
    return {"x": x, "edge_index": edge_index, "batch": batch,
            "W1": W1, "b1": b1, "g1": g1, "be1": be1, "rm1": rm1, "rv1": rv1,
            "W2": W2, "b2": b2, "g2": g2, "be2": be2, "rm2": rm2, "rv2": rv2,
            "W3": W3, "b3": b3}


def gcn_conv(x, edge_index, W, b):
    # GCNConv: sym-normalized adjacency with self-loops, then linear
    n = x.shape[0]
    loops = jnp.arange(n, dtype=edge_index.dtype)
    src = jnp.concatenate([edge_index[0], loops])
    dst = jnp.concatenate([edge_index[1], loops])
    deg = jnp.zeros((n,), x.dtype).at[dst].add(1.0)
    dinv = jnp.where(deg > 0, 1.0 / jnp.sqrt(deg), 0.0)
    norm = dinv[src] * dinv[dst]
    xw = x @ W
    out = jnp.zeros((n, W.shape[1]), x.dtype).at[dst].add(xw[src] * norm[:, None])
    return out + b


def batchnorm_eval(x, g, b, rm, rv):
    return (x - rm) / jnp.sqrt(rv + EPS) * g + b


def reference(x, edge_index, batch, W1, b1, g1, be1, rm1, rv1,
              W2, b2, g2, be2, rm2, rv2, W3, b3):
    h = gcn_conv(x, edge_index, W1, b1)
    h = jax.nn.relu(batchnorm_eval(h, g1, be1, rm1, rv1))
    # dropout: identity in eval mode
    h = gcn_conv(h, edge_index, W2, b2)
    h = jax.nn.relu(batchnorm_eval(h, g2, be2, rm2, rv2))
    h = gcn_conv(h, edge_index, W3, b3)
    sums = jax.ops.segment_sum(h, batch, num_segments=NUM_GRAPHS)
    cnt = jax.ops.segment_sum(jnp.ones((h.shape[0], 1), h.dtype), batch, num_segments=NUM_GRAPHS)
    return sums / jnp.maximum(cnt, 1.0)

if __name__ == "__main__":
    import jax
    _d = setup_inputs()
    print(jax.jit(kernel)(*tuple(_d.values())))

</pallas_src>

<mosaic_0001>
#map = affine_map<(d0, d1) -> (0)>
#map1 = affine_map<(d0, d1) -> (0, 0)>
#map2 = affine_map<(d0, d1) -> (0, 0, 0)>
module attributes {stable_mosaic.version = 14 : i64} {
  func.func @deg_kernel(%arg0: i32, %arg1: i32, %arg2: memref<331904xi32, #tpu.memory_space<hbm>>, %arg3: memref<128x128xf32, #tpu.memory_space<hbm>>, %arg4: memref<10016x128xf32, #tpu.memory_space<hbm>>, %arg5: memref<2x10000x128xf32, #tpu.memory_space<hbm>>, %arg6: memref<3x128xi32, #tpu.memory_space<vmem>>, %arg7: memref<128x128xf32, #tpu.memory_space<vmem>>, %arg8: memref<10016x128xf32, #tpu.memory_space<vmem_shared>>, %arg9: memref<!tpu.dma_semaphore, #tpu.memory_space<semaphore_mem>>, %arg10: memref<!tpu.dma_semaphore, #tpu.memory_space<semaphore_mem>>, %arg11: memref<!tpu.dma_semaphore, #tpu.memory_space<semaphore_mem>>, %arg12: memref<!tpu.dma_semaphore, #tpu.memory_space<semaphore_mem>>, %arg13: memref<!tpu.dma_semaphore, #tpu.memory_space<semaphore_mem>>, %arg14: memref<!tpu.dma_semaphore, #tpu.memory_space<semaphore_mem>>) attributes {dimension_semantics = [#tpu.dimension_semantics<core_parallel>, #tpu.dimension_semantics<subcore_parallel>], iteration_bounds = array<i64: 2, 16>, scalar_prefetch = 0 : i64, scratch_operands = 9 : i64, tpu.core_type = #tpu.core_type<sc_vector_subcore>, window_params = [{transform_indices = #map}, {transform_indices = #map1}, {transform_indices = #map1}, {transform_indices = #map2}]} {
    %mul3A = arith.constant 624 : i32
    %mul3A_0 = arith.muli %arg1, %mul3A : i32
    "tpu.region"() ({
      %run_scoped3A = tpu.sem_alloc : memref<!tpu.dma_semaphore, #tpu.memory_space<semaphore_mem>>
      %dma_start3A_47 = arith.constant 0 : i32
      %dma_start3A_48 = tpu.memref_slice %arg8[%mul3A_0, %dma_start3A_47] : memref<10016x128xf32, #tpu.memory_space<vmem_shared>> -> memref<624x128xf32, #tpu.memory_space<vmem_shared>>
      %dma_start3A_49 = arith.constant 0 : i32
      %dma_start3A_50 = tpu.memref_slice %arg4[%mul3A_0, %dma_start3A_49] : memref<10016x128xf32, #tpu.memory_space<hbm>> -> memref<624x128xf32, #tpu.memory_space<hbm>>
      tpu.enqueue_dma source(%dma_start3A_50 : memref<624x128xf32, #tpu.memory_space<hbm>>) target(%dma_start3A_48 : memref<624x128xf32, #tpu.memory_space<vmem_shared>>) target_semaphore(%run_scoped3A : memref<!tpu.dma_semaphore, #tpu.memory_space<semaphore_mem>>)
      %dma_wait3A_51 = arith.constant 0 : i32
      %dma_wait3A_52 = tpu.memref_slice %arg8[%mul3A_0, %dma_wait3A_51] : memref<10016x128xf32, #tpu.memory_space<vmem_shared>> -> memref<624x128xf32, #tpu.memory_space<vmem_shared>>
      %dma_wait3A_53 = arith.constant 0 : i32
      %dma_wait3A_54 = tpu.memref_slice %arg4[%mul3A_0, %dma_wait3A_53] : memref<10016x128xf32, #tpu.memory_space<hbm>> -> memref<624x128xf32, #tpu.memory_space<hbm>>
      tpu.wait_dma2 semaphore(%run_scoped3A : memref<!tpu.dma_semaphore, #tpu.memory_space<semaphore_mem>>) src(%dma_wait3A_54 : memref<624x128xf32, #tpu.memory_space<hbm>>) dst(%dma_wait3A_52 : memref<624x128xf32, #tpu.memory_space<vmem_shared>>)
      tpu.yield
    }) : () -> ()
    %eq3A = arith.constant 15 : i32
    %eq3A_1 = arith.cmpi eq, %arg1, %eq3A : i32
    %convert_element_type3A = arith.extui %eq3A_1 : i1 to i32
    %cond3A = arith.constant 0 : i32
    %cond3A_2 = arith.cmpi ne, %convert_element_type3A, %cond3A : i32
    scf.if %cond3A_2 {
      "tpu.region"() ({
        %run_scoped3A = tpu.sem_alloc : memref<!tpu.dma_semaphore, #tpu.memory_space<semaphore_mem>>
        %dma_start3A_47 = arith.constant 9984 : i32
        %dma_start3A_48 = arith.constant 0 : i32
        %dma_start3A_49 = tpu.memref_slice %arg8[%dma_start3A_47, %dma_start3A_48] : memref<10016x128xf32, #tpu.memory_space<vmem_shared>> -> memref<32x128xf32, #tpu.memory_space<vmem_shared>>
        %dma_start3A_50 = arith.constant 9984 : i32
        %dma_start3A_51 = arith.constant 0 : i32
        %dma_start3A_52 = tpu.memref_slice %arg4[%dma_start3A_50, %dma_start3A_51] : memref<10016x128xf32, #tpu.memory_space<hbm>> -> memref<32x128xf32, #tpu.memory_space<hbm>>
        tpu.enqueue_dma source(%dma_start3A_52 : memref<32x128xf32, #tpu.memory_space<hbm>>) target(%dma_start3A_49 : memref<32x128xf32, #tpu.memory_space<vmem_shared>>) target_semaphore(%run_scoped3A : memref<!tpu.dma_semaphore, #tpu.memory_space<semaphore_mem>>)
        %dma_wait3A_53 = arith.constant 9984 : i32
        %dma_wait3A_54 = arith.constant 0 : i32
        %dma_wait3A_55 = tpu.memref_slice %arg8[%dma_wait3A_53, %dma_wait3A_54] : memref<10016x128xf32, #tpu.memory_space<vmem_shared>> -> memref<32x128xf32, #tpu.memory_space<vmem_shared>>
        %dma_wait3A_56 = arith.constant 9984 : i32
        %dma_wait3A_57 = arith.constant 0 : i32
        %dma_wait3A_58 = tpu.memref_slice %arg4[%dma_wait3A_56, %dma_wait3A_57] : memref<10016x128xf32, #tpu.memory_space<hbm>> -> memref<32x128xf32, #tpu.memory_space<hbm>>
        tpu.wait_dma2 semaphore(%run_scoped3A : memref<!tpu.dma_semaphore, #tpu.memory_space<semaphore_mem>>) src(%dma_wait3A_58 : memref<32x128xf32, #tpu.memory_space<hbm>>) dst(%dma_wait3A_55 : memref<32x128xf32, #tpu.memory_space<vmem_shared>>)
        tpu.yield
      }) : () -> ()
    } else {
    }
    "tpu.region"() ({
      %run_scoped3A = tpu.sem_alloc : memref<!tpu.dma_semaphore, #tpu.memory_space<semaphore_mem>>
      tpu.enqueue_dma source(%arg3 : memref<128x128xf32, #tpu.memory_space<hbm>>) target(%arg7 : memref<128x128xf32, #tpu.memory_space<vmem>>) target_semaphore(%run_scoped3A : memref<!tpu.dma_semaphore, #tpu.memory_space<semaphore_mem>>)
      tpu.wait_dma2 semaphore(%run_scoped3A : memref<!tpu.dma_semaphore, #tpu.memory_space<semaphore_mem>>) src(%arg3 : memref<128x128xf32, #tpu.memory_space<hbm>>) dst(%arg7 : memref<128x128xf32, #tpu.memory_space<vmem>>)
      tpu.yield
    }) : () -> ()
    %mul3A_3 = arith.constant 2 : i32
    %mul3A_4 = arith.muli %arg1, %mul3A_3 : i32
    %add3A = arith.addi %mul3A_4, %arg0 : i32
    %mul3A_5 = arith.constant 10368 : i32
    %mul3A_6 = arith.muli %add3A, %mul3A_5 : i32
    %add3A_7 = arith.constant 0 : i32
    %add3A_8 = arith.addi %mul3A_6, %add3A_7 : i32
    %dma_start3A = arith.constant 0 : i32
    %dma_start3A_9 = arith.constant 0 : i32
    %dma_start3A_10 = tpu.memref_slice %arg6[%dma_start3A, %dma_start3A_9] : memref<3x128xi32, #tpu.memory_space<vmem>> -> memref<1x128xi32, #tpu.memory_space<vmem>>
    %dma_start3A_11 = tpu.memref_squeeze %dma_start3A_10 : memref<1x128xi32, #tpu.memory_space<vmem>> -> memref<128xi32, #tpu.memory_space<vmem>>
    %dma_start3A_12 = tpu.memref_slice %arg2[%add3A_8] : memref<331904xi32, #tpu.memory_space<hbm>> -> memref<128xi32, #tpu.memory_space<hbm>>
    %dma_start3A_13 = arith.constant 0 : i32
    %dma_start3A_14 = tpu.memref_slice %arg6[%dma_start3A, %dma_start3A_13] : memref<3x128xi32, #tpu.memory_space<vmem>> -> memref<1x128xi32, #tpu.memory_space<vmem>>
    %dma_start3A_15 = tpu.memref_squeeze %dma_start3A_14 : memref<1x128xi32, #tpu.memory_space<vmem>> -> memref<128xi32, #tpu.memory_space<vmem>>
    %dma_start3A_16 = tpu.memref_slice %arg2[%add3A_8] : memref<331904xi32, #tpu.memory_space<hbm>> -> memref<128xi32, #tpu.memory_space<hbm>>
    tpu.enqueue_dma source(%dma_start3A_16 : memref<128xi32, #tpu.memory_space<hbm>>) target(%dma_start3A_15 : memref<128xi32, #tpu.memory_space<vmem>>) target_semaphore(%arg9 : memref<!tpu.dma_semaphore, #tpu.memory_space<semaphore_mem>>)
    %add3A_17 = arith.constant 128 : i32
    %add3A_18 = arith.addi %mul3A_6, %add3A_17 : i32
    %dma_start3A_19 = arith.constant 1 : i32
    %dma_start3A_20 = arith.constant 0 : i32
    %dma_start3A_21 = tpu.memref_slice %arg6[%dma_start3A_19, %dma_start3A_20] : memref<3x128xi32, #tpu.memory_space<vmem>> -> memref<1x128xi32, #tpu.memory_space<vmem>>
    %dma_start3A_22 = tpu.memref_squeeze %dma_start3A_21 : memref<1x128xi32, #tpu.memory_space<vmem>> -> memref<128xi32, #tpu.memory_space<vmem>>
    %dma_start3A_23 = tpu.memref_slice %arg2[%add3A_18] : memref<331904xi32, #tpu.memory_space<hbm>> -> memref<128xi32, #tpu.memory_space<hbm>>
    %dma_start3A_24 = arith.constant 0 : i32
    %dma_start3A_25 = tpu.memref_slice %arg6[%dma_start3A_19, %dma_start3A_24] : memref<3x128xi32, #tpu.memory_space<vmem>> -> memref<1x128xi32, #tpu.memory_space<vmem>>
    %dma_start3A_26 = tpu.memref_squeeze %dma_start3A_25 : memref<1x128xi32, #tpu.memory_space<vmem>> -> memref<128xi32, #tpu.memory_space<vmem>>
    %dma_start3A_27 = tpu.memref_slice %arg2[%add3A_18] : memref<331904xi32, #tpu.memory_space<hbm>> -> memref<128xi32, #tpu.memory_space<hbm>>
    tpu.enqueue_dma source(%dma_start3A_27 : memref<128xi32, #tpu.memory_space<hbm>>) target(%dma_start3A_26 : memref<128xi32, #tpu.memory_space<vmem>>) target_semaphore(%arg10 : memref<!tpu.dma_semaphore, #tpu.memory_space<semaphore_mem>>)
    %barrier3A = arith.constant 0 : index
    tpu.barrier barrier_id(%barrier3A)
    %scan3A = arith.constant 0 : i32
    %scan3A_28 = arith.constant 0 : i32
    %scan3A_29 = arith.constant 27 : i32
    %scan3A_30 = arith.addi %scan3A_28, %scan3A_29 : i32
    %scan3A_31 = arith.constant 1 : i32
    scf.for %scan3A_47 = %scan3A_28 to %scan3A_30 step %scan3A_31  : i32 {
      %mul3A_48 = arith.constant 3 : i32
      %mul3A_49 = arith.muli %mul3A_48, %scan3A_47 : i32
      %add3A_50 = arith.constant 0 : i32
      %add3A_51 = arith.addi %mul3A_49, %add3A_50 : i32
      %dma_wait3A_52 = arith.constant 0 : i32
      %dma_wait3A_53 = arith.constant 0 : i32
      %dma_wait3A_54 = tpu.memref_slice %arg6[%dma_wait3A_52, %dma_wait3A_53] : memref<3x128xi32, #tpu.memory_space<vmem>> -> memref<1x128xi32, #tpu.memory_space<vmem>>
      %dma_wait3A_55 = tpu.memref_squeeze %dma_wait3A_54 : memref<1x128xi32, #tpu.memory_space<vmem>> -> memref<128xi32, #tpu.memory_space<vmem>>
      %dma_wait3A_56 = tpu.memref_slice %arg2[%mul3A_6] : memref<331904xi32, #tpu.memory_space<hbm>> -> memref<128xi32, #tpu.memory_space<hbm>>
      %dma_wait3A_57 = arith.constant 0 : i32
      %dma_wait3A_58 = tpu.memref_slice %arg6[%dma_wait3A_52, %dma_wait3A_57] : memref<3x128xi32, #tpu.memory_space<vmem>> -> memref<1x128xi32, #tpu.memory_space<vmem>>
      %dma_wait3A_59 = tpu.memref_squeeze %dma_wait3A_58 : memref<1x128xi32, #tpu.memory_space<vmem>> -> memref<128xi32, #tpu.memory_space<vmem>>
      %dma_wait3A_60 = tpu.memref_slice %arg2[%mul3A_6] : memref<331904xi32, #tpu.memory_space<hbm>> -> memref<128xi32, #tpu.memory_space<hbm>>
      tpu.wait_dma2 semaphore(%arg9 : memref<!tpu.dma_semaphore, #tpu.memory_space<semaphore_mem>>) src(%dma_wait3A_60 : memref<128xi32, #tpu.memory_space<hbm>>) dst(%dma_wait3A_59 : memref<128xi32, #tpu.memory_space<vmem>>)
      %dma_start3A_61 = arith.constant 0 : i32
      %dma_start3A_62 = arith.constant 0 : i32
      %dma_start3A_63 = tpu.memref_slice %arg6[%dma_start3A_61, %dma_start3A_62] : memref<3x128xi32, #tpu.memory_space<vmem>> -> memref<1x128xi32, #tpu.memory_space<vmem>>
      %dma_start3A_64 = tpu.memref_squeeze %dma_start3A_63 : memref<1x128xi32, #tpu.memory_space<vmem>> -> memref<128xi32, #tpu.memory_space<vmem>>
      %dma_start3A_65 = arith.constant 0 : i32
      %dma_start3A_66 = arith.constant 0 : i32
      %dma_start3A_67 = tpu.memref_slice %arg8[%dma_start3A_65, %dma_start3A_66] : memref<10016x128xf32, #tpu.memory_space<vmem_shared>> -> memref<10016x128xf32, #tpu.memory_space<vmem_shared>>
      tpu.enqueue_indirect_dma source(%arg7 : memref<128x128xf32, #tpu.memory_space<vmem>>) target(%dma_start3A_67 : memref<10016x128xf32, #tpu.memory_space<vmem_shared>>) offsets(%dma_start3A_64 : memref<128xi32, #tpu.memory_space<vmem>>) semaphore(%arg12 : memref<!tpu.dma_semaphore, #tpu.memory_space<semaphore_mem>>) {add = true}
      %ge3A = arith.constant 1 : i32
      %ge3A_68 = arith.cmpi sge, %add3A_51, %ge3A : i32
      %convert_element_type3A_69 = arith.extui %ge3A_68 : i1 to i32
      %cond3A_70 = arith.constant 0 : i32
      %cond3A_71 = arith.cmpi ne, %convert_element_type3A_69, %cond3A_70 : i32
      scf.if %cond3A_71 {
        %dma_wait3A_142 = arith.constant 2 : i32
        %dma_wait3A_143 = arith.constant 0 : i32
        %dma_wait3A_144 = tpu.memref_slice %arg6[%dma_wait3A_142, %dma_wait3A_143] : memref<3x128xi32, #tpu.memory_space<vmem>> -> memref<1x128xi32, #tpu.memory_space<vmem>>
        %dma_wait3A_145 = tpu.memref_squeeze %dma_wait3A_144 : memref<1x128xi32, #tpu.memory_space<vmem>> -> memref<128xi32, #tpu.memory_space<vmem>>
        %dma_wait3A_146 = arith.constant 0 : i32
        %dma_wait3A_147 = arith.constant 0 : i32
        %dma_wait3A_148 = tpu.memref_slice %arg8[%dma_wait3A_146, %dma_wait3A_147] : memref<10016x128xf32, #tpu.memory_space<vmem_shared>> -> memref<10016x128xf32, #tpu.memory_space<vmem_shared>>
        tpu.wait_indirect_dma semaphore(%arg14 : memref<!tpu.dma_semaphore, #tpu.memory_space<semaphore_mem>>) src(%arg7 : memref<128x128xf32, #tpu.memory_space<vmem>>) dst(%dma_wait3A_148 : memref<10016x128xf32, #tpu.memory_space<vmem_shared>>)
      } else {
      }
      %add3A_72 = arith.constant 2 : i32
      %add3A_73 = arith.addi %add3A_51, %add3A_72 : i32
      %lt3A = arith.constant 81 : i32
      %lt3A_74 = arith.cmpi slt, %add3A_73, %lt3A : i32
      %convert_element_type3A_75 = arith.extui %lt3A_74 : i1 to i32
      %cond3A_76 = arith.constant 0 : i32
      %cond3A_77 = arith.cmpi ne, %convert_element_type3A_75, %cond3A_76 : i32
      scf.if %cond3A_77 {
        %add3A_142 = arith.constant 2 : i32
        %add3A_143 = arith.addi %add3A_51, %add3A_142 : i32
        %mul3A_144 = arith.constant 128 : i32
        %mul3A_145 = arith.muli %add3A_143, %mul3A_144 : i32
        %add3A_146 = arith.addi %mul3A_6, %mul3A_145 : i32
        %dma_start3A_147 = arith.constant 2 : i32
        %dma_start3A_148 = arith.constant 0 : i32
        %dma_start3A_149 = tpu.memref_slice %arg6[%dma_start3A_147, %dma_start3A_148] : memref<3x128xi32, #tpu.memory_space<vmem>> -> memref<1x128xi32, #tpu.memory_space<vmem>>
        %dma_start3A_150 = tpu.memref_squeeze %dma_start3A_149 : memref<1x128xi32, #tpu.memory_space<vmem>> -> memref<128xi32, #tpu.memory_space<vmem>>
        %dma_start3A_151 = tpu.memref_slice %arg2[%add3A_146] : memref<331904xi32, #tpu.memory_space<hbm>> -> memref<128xi32, #tpu.memory_space<hbm>>
        %dma_start3A_152 = arith.constant 0 : i32
        %dma_start3A_153 = tpu.memref_slice %arg6[%dma_start3A_147, %dma_start3A_152] : memref<3x128xi32, #tpu.memory_space<vmem>> -> memref<1x128xi32, #tpu.memory_space<vmem>>
        %dma_start3A_154 = tpu.memref_squeeze %dma_start3A_153 : memref<1x128xi32, #tpu.memory_space<vmem>> -> memref<128xi32, #tpu.memory_space<vmem>>
        %dma_start3A_155 = tpu.memref_slice %arg2[%add3A_146] : memref<331904xi32, #tpu.memory_space<hbm>> -> memref<128xi32, #tpu.memory_space<hbm>>
        tpu.enqueue_dma source(%dma_start3A_155 : memref<128xi32, #tpu.memory_space<hbm>>) target(%dma_start3A_154 : memref<128xi32, #tpu.memory_space<vmem>>) target_semaphore(%arg11 : memref<!tpu.dma_semaphore, #tpu.memory_space<semaphore_mem>>)
      } else {
      }
      %mul3A_78 = arith.constant 3 : i32
      %mul3A_79 = arith.muli %mul3A_78, %scan3A_47 : i32
      %add3A_80 = arith.constant 1 : i32
      %add3A_81 = arith.addi %mul3A_79, %add3A_80 : i32
      %dma_wait3A_82 = arith.constant 1 : i32
      %dma_wait3A_83 = arith.constant 0 : i32
      %dma_wait3A_84 = tpu.memref_slice %arg6[%dma_wait3A_82, %dma_wait3A_83] : memref<3x128xi32, #tpu.memory_space<vmem>> -> memref<1x128xi32, #tpu.memory_space<vmem>>
      %dma_wait3A_85 = tpu.memref_squeeze %dma_wait3A_84 : memref<1x128xi32, #tpu.memory_space<vmem>> -> memref<128xi32, #tpu.memory_space<vmem>>
      %dma_wait3A_86 = tpu.memref_slice %arg2[%mul3A_6] : memref<331904xi32, #tpu.memory_space<hbm>> -> memref<128xi32, #tpu.memory_space<hbm>>
      %dma_wait3A_87 = arith.constant 0 : i32
      %dma_wait3A_88 = tpu.memref_slice %arg6[%dma_wait3A_82, %dma_wait3A_87] : memref<3x128xi32, #tpu.memory_space<vmem>> -> memref<1x128xi32, #tpu.memory_space<vmem>>
      %dma_wait3A_89 = tpu.memref_squeeze %dma_wait3A_88 : memref<1x128xi32, #tpu.memory_space<vmem>> -> memref<128xi32, #tpu.memory_space<vmem>>
      %dma_wait3A_90 = tpu.memref_slice %arg2[%mul3A_6] : memref<331904xi32, #tpu.memory_space<hbm>> -> memref<128xi32, #tpu.memory_space<hbm>>
      tpu.wait_dma2 semaphore(%arg10 : memref<!tpu.dma_semaphore, #tpu.memory_space<semaphore_mem>>) src(%dma_wait3A_90 : memref<128xi32, #tpu.memory_space<hbm>>) dst(%dma_wait3A_89 : memref<128xi32, #tpu.memory_space<vmem>>)
      %dma_start3A_91 = arith.constant 1 : i32
      %dma_start3A_92 = arith.constant 0 : i32
      %dma_start3A_93 = tpu.memref_slice %arg6[%dma_start3A_91, %dma_start3A_92] : memref<3x128xi32, #tpu.memory_space<vmem>> -> memref<1x128xi32, #tpu.memory_space<vmem>>
      %dma_start3A_94 = tpu.memref_squeeze %dma_start3A_93 : memref<1x128xi32, #tpu.memory_space<vmem>> -> memref<128xi32, #tpu.memory_space<vmem>>
      %dma_start3A_95 = arith.constant 0 : i32
      %dma_start3A_96 = arith.constant 0 : i32
      %dma_start3A_97 = tpu.memref_slice %arg8[%dma_start3A_95, %dma_start3A_96] : memref<10016x128xf32, #tpu.memory_space<vmem_shared>> -> memref<10016x128xf32, #tpu.memory_space<vmem_shared>>
      tpu.enqueue_indirect_dma source(%arg7 : memref<128x128xf32, #tpu.memory_space<vmem>>) target(%dma_start3A_97 : memref<10016x128xf32, #tpu.memory_space<vmem_shared>>) offsets(%dma_start3A_94 : memref<128xi32, #tpu.memory_space<vmem>>) semaphore(%arg13 : memref<!tpu.dma_semaphore, #tpu.memory_space<semaphore_mem>>) {add = true}
      %ge3A_98 = arith.constant 1 : i32
      %ge3A_99 = arith.cmpi sge, %add3A_81, %ge3A_98 : i32
      %convert_element_type3A_100 = arith.extui %ge3A_99 : i1 to i32
      %cond3A_101 = arith.constant 0 : i32
      %cond3A_102 = arith.cmpi ne, %convert_element_type3A_100, %cond3A_101 : i32
      scf.if %cond3A_102 {
        %dma_wait3A_142 = arith.constant 0 : i32
        %dma_wait3A_143 = arith.constant 0 : i32
        %dma_wait3A_144 = tpu.memref_slice %arg6[%dma_wait3A_142, %dma_wait3A_143] : memref<3x128xi32, #tpu.memory_space<vmem>> -> memref<1x128xi32, #tpu.memory_space<vmem>>
        %dma_wait3A_145 = tpu.memref_squeeze %dma_wait3A_144 : memref<1x128xi32, #tpu.memory_space<vmem>> -> memref<128xi32, #tpu.memory_space<vmem>>
        %dma_wait3A_146 = arith.constant 0 : i32
        %dma_wait3A_147 = arith.constant 0 : i32
        %dma_wait3A_148 = tpu.memref_slice %arg8[%dma_wait3A_146, %dma_wait3A_147] : memref<10016x128xf32, #tpu.memory_space<vmem_shared>> -> memref<10016x128xf32, #tpu.memory_space<vmem_shared>>
        tpu.wait_indirect_dma semaphore(%arg12 : memref<!tpu.dma_semaphore, #tpu.memory_space<semaphore_mem>>) src(%arg7 : memref<128x128xf32, #tpu.memory_space<vmem>>) dst(%dma_wait3A_148 : memref<10016x128xf32, #tpu.memory_space<vmem_shared>>)
      } else {
      }
      %add3A_103 = arith.constant 2 : i32
      %add3A_104 = arith.addi %add3A_81, %add3A_103 : i32
      %lt3A_105 = arith.constant 81 : i32
      %lt3A_106 = arith.cmpi slt, %add3A_104, %lt3A_105 : i32
      %convert_element_type3A_107 = arith.extui %lt3A_106 : i1 to i32
      %cond3A_108 = arith.constant 0 : i32
      %cond3A_109 = arith.cmpi ne, %convert_element_type3A_107, %cond3A_108 : i32
      scf.if %cond3A_109 {
        %add3A_142 = arith.constant 2 : i32
        %add3A_143 = arith.addi %add3A_81, %add3A_142 : i32
        %mul3A_144 = arith.constant 128 : i32
        %mul3A_145 = arith.muli %add3A_143, %mul3A_144 : i32
        %add3A_146 = arith.addi %mul3A_6, %mul3A_145 : i32
        %dma_start3A_147 = arith.constant 0 : i32
        %dma_start3A_148 = arith.constant 0 : i32
        %dma_start3A_149 = tpu.memref_slice %arg6[%dma_start3A_147, %dma_start3A_148] : memref<3x128xi32, #tpu.memory_space<vmem>> -> memref<1x128xi32, #tpu.memory_space<vmem>>
        %dma_start3A_150 = tpu.memref_squeeze %dma_start3A_149 : memref<1x128xi32, #tpu.memory_space<vmem>> -> memref<128xi32, #tpu.memory_space<vmem>>
        %dma_start3A_151 = tpu.memref_slice %arg2[%add3A_146] : memref<331904xi32, #tpu.memory_space<hbm>> -> memref<128xi32, #tpu.memory_space<hbm>>
        %dma_start3A_152 = arith.constant 0 : i32
        %dma_start3A_153 = tpu.memref_slice %arg6[%dma_start3A_147, %dma_start3A_152] : memref<3x128xi32, #tpu.memory_space<vmem>> -> memref<1x128xi32, #tpu.memory_space<vmem>>
        %dma_start3A_154 = tpu.memref_squeeze %dma_start3A_153 : memref<1x128xi32, #tpu.memory_space<vmem>> -> memref<128xi32, #tpu.memory_space<vmem>>
        %dma_start3A_155 = tpu.memref_slice %arg2[%add3A_146] : memref<331904xi32, #tpu.memory_space<hbm>> -> memref<128xi32, #tpu.memory_space<hbm>>
        tpu.enqueue_dma source(%dma_start3A_155 : memref<128xi32, #tpu.memory_space<hbm>>) target(%dma_start3A_154 : memref<128xi32, #tpu.memory_space<vmem>>) target_semaphore(%arg9 : memref<!tpu.dma_semaphore, #tpu.memory_space<semaphore_mem>>)
      } else {
      }
      %mul3A_110 = arith.constant 3 : i32
      %mul3A_111 = arith.muli %mul3A_110, %scan3A_47 : i32
      %add3A_112 = arith.constant 2 : i32
      %add3A_113 = arith.addi %mul3A_111, %add3A_112 : i32
      %dma_wait3A_114 = arith.constant 2 : i32
      %dma_wait3A_115 = arith.constant 0 : i32
      %dma_wait3A_116 = tpu.memref_slice %arg6[%dma_wait3A_114, %dma_wait3A_115] : memref<3x128xi32, #tpu.memory_space<vmem>> -> memref<1x128xi32, #tpu.memory_space<vmem>>
      %dma_wait3A_117 = tpu.memref_squeeze %dma_wait3A_116 : memref<1x128xi32, #tpu.memory_space<vmem>> -> memref<128xi32, #tpu.memory_space<vmem>>
      %dma_wait3A_118 = tpu.memref_slice %arg2[%mul3A_6] : memref<331904xi32, #tpu.memory_space<hbm>> -> memref<128xi32, #tpu.memory_space<hbm>>
      %dma_wait3A_119 = arith.constant 0 : i32
      %dma_wait3A_120 = tpu.memref_slice %arg6[%dma_wait3A_114, %dma_wait3A_119] : memref<3x128xi32, #tpu.memory_space<vmem>> -> memref<1x128xi32, #tpu.memory_space<vmem>>
      %dma_wait3A_121 = tpu.memref_squeeze %dma_wait3A_120 : memref<1x128xi32, #tpu.memory_space<vmem>> -> memref<128xi32, #tpu.memory_space<vmem>>
      %dma_wait3A_122 = tpu.memref_slice %arg2[%mul3A_6] : memref<331904xi32, #tpu.memory_space<hbm>> -> memref<128xi32, #tpu.memory_space<hbm>>
      tpu.wait_dma2 semaphore(%arg11 : memref<!tpu.dma_semaphore, #tpu.memory_space<semaphore_mem>>) src(%dma_wait3A_122 : memref<128xi32, #tpu.memory_space<hbm>>) dst(%dma_wait3A_121 : memref<128xi32, #tpu.memory_space<vmem>>)
      %dma_start3A_123 = arith.constant 2 : i32
      %dma_start3A_124 = arith.constant 0 : i32
      %dma_start3A_125 = tpu.memref_slice %arg6[%dma_start3A_123, %dma_start3A_124] : memref<3x128xi32, #tpu.memory_space<vmem>> -> memref<1x128xi32, #tpu.memory_space<vmem>>
      %dma_start3A_126 = tpu.memref_squeeze %dma_start3A_125 : memref<1x128xi32, #tpu.memory_space<vmem>> -> memref<128xi32, #tpu.memory_space<vmem>>
      %dma_start3A_127 = arith.constant 0 : i32
      %dma_start3A_128 = arith.constant 0 : i32
      %dma_start3A_129 = tpu.memref_slice %arg8[%dma_start3A_127, %dma_start3A_128] : memref<10016x128xf32, #tpu.memory_space<vmem_shared>> -> memref<10016x128xf32, #tpu.memory_space<vmem_shared>>
      tpu.enqueue_indirect_dma source(%arg7 : memref<128x128xf32, #tpu.memory_space<vmem>>) target(%dma_start3A_129 : memref<10016x128xf32, #tpu.memory_space<vmem_shared>>) offsets(%dma_start3A_126 : memref<128xi32, #tpu.memory_space<vmem>>) semaphore(%arg14 : memref<!tpu.dma_semaphore, #tpu.memory_space<semaphore_mem>>) {add = true}
      %ge3A_130 = arith.constant 1 : i32
      %ge3A_131 = arith.cmpi sge, %add3A_113, %ge3A_130 : i32
      %convert_element_type3A_132 = arith.extui %ge3A_131 : i1 to i32
      %cond3A_133 = arith.constant 0 : i32
      %cond3A_134 = arith.cmpi ne, %convert_element_type3A_132, %cond3A_133 : i32
      scf.if %cond3A_134 {
        %dma_wait3A_142 = arith.constant 1 : i32
        %dma_wait3A_143 = arith.constant 0 : i32
        %dma_wait3A_144 = tpu.memref_slice %arg6[%dma_wait3A_142, %dma_wait3A_143] : memref<3x128xi32, #tpu.memory_space<vmem>> -> memref<1x128xi32, #tpu.memory_space<vmem>>
        %dma_wait3A_145 = tpu.memref_squeeze %dma_wait3A_144 : memref<1x128xi32, #tpu.memory_space<vmem>> -> memref<128xi32, #tpu.memory_space<vmem>>
        %dma_wait3A_146 = arith.constant 0 : i32
        %dma_wait3A_147 = arith.constant 0 : i32
        %dma_wait3A_148 = tpu.memref_slice %arg8[%dma_wait3A_146, %dma_wait3A_147] : memref<10016x128xf32, #tpu.memory_space<vmem_shared>> -> memref<10016x128xf32, #tpu.memory_space<vmem_shared>>
        tpu.wait_indirect_dma semaphore(%arg13 : memref<!tpu.dma_semaphore, #tpu.memory_space<semaphore_mem>>) src(%arg7 : memref<128x128xf32, #tpu.memory_space<vmem>>) dst(%dma_wait3A_148 : memref<10016x128xf32, #tpu.memory_space<vmem_shared>>)
      } else {
      }
      %add3A_135 = arith.constant 2 : i32
      %add3A_136 = arith.addi %add3A_113, %add3A_135 : i32
      %lt3A_137 = arith.constant 81 : i32
      %lt3A_138 = arith.cmpi slt, %add3A_136, %lt3A_137 : i32
      %convert_element_type3A_139 = arith.extui %lt3A_138 : i1 to i32
      %cond3A_140 = arith.constant 0 : i32
      %cond3A_141 = arith.cmpi ne, %convert_element_type3A_139, %cond3A_140 : i32
      scf.if %cond3A_141 {
        %add3A_142 = arith.constant 2 : i32
        %add3A_143 = arith.addi %add3A_113, %add3A_142 : i32
        %mul3A_144 = arith.constant 128 : i32
        %mul3A_145 = arith.muli %add3A_143, %mul3A_144 : i32
        %add3A_146 = arith.addi %mul3A_6, %mul3A_145 : i32
        %dma_start3A_147 = arith.constant 1 : i32
        %dma_start3A_148 = arith.constant 0 : i32
        %dma_start3A_149 = tpu.memref_slice %arg6[%dma_start3A_147, %dma_start3A_148] : memref<3x128xi32, #tpu.memory_space<vmem>> -> memref<1x128xi32, #tpu.memory_space<vmem>>
        %dma_start3A_150 = tpu.memref_squeeze %dma_start3A_149 : memref<1x128xi32, #tpu.memory_space<vmem>> -> memref<128xi32, #tpu.memory_space<vmem>>
        %dma_start3A_151 = tpu.memref_slice %arg2[%add3A_146] : memref<331904xi32, #tpu.memory_space<hbm>> -> memref<128xi32, #tpu.memory_space<hbm>>
        %dma_start3A_152 = arith.constant 0 : i32
        %dma_start3A_153 = tpu.memref_slice %arg6[%dma_start3A_147, %dma_start3A_152] : memref<3x128xi32, #tpu.memory_space<vmem>> -> memref<1x128xi32, #tpu.memory_space<vmem>>
        %dma_start3A_154 = tpu.memref_squeeze %dma_start3A_153 : memref<1x128xi32, #tpu.memory_space<vmem>> -> memref<128xi32, #tpu.memory_space<vmem>>
        %dma_start3A_155 = tpu.memref_slice %arg2[%add3A_146] : memref<331904xi32, #tpu.memory_space<hbm>> -> memref<128xi32, #tpu.memory_space<hbm>>
        tpu.enqueue_dma source(%dma_start3A_155 : memref<128xi32, #tpu.memory_space<hbm>>) target(%dma_start3A_154 : memref<128xi32, #tpu.memory_space<vmem>>) target_semaphore(%arg10 : memref<!tpu.dma_semaphore, #tpu.memory_space<semaphore_mem>>)
      } else {
      }
    }
    %scan3A_32 = arith.constant 27 : i32
    %dma_wait3A = arith.constant 2 : i32
    %dma_wait3A_33 = arith.constant 0 : i32
    %dma_wait3A_34 = tpu.memref_slice %arg6[%dma_wait3A, %dma_wait3A_33] : memref<3x128xi32, #tpu.memory_space<vmem>> -> memref<1x128xi32, #tpu.memory_space<vmem>>
    %dma_wait3A_35 = tpu.memref_squeeze %dma_wait3A_34 : memref<1x128xi32, #tpu.memory_space<vmem>> -> memref<128xi32, #tpu.memory_space<vmem>>
    %dma_wait3A_36 = arith.constant 0 : i32
    %dma_wait3A_37 = arith.constant 0 : i32
    %dma_wait3A_38 = tpu.memref_slice %arg8[%dma_wait3A_36, %dma_wait3A_37] : memref<10016x128xf32, #tpu.memory_space<vmem_shared>> -> memref<10016x128xf32, #tpu.memory_space<vmem_shared>>
    tpu.wait_indirect_dma semaphore(%arg14 : memref<!tpu.dma_semaphore, #tpu.memory_space<semaphore_mem>>) src(%arg7 : memref<128x128xf32, #tpu.memory_space<vmem>>) dst(%dma_wait3A_38 : memref<10016x128xf32, #tpu.memory_space<vmem_shared>>)
    %barrier3A_39 = arith.constant 0 : index
    tpu.barrier barrier_id(%barrier3A_39)
    %mul3A_40 = arith.constant 624 : i32
    %mul3A_41 = arith.muli %arg1, %mul3A_40 : i32
    "tpu.region"() ({
      %run_scoped3A = tpu.sem_alloc : memref<!tpu.dma_semaphore, #tpu.memory_space<semaphore_mem>>
      %dma_start3A_47 = arith.constant 0 : i32
      %dma_start3A_48 = tpu.memref_slice %arg5[%arg0, %mul3A_41, %dma_start3A_47] : memref<2x10000x128xf32, #tpu.memory_space<hbm>> -> memref<1x624x128xf32, #tpu.memory_space<hbm>>
      %dma_start3A_49 = tpu.memref_squeeze %dma_start3A_48 : memref<1x624x128xf32, #tpu.memory_space<hbm>> -> memref<624x128xf32, #tpu.memory_space<hbm>>
      %dma_start3A_50 = arith.constant 0 : i32
      %dma_start3A_51 = tpu.memref_slice %arg8[%mul3A_41, %dma_start3A_50] : memref<10016x128xf32, #tpu.memory_space<vmem_shared>> -> memref<624x128xf32, #tpu.memory_space<vmem_shared>>
      tpu.enqueue_dma source(%dma_start3A_51 : memref<624x128xf32, #tpu.memory_space<vmem_shared>>) target(%dma_start3A_49 : memref<624x128xf32, #tpu.memory_space<hbm>>) target_semaphore(%run_scoped3A : memref<!tpu.dma_semaphore, #tpu.memory_space<semaphore_mem>>)
      %dma_wait3A_52 = arith.constant 0 : i32
      %dma_wait3A_53 = tpu.memref_slice %arg5[%arg0, %mul3A_41, %dma_wait3A_52] : memref<2x10000x128xf32, #tpu.memory_space<hbm>> -> memref<1x624x128xf32, #tpu.memory_space<hbm>>
      %dma_wait3A_54 = tpu.memref_squeeze %dma_wait3A_53 : memref<1x624x128xf32, #tpu.memory_space<hbm>> -> memref<624x128xf32, #tpu.memory_space<hbm>>
      %dma_wait3A_55 = arith.constant 0 : i32
      %dma_wait3A_56 = tpu.memref_slice %arg8[%mul3A_41, %dma_wait3A_55] : memref<10016x128xf32, #tpu.memory_space<vmem_shared>> -> memref<624x128xf32, #tpu.memory_space<vmem_shared>>
      tpu.wait_dma2 semaphore(%run_scoped3A : memref<!tpu.dma_semaphore, #tpu.memory_space<semaphore_mem>>) src(%dma_wait3A_56 : memref<624x128xf32, #tpu.memory_space<vmem_shared>>) dst(%dma_wait3A_54 : memref<624x128xf32, #tpu.memory_space<hbm>>)
      tpu.yield
    }) : () -> ()
    %eq3A_42 = arith.constant 15 : i32
    %eq3A_43 = arith.cmpi eq, %arg1, %eq3A_42 : i32
    %convert_element_type3A_44 = arith.extui %eq3A_43 : i1 to i32
    %cond3A_45 = arith.constant 0 : i32
    %cond3A_46 = arith.cmpi ne, %convert_element_type3A_44, %cond3A_45 : i32
    scf.if %cond3A_46 {
      "tpu.region"() ({
        %run_scoped3A = tpu.sem_alloc : memref<!tpu.dma_semaphore, #tpu.memory_space<semaphore_mem>>
        %dma_start3A_47 = arith.constant 9984 : i32
        %dma_start3A_48 = arith.constant 0 : i32
        %dma_start3A_49 = tpu.memref_slice %arg5[%arg0, %dma_start3A_47, %dma_start3A_48] : memref<2x10000x128xf32, #tpu.memory_space<hbm>> -> memref<1x16x128xf32, #tpu.memory_space<hbm>>
        %dma_start3A_50 = tpu.memref_squeeze %dma_start3A_49 : memref<1x16x128xf32, #tpu.memory_space<hbm>> -> memref<16x128xf32, #tpu.memory_space<hbm>>
        %dma_start3A_51 = arith.constant 9984 : i32
        %dma_start3A_52 = arith.constant 0 : i32
        %dma_start3A_53 = tpu.memref_slice %arg8[%dma_start3A_51, %dma_start3A_52] : memref<10016x128xf32, #tpu.memory_space<vmem_shared>> -> memref<16x128xf32, #tpu.memory_space<vmem_shared>>
        tpu.enqueue_dma source(%dma_start3A_53 : memref<16x128xf32, #tpu.memory_space<vmem_shared>>) target(%dma_start3A_50 : memref<16x128xf32, #tpu.memory_space<hbm>>) target_semaphore(%run_scoped3A : memref<!tpu.dma_semaphore, #tpu.memory_space<semaphore_mem>>)
        %dma_wait3A_54 = arith.constant 9984 : i32
        %dma_wait3A_55 = arith.constant 0 : i32
        %dma_wait3A_56 = tpu.memref_slice %arg5[%arg0, %dma_wait3A_54, %dma_wait3A_55] : memref<2x10000x128xf32, #tpu.memory_space<hbm>> -> memref<1x16x128xf32, #tpu.memory_space<hbm>>
        %dma_wait3A_57 = tpu.memref_squeeze %dma_wait3A_56 : memref<1x16x128xf32, #tpu.memory_space<hbm>> -> memref<16x128xf32, #tpu.memory_space<hbm>>
        %dma_wait3A_58 = arith.constant 9984 : i32
        %dma_wait3A_59 = arith.constant 0 : i32
        %dma_wait3A_60 = tpu.memref_slice %arg8[%dma_wait3A_58, %dma_wait3A_59] : memref<10016x128xf32, #tpu.memory_space<vmem_shared>> -> memref<16x128xf32, #tpu.memory_space<vmem_shared>>
        tpu.wait_dma2 semaphore(%run_scoped3A : memref<!tpu.dma_semaphore, #tpu.memory_space<semaphore_mem>>) src(%dma_wait3A_60 : memref<16x128xf32, #tpu.memory_space<vmem_shared>>) dst(%dma_wait3A_57 : memref<16x128xf32, #tpu.memory_space<hbm>>)
        tpu.yield
      }) : () -> ()
    } else {
    }
    return
  }
}

#map = affine_map<(d0, d1) -> (0)>
#map1 = affine_map<(d0, d1) -> (0, 0)>
#map2 = affine_map<(d0, d1) -> (0, 0, 0)>
module attributes {stable_mosaic.version = 14 : i64} {
  func.func @scat_kernel(%arg0: i32, %arg1: i32, %arg2: memref<331904xi32, #tpu.memory_space<hbm>>, %arg3: memref<331904xi32, #tpu.memory_space<hbm>>, %arg4: memref<10000x128xf32, #tpu.memory_space<hbm>>, %arg5: memref<10016x128xf32, #tpu.memory_space<hbm>>, %arg6: memref<2x10000x128xf32, #tpu.memory_space<hbm>>, %arg7: memref<2x128xi32, #tpu.memory_space<vmem>>, %arg8: memref<2x128xi32, #tpu.memory_space<vmem>>, %arg9: memref<2x128x128xf32, #tpu.memory_space<vmem>>, %arg10: memref<10016x128xf32, #tpu.memory_space<vmem_shared>>, %arg11: memref<!tpu.dma_semaphore, #tpu.memory_space<semaphore_mem>>, %arg12: memref<!tpu.dma_semaphore, #tpu.memory_space<semaphore_mem>>, %arg13: memref<!tpu.dma_semaphore, #tpu.memory_space<semaphore_mem>>, %arg14: memref<!tpu.dma_semaphore, #tpu.memory_space<semaphore_mem>>) attributes {dimension_semantics = [#tpu.dimension_semantics<core_parallel>, #tpu.dimension_semantics<subcore_parallel>], iteration_bounds = array<i64: 2, 16>, scalar_prefetch = 0 : i64, scratch_operands = 8 : i64, tpu.core_type = #tpu.core_type<sc_vector_subcore>, window_params = [{transform_indices = #map}, {transform_indices = #map}, {transform_indices = #map1}, {transform_indices = #map1}, {transform_indices = #map2}]} {
    %mul3A = arith.constant 624 : i32
    %mul3A_0 = arith.muli %arg1, %mul3A : i32
    "tpu.region"() ({
      %run_scoped3A_119 = tpu.sem_alloc : memref<!tpu.dma_semaphore, #tpu.memory_space<semaphore_mem>>
      %dma_start3A_120 = arith.constant 0 : i32
      %dma_start3A_121 = tpu.memref_slice %arg10[%mul3A_0, %dma_start3A_120] : memref<10016x128xf32, #tpu.memory_space<vmem_shared>> -> memref<624x128xf32, #tpu.memory_space<vmem_shared>>
      %dma_start3A_122 = arith.constant 0 : i32
      %dma_start3A_123 = tpu.memref_slice %arg5[%mul3A_0, %dma_start3A_122] : memref<10016x128xf32, #tpu.memory_space<hbm>> -> memref<624x128xf32, #tpu.memory_space<hbm>>
      tpu.enqueue_dma source(%dma_start3A_123 : memref<624x128xf32, #tpu.memory_space<hbm>>) target(%dma_start3A_121 : memref<624x128xf32, #tpu.memory_space<vmem_shared>>) target_semaphore(%run_scoped3A_119 : memref<!tpu.dma_semaphore, #tpu.memory_space<semaphore_mem>>)
      %dma_wait3A_124 = arith.constant 0 : i32
      %dma_wait3A_125 = tpu.memref_slice %arg10[%mul3A_0, %dma_wait3A_124] : memref<10016x128xf32, #tpu.memory_space<vmem_shared>> -> memref<624x128xf32, #tpu.memory_space<vmem_shared>>
      %dma_wait3A_126 = arith.constant 0 : i32
      %dma_wait3A_127 = tpu.memref_slice %arg5[%mul3A_0, %dma_wait3A_126] : memref<10016x128xf32, #tpu.memory_space<hbm>> -> memref<624x128xf32, #tpu.memory_space<hbm>>
      tpu.wait_dma2 semaphore(%run_scoped3A_119 : memref<!tpu.dma_semaphore, #tpu.memory_space<semaphore_mem>>) src(%dma_wait3A_127 : memref<624x128xf32, #tpu.memory_space<hbm>>) dst(%dma_wait3A_125 : memref<624x128xf32, #tpu.memory_space<vmem_shared>>)
      tpu.yield
    }) : () -> ()
    %eq3A = arith.constant 15 : i32
    %eq3A_1 = arith.cmpi eq, %arg1, %eq3A : i32
    %convert_element_type3A = arith.extui %eq3A_1 : i1 to i32
    %cond3A = arith.constant 0 : i32
    %cond3A_2 = arith.cmpi ne, %convert_element_type3A, %cond3A : i32
    scf.if %cond3A_2 {
      "tpu.region"() ({
        %run_scoped3A_119 = tpu.sem_alloc : memref<!tpu.dma_semaphore, #tpu.memory_space<semaphore_mem>>
        %dma_start3A_120 = arith.constant 9984 : i32
        %dma_start3A_121 = arith.constant 0 : i32
        %dma_start3A_122 = tpu.memref_slice %arg10[%dma_start3A_120, %dma_start3A_121] : memref<10016x128xf32, #tpu.memory_space<vmem_shared>> -> memref<32x128xf32, #tpu.memory_space<vmem_shared>>
        %dma_start3A_123 = arith.constant 9984 : i32
        %dma_start3A_124 = arith.constant 0 : i32
        %dma_start3A_125 = tpu.memref_slice %arg5[%dma_start3A_123, %dma_start3A_124] : memref<10016x128xf32, #tpu.memory_space<hbm>> -> memref<32x128xf32, #tpu.memory_space<hbm>>
        tpu.enqueue_dma source(%dma_start3A_125 : memref<32x128xf32, #tpu.memory_space<hbm>>) target(%dma_start3A_122 : memref<32x128xf32, #tpu.memory_space<vmem_shared>>) target_semaphore(%run_scoped3A_119 : memref<!tpu.dma_semaphore, #tpu.memory_space<semaphore_mem>>)
        %dma_wait3A_126 = arith.constant 9984 : i32
        %dma_wait3A_127 = arith.constant 0 : i32
        %dma_wait3A_128 = tpu.memref_slice %arg10[%dma_wait3A_126, %dma_wait3A_127] : memref<10016x128xf32, #tpu.memory_space<vmem_shared>> -> memref<32x128xf32, #tpu.memory_space<vmem_shared>>
        %dma_wait3A_129 = arith.constant 9984 : i32
        %dma_wait3A_130 = arith.constant 0 : i32
        %dma_wait3A_131 = tpu.memref_slice %arg5[%dma_wait3A_129, %dma_wait3A_130] : memref<10016x128xf32, #tpu.memory_space<hbm>> -> memref<32x128xf32, #tpu.memory_space<hbm>>
        tpu.wait_dma2 semaphore(%run_scoped3A_119 : memref<!tpu.dma_semaphore, #tpu.memory_space<semaphore_mem>>) src(%dma_wait3A_131 : memref<32x128xf32, #tpu.memory_space<hbm>>) dst(%dma_wait3A_128 : memref<32x128xf32, #tpu.memory_space<vmem_shared>>)
        tpu.yield
      }) : () -> ()
    } else {
    }
    %mul3A_3 = arith.constant 2 : i32
    %mul3A_4 = arith.muli %arg1, %mul3A_3 : i32
    %add3A = arith.addi %mul3A_4, %arg0 : i32
    %mul3A_5 = arith.constant 10368 : i32
    %mul3A_6 = arith.muli %add3A, %mul3A_5 : i32
    %add3A_7 = arith.constant 0 : i32
    %add3A_8 = arith.addi %mul3A_6, %add3A_7 : i32
    %dma_start3A = arith.constant 0 : i32
    %dma_start3A_9 = arith.constant 0 : i32
    %dma_start3A_10 = tpu.memref_slice %arg7[%dma_start3A, %dma_start3A_9] : memref<2x128xi32, #tpu.memory_space<vmem>> -> memref<1x128xi32, #tpu.memory_space<vmem>>
    %dma_start3A_11 = tpu.memref_squeeze %dma_start3A_10 : memref<1x128xi32, #tpu.memory_space<vmem>> -> memref<128xi32, #tpu.memory_space<vmem>>
    %dma_start3A_12 = tpu.memref_slice %arg2[%add3A_8] : memref<331904xi32, #tpu.memory_space<hbm>> -> memref<128xi32, #tpu.memory_space<hbm>>
    %dma_start3A_13 = arith.constant 0 : i32
    %dma_start3A_14 = tpu.memref_slice %arg7[%dma_start3A, %dma_start3A_13] : memref<2x128xi32, #tpu.memory_space<vmem>> -> memref<1x128xi32, #tpu.memory_space<vmem>>
    %dma_start3A_15 = tpu.memref_squeeze %dma_start3A_14 : memref<1x128xi32, #tpu.memory_space<vmem>> -> memref<128xi32, #tpu.memory_space<vmem>>
    %dma_start3A_16 = tpu.memref_slice %arg2[%add3A_8] : memref<331904xi32, #tpu.memory_space<hbm>> -> memref<128xi32, #tpu.memory_space<hbm>>
    tpu.enqueue_dma source(%dma_start3A_16 : memref<128xi32, #tpu.memory_space<hbm>>) target(%dma_start3A_15 : memref<128xi32, #tpu.memory_space<vmem>>) target_semaphore(%arg13 : memref<!tpu.dma_semaphore, #tpu.memory_space<semaphore_mem>>)
    %dma_start3A_17 = arith.constant 0 : i32
    %dma_start3A_18 = arith.constant 0 : i32
    %dma_start3A_19 = tpu.memref_slice %arg8[%dma_start3A_17, %dma_start3A_18] : memref<2x128xi32, #tpu.memory_space<vmem>> -> memref<1x128xi32, #tpu.memory_space<vmem>>
    %dma_start3A_20 = tpu.memref_squeeze %dma_start3A_19 : memref<1x128xi32, #tpu.memory_space<vmem>> -> memref<128xi32, #tpu.memory_space<vmem>>
    %dma_start3A_21 = tpu.memref_slice %arg3[%add3A_8] : memref<331904xi32, #tpu.memory_space<hbm>> -> memref<128xi32, #tpu.memory_space<hbm>>
    %dma_start3A_22 = arith.constant 0 : i32
    %dma_start3A_23 = tpu.memref_slice %arg8[%dma_start3A_17, %dma_start3A_22] : memref<2x128xi32, #tpu.memory_space<vmem>> -> memref<1x128xi32, #tpu.memory_space<vmem>>
    %dma_start3A_24 = tpu.memref_squeeze %dma_start3A_23 : memref<1x128xi32, #tpu.memory_space<vmem>> -> memref<128xi32, #tpu.memory_space<vmem>>
    %dma_start3A_25 = tpu.memref_slice %arg3[%add3A_8] : memref<331904xi32, #tpu.memory_space<hbm>> -> memref<128xi32, #tpu.memory_space<hbm>>
    tpu.enqueue_dma source(%dma_start3A_25 : memref<128xi32, #tpu.memory_space<hbm>>) target(%dma_start3A_24 : memref<128xi32, #tpu.memory_space<vmem>>) target_semaphore(%arg13 : memref<!tpu.dma_semaphore, #tpu.memory_space<semaphore_mem>>)
    %add3A_26 = arith.constant 128 : i32
    %add3A_27 = arith.addi %mul3A_6, %add3A_26 : i32
    %dma_start3A_28 = arith.constant 1 : i32
    %dma_start3A_29 = arith.constant 0 : i32
    %dma_start3A_30 = tpu.memref_slice %arg7[%dma_start3A_28, %dma_start3A_29] : memref<2x128xi32, #tpu.memory_space<vmem>> -> memref<1x128xi32, #tpu.memory_space<vmem>>
    %dma_start3A_31 = tpu.memref_squeeze %dma_start3A_30 : memref<1x128xi32, #tpu.memory_space<vmem>> -> memref<128xi32, #tpu.memory_space<vmem>>
    %dma_start3A_32 = tpu.memref_slice %arg2[%add3A_27] : memref<331904xi32, #tpu.memory_space<hbm>> -> memref<128xi32, #tpu.memory_space<hbm>>
    %dma_start3A_33 = arith.constant 0 : i32
    %dma_start3A_34 = tpu.memref_slice %arg7[%dma_start3A_28, %dma_start3A_33] : memref<2x128xi32, #tpu.memory_space<vmem>> -> memref<1x128xi32, #tpu.memory_space<vmem>>
    %dma_start3A_35 = tpu.memref_squeeze %dma_start3A_34 : memref<1x128xi32, #tpu.memory_space<vmem>> -> memref<128xi32, #tpu.memory_space<vmem>>
    %dma_start3A_36 = tpu.memref_slice %arg2[%add3A_27] : memref<331904xi32, #tpu.memory_space<hbm>> -> memref<128xi32, #tpu.memory_space<hbm>>
    tpu.enqueue_dma source(%dma_start3A_36 : memref<128xi32, #tpu.memory_space<hbm>>) target(%dma_start3A_35 : memref<128xi32, #tpu.memory_space<vmem>>) target_semaphore(%arg14 : memref<!tpu.dma_semaphore, #tpu.memory_space<semaphore_mem>>)
    %dma_start3A_37 = arith.constant 1 : i32
    %dma_start3A_38 = arith.constant 0 : i32
    %dma_start3A_39 = tpu.memref_slice %arg8[%dma_start3A_37, %dma_start3A_38] : memref<2x128xi32, #tpu.memory_space<vmem>> -> memref<1x128xi32, #tpu.memory_space<vmem>>
    %dma_start3A_40 = tpu.memref_squeeze %dma_start3A_39 : memref<1x128xi32, #tpu.memory_space<vmem>> -> memref<128xi32, #tpu.memory_space<vmem>>
    %dma_start3A_41 = tpu.memref_slice %arg3[%add3A_27] : memref<331904xi32, #tpu.memory_space<hbm>> -> memref<128xi32, #tpu.memory_space<hbm>>
    %dma_start3A_42 = arith.constant 0 : i32
    %dma_start3A_43 = tpu.memref_slice %arg8[%dma_start3A_37, %dma_start3A_42] : memref<2x128xi32, #tpu.memory_space<vmem>> -> memref<1x128xi32, #tpu.memory_space<vmem>>
    %dma_start3A_44 = tpu.memref_squeeze %dma_start3A_43 : memref<1x128xi32, #tpu.memory_space<vmem>> -> memref<128xi32, #tpu.memory_space<vmem>>
    %dma_start3A_45 = tpu.memref_slice %arg3[%add3A_27] : memref<331904xi32, #tpu.memory_space<hbm>> -> memref<128xi32, #tpu.memory_space<hbm>>
    tpu.enqueue_dma source(%dma_start3A_45 : memref<128xi32, #tpu.memory_space<hbm>>) target(%dma_start3A_44 : memref<128xi32, #tpu.memory_space<vmem>>) target_semaphore(%arg14 : memref<!tpu.dma_semaphore, #tpu.memory_space<semaphore_mem>>)
    %barrier3A = arith.constant 0 : index
    tpu.barrier barrier_id(%barrier3A)
    %dma_wait3A = arith.constant 0 : i32
    %dma_wait3A_46 = arith.constant 0 : i32
    %dma_wait3A_47 = tpu.memref_slice %arg7[%dma_wait3A, %dma_wait3A_46] : memref<2x128xi32, #tpu.memory_space<vmem>> -> memref<1x128xi32, #tpu.memory_space<vmem>>
    %dma_wait3A_48 = tpu.memref_squeeze %dma_wait3A_47 : memref<1x128xi32, #tpu.memory_space<vmem>> -> memref<128xi32, #tpu.memory_space<vmem>>
    %dma_wait3A_49 = tpu.memref_slice %arg2[%mul3A_6] : memref<331904xi32, #tpu.memory_space<hbm>> -> memref<128xi32, #tpu.memory_space<hbm>>
    %dma_wait3A_50 = arith.constant 0 : i32
    %dma_wait3A_51 = tpu.memref_slice %arg7[%dma_wait3A, %dma_wait3A_50] : memref<2x128xi32, #tpu.memory_space<vmem>> -> memref<1x128xi32, #tpu.memory_space<vmem>>
    %dma_wait3A_52 = tpu.memref_squeeze %dma_wait3A_51 : memref<1x128xi32, #tpu.memory_space<vmem>> -> memref<128xi32, #tpu.memory_space<vmem>>
    %dma_wait3A_53 = tpu.memref_slice %arg2[%mul3A_6] : memref<331904xi32, #tpu.memory_space<hbm>> -> memref<128xi32, #tpu.memory_space<hbm>>
    tpu.wait_dma2 semaphore(%arg13 : memref<!tpu.dma_semaphore, #tpu.memory_space<semaphore_mem>>) src(%dma_wait3A_53 : memref<128xi32, #tpu.memory_space<hbm>>) dst(%dma_wait3A_52 : memref<128xi32, #tpu.memory_space<vmem>>)
    %dma_wait3A_54 = arith.constant 0 : i32
    %dma_wait3A_55 = arith.constant 0 : i32
    %dma_wait3A_56 = tpu.memref_slice %arg8[%dma_wait3A_54, %dma_wait3A_55] : memref<2x128xi32, #tpu.memory_space<vmem>> -> memref<1x128xi32, #tpu.memory_space<vmem>>
    %dma_wait3A_57 = tpu.memref_squeeze %dma_wait3A_56 : memref<1x128xi32, #tpu.memory_space<vmem>> -> memref<128xi32, #tpu.memory_space<vmem>>
    %dma_wait3A_58 = tpu.memref_slice %arg3[%mul3A_6] : memref<331904xi32, #tpu.memory_space<hbm>> -> memref<128xi32, #tpu.memory_space<hbm>>
    %dma_wait3A_59 = arith.constant 0 : i32
    %dma_wait3A_60 = tpu.memref_slice %arg8[%dma_wait3A_54, %dma_wait3A_59] : memref<2x128xi32, #tpu.memory_space<vmem>> -> memref<1x128xi32, #tpu.memory_space<vmem>>
    %dma_wait3A_61 = tpu.memref_squeeze %dma_wait3A_60 : memref<1x128xi32, #tpu.memory_space<vmem>> -> memref<128xi32, #tpu.memory_space<vmem>>
    %dma_wait3A_62 = tpu.memref_slice %arg3[%mul3A_6] : memref<331904xi32, #tpu.memory_space<hbm>> -> memref<128xi32, #tpu.memory_space<hbm>>
    tpu.wait_dma2 semaphore(%arg13 : memref<!tpu.dma_semaphore, #tpu.memory_space<semaphore_mem>>) src(%dma_wait3A_62 : memref<128xi32, #tpu.memory_space<hbm>>) dst(%dma_wait3A_61 : memref<128xi32, #tpu.memory_space<vmem>>)
    %dma_start3A_63 = arith.constant 0 : i32
    %dma_start3A_64 = arith.constant 0 : i32
    %dma_start3A_65 = arith.constant 0 : i32
    %dma_start3A_66 = arith.constant 0 : i32
    %dma_start3A_67 = tpu.memref_slice %arg9[%dma_start3A_64, %dma_start3A_65, %dma_start3A_66] : memref<2x128x128xf32, #tpu.memory_space<vmem>> -> memref<1x128x128xf32, #tpu.memory_space<vmem>>
    %dma_start3A_68 = tpu.memref_squeeze %dma_start3A_67 : memref<1x128x128xf32, #tpu.memory_space<vmem>> -> memref<128x128xf32, #tpu.memory_space<vmem>>
    %dma_start3A_69 = arith.constant 0 : i32
    %dma_start3A_70 = tpu.memref_slice %arg7[%dma_start3A_63, %dma_start3A_69] : memref<2x128xi32, #tpu.memory_space<vmem>> -> memref<1x128xi32, #tpu.memory_space<vmem>>
    %dma_start3A_71 = tpu.memref_squeeze %dma_start3A_70 : memref<1x128xi32, #tpu.memory_space<vmem>> -> memref<128xi32, #tpu.memory_space<vmem>>
    %dma_start3A_72 = arith.constant 0 : i32
    %dma_start3A_73 = arith.constant 0 : i32
    %dma_start3A_74 = tpu.memref_slice %arg4[%dma_start3A_72, %dma_start3A_73] : memref<10000x128xf32, #tpu.memory_space<hbm>> -> memref<10000x128xf32, #tpu.memory_space<hbm>>
    tpu.enqueue_indirect_dma source(%dma_start3A_74 : memref<10000x128xf32, #tpu.memory_space<hbm>>) target(%dma_start3A_68 : memref<128x128xf32, #tpu.memory_space<vmem>>) offsets(%dma_start3A_71 : memref<128xi32, #tpu.memory_space<vmem>>) semaphore(%arg11 : memref<!tpu.dma_semaphore, #tpu.memory_space<semaphore_mem>>)
    %scan3A = arith.constant 0 : i32
    %scan3A_75 = arith.constant 0 : i32
    %scan3A_76 = arith.constant 40 : i32
    %scan3A_77 = arith.addi %scan3A_75, %scan3A_76 : i32
    %scan3A_78 = arith.constant 1 : i32
    scf.for %scan3A_119 = %scan3A_75 to %scan3A_77 step %scan3A_78  : i32 {
      %mul3A_120 = arith.constant 2 : i32
      %mul3A_121 = arith.muli %mul3A_120, %scan3A_119 : i32
      %dma_wait3A_122 = arith.constant 1 : i32
      %dma_wait3A_123 = arith.constant 0 : i32
      %dma_wait3A_124 = tpu.memref_slice %arg7[%dma_wait3A_122, %dma_wait3A_123] : memref<2x128xi32, #tpu.memory_space<vmem>> -> memref<1x128xi32, #tpu.memory_space<vmem>>
      %dma_wait3A_125 = tpu.memref_squeeze %dma_wait3A_124 : memref<1x128xi32, #tpu.memory_space<vmem>> -> memref<128xi32, #tpu.memory_space<vmem>>
      %dma_wait3A_126 = tpu.memref_slice %arg2[%mul3A_6] : memref<331904xi32, #tpu.memory_space<hbm>> -> memref<128xi32, #tpu.memory_space<hbm>>
      %dma_wait3A_127 = arith.constant 0 : i32
      %dma_wait3A_128 = tpu.memref_slice %arg7[%dma_wait3A_122, %dma_wait3A_127] : memref<2x128xi32, #tpu.memory_space<vmem>> -> memref<1x128xi32, #tpu.memory_space<vmem>>
      %dma_wait3A_129 = tpu.memref_squeeze %dma_wait3A_128 : memref<1x128xi32, #tpu.memory_space<vmem>> -> memref<128xi32, #tpu.memory_space<vmem>>
      %dma_wait3A_130 = tpu.memref_slice %arg2[%mul3A_6] : memref<331904xi32, #tpu.memory_space<hbm>> -> memref<128xi32, #tpu.memory_space<hbm>>
      tpu.wait_dma2 semaphore(%arg14 : memref<!tpu.dma_semaphore, #tpu.memory_space<semaphore_mem>>) src(%dma_wait3A_130 : memref<128xi32, #tpu.memory_space<hbm>>) dst(%dma_wait3A_129 : memref<128xi32, #tpu.memory_space<vmem>>)
      %dma_wait3A_131 = arith.constant 1 : i32
      %dma_wait3A_132 = arith.constant 0 : i32
      %dma_wait3A_133 = tpu.memref_slice %arg8[%dma_wait3A_131, %dma_wait3A_132] : memref<2x128xi32, #tpu.memory_space<vmem>> -> memref<1x128xi32, #tpu.memory_space<vmem>>
      %dma_wait3A_134 = tpu.memref_squeeze %dma_wait3A_133 : memref<1x128xi32, #tpu.memory_space<vmem>> -> memref<128xi32, #tpu.memory_space<vmem>>
      %dma_wait3A_135 = tpu.memref_slice %arg3[%mul3A_6] : memref<331904xi32, #tpu.memory_space<hbm>> -> memref<128xi32, #tpu.memory_space<hbm>>
      %dma_wait3A_136 = arith.constant 0 : i32
      %dma_wait3A_137 = tpu.memref_slice %arg8[%dma_wait3A_131, %dma_wait3A_136] : memref<2x128xi32, #tpu.memory_space<vmem>> -> memref<1x128xi32, #tpu.memory_space<vmem>>
      %dma_wait3A_138 = tpu.memref_squeeze %dma_wait3A_137 : memref<1x128xi32, #tpu.memory_space<vmem>> -> memref<128xi32, #tpu.memory_space<vmem>>
      %dma_wait3A_139 = tpu.memref_slice %arg3[%mul3A_6] : memref<331904xi32, #tpu.memory_space<hbm>> -> memref<128xi32, #tpu.memory_space<hbm>>
      tpu.wait_dma2 semaphore(%arg14 : memref<!tpu.dma_semaphore, #tpu.memory_space<semaphore_mem>>) src(%dma_wait3A_139 : memref<128xi32, #tpu.memory_space<hbm>>) dst(%dma_wait3A_138 : memref<128xi32, #tpu.memory_space<vmem>>)
      %dma_start3A_140 = arith.constant 1 : i32
      %dma_start3A_141 = arith.constant 1 : i32
      %dma_start3A_142 = arith.constant 0 : i32
      %dma_start3A_143 = arith.constant 0 : i32
      %dma_start3A_144 = tpu.memref_slice %arg9[%dma_start3A_141, %dma_start3A_142, %dma_start3A_143] : memref<2x128x128xf32, #tpu.memory_space<vmem>> -> memref<1x128x128xf32, #tpu.memory_space<vmem>>
      %dma_start3A_145 = tpu.memref_squeeze %dma_start3A_144 : memref<1x128x128xf32, #tpu.memory_space<vmem>> -> memref<128x128xf32, #tpu.memory_space<vmem>>
      %dma_start3A_146 = arith.constant 0 : i32
      %dma_start3A_147 = tpu.memref_slice %arg7[%dma_start3A_140, %dma_start3A_146] : memref<2x128xi32, #tpu.memory_space<vmem>> -> memref<1x128xi32, #tpu.memory_space<vmem>>
      %dma_start3A_148 = tpu.memref_squeeze %dma_start3A_147 : memref<1x128xi32, #tpu.memory_space<vmem>> -> memref<128xi32, #tpu.memory_space<vmem>>
      %dma_start3A_149 = arith.constant 0 : i32
      %dma_start3A_150 = arith.constant 0 : i32
      %dma_start3A_151 = tpu.memref_slice %arg4[%dma_start3A_149, %dma_start3A_150] : memref<10000x128xf32, #tpu.memory_space<hbm>> -> memref<10000x128xf32, #tpu.memory_space<hbm>>
      tpu.enqueue_indirect_dma source(%dma_start3A_151 : memref<10000x128xf32, #tpu.memory_space<hbm>>) target(%dma_start3A_145 : memref<128x128xf32, #tpu.memory_space<vmem>>) offsets(%dma_start3A_148 : memref<128xi32, #tpu.memory_space<vmem>>) semaphore(%arg12 : memref<!tpu.dma_semaphore, #tpu.memory_space<semaphore_mem>>)
      %dma_wait3A_152 = arith.constant 0 : i32
      %dma_wait3A_153 = arith.constant 0 : i32
      %dma_wait3A_154 = arith.constant 0 : i32
      %dma_wait3A_155 = arith.constant 0 : i32
      %dma_wait3A_156 = tpu.memref_slice %arg9[%dma_wait3A_153, %dma_wait3A_154, %dma_wait3A_155] : memref<2x128x128xf32, #tpu.memory_space<vmem>> -> memref<1x128x128xf32, #tpu.memory_space<vmem>>
      %dma_wait3A_157 = tpu.memref_squeeze %dma_wait3A_156 : memref<1x128x128xf32, #tpu.memory_space<vmem>> -> memref<128x128xf32, #tpu.memory_space<vmem>>
      %dma_wait3A_158 = arith.constant 0 : i32
      %dma_wait3A_159 = tpu.memref_slice %arg7[%dma_wait3A_152, %dma_wait3A_158] : memref<2x128xi32, #tpu.memory_space<vmem>> -> memref<1x128xi32, #tpu.memory_space<vmem>>
      %dma_wait3A_160 = tpu.memref_squeeze %dma_wait3A_159 : memref<1x128xi32, #tpu.memory_space<vmem>> -> memref<128xi32, #tpu.memory_space<vmem>>
      %dma_wait3A_161 = arith.constant 0 : i32
      %dma_wait3A_162 = arith.constant 0 : i32
      %dma_wait3A_163 = tpu.memref_slice %arg4[%dma_wait3A_161, %dma_wait3A_162] : memref<10000x128xf32, #tpu.memory_space<hbm>> -> memref<10000x128xf32, #tpu.memory_space<hbm>>
      tpu.wait_indirect_dma semaphore(%arg11 : memref<!tpu.dma_semaphore, #tpu.memory_space<semaphore_mem>>) src(%dma_wait3A_163 : memref<10000x128xf32, #tpu.memory_space<hbm>>) dst(%dma_wait3A_157 : memref<128x128xf32, #tpu.memory_space<vmem>>)
      %run_scoped3A_164 = arith.constant 0 : i32
      %run_scoped3A_165 = arith.constant 0 : i32
      "tpu.region"() ({
        %run_scoped3A_260 = tpu.sem_alloc : memref<!tpu.dma_semaphore, #tpu.memory_space<semaphore_mem>>
        %dma_start3A_261 = arith.constant 0 : i32
        %dma_start3A_262 = arith.constant 0 : i32
        %dma_start3A_263 = tpu.memref_slice %arg9[%run_scoped3A_164, %dma_start3A_261, %dma_start3A_262] : memref<2x128x128xf32, #tpu.memory_space<vmem>> -> memref<1x128x128xf32, #tpu.memory_space<vmem>>
        %dma_start3A_264 = tpu.memref_squeeze %dma_start3A_263 : memref<1x128x128xf32, #tpu.memory_space<vmem>> -> memref<128x128xf32, #tpu.memory_space<vmem>>
        %dma_start3A_265 = arith.constant 0 : i32
        %dma_start3A_266 = tpu.memref_slice %arg8[%run_scoped3A_165, %dma_start3A_265] : memref<2x128xi32, #tpu.memory_space<vmem>> -> memref<1x128xi32, #tpu.memory_space<vmem>>
        %dma_start3A_267 = tpu.memref_squeeze %dma_start3A_266 : memref<1x128xi32, #tpu.memory_space<vmem>> -> memref<128xi32, #tpu.memory_space<vmem>>
        %dma_start3A_268 = arith.constant 0 : i32
        %dma_start3A_269 = arith.constant 0 : i32
        %dma_start3A_270 = tpu.memref_slice %arg10[%dma_start3A_268, %dma_start3A_269] : memref<10016x128xf32, #tpu.memory_space<vmem_shared>> -> memref<10016x128xf32, #tpu.memory_space<vmem_shared>>
        tpu.enqueue_indirect_dma source(%dma_start3A_264 : memref<128x128xf32, #tpu.memory_space<vmem>>) target(%dma_start3A_270 : memref<10016x128xf32, #tpu.memory_space<vmem_shared>>) offsets(%dma_start3A_267 : memref<128xi32, #tpu.memory_space<vmem>>) semaphore(%run_scoped3A_260 : memref<!tpu.dma_semaphore, #tpu.memory_space<semaphore_mem>>) {add = true}
        %dma_wait3A_271 = arith.constant 0 : i32
        %dma_wait3A_272 = arith.constant 0 : i32
        %dma_wait3A_273 = tpu.memref_slice %arg9[%run_scoped3A_164, %dma_wait3A_271, %dma_wait3A_272] : memref<2x128x128xf32, #tpu.memory_space<vmem>> -> memref<1x128x128xf32, #tpu.memory_space<vmem>>
        %dma_wait3A_274 = tpu.memref_squeeze %dma_wait3A_273 : memref<1x128x128xf32, #tpu.memory_space<vmem>> -> memref<128x128xf32, #tpu.memory_space<vmem>>
        %dma_wait3A_275 = arith.constant 0 : i32
        %dma_wait3A_276 = tpu.memref_slice %arg8[%run_scoped3A_165, %dma_wait3A_275] : memref<2x128xi32, #tpu.memory_space<vmem>> -> memref<1x128xi32, #tpu.memory_space<vmem>>
        %dma_wait3A_277 = tpu.memref_squeeze %dma_wait3A_276 : memref<1x128xi32, #tpu.memory_space<vmem>> -> memref<128xi32, #tpu.memory_space<vmem>>
        %dma_wait3A_278 = arith.constant 0 : i32
        %dma_wait3A_279 = arith.constant 0 : i32
        %dma_wait3A_280 = tpu.memref_slice %arg10[%dma_wait3A_278, %dma_wait3A_279] : memref<10016x128xf32, #tpu.memory_space<vmem_shared>> -> memref<10016x128xf32, #tpu.memory_space<vmem_shared>>
        tpu.wait_indirect_dma semaphore(%run_scoped3A_260 : memref<!tpu.dma_semaphore, #tpu.memory_space<semaphore_mem>>) src(%dma_wait3A_274 : memref<128x128xf32, #tpu.memory_space<vmem>>) dst(%dma_wait3A_280 : memref<10016x128xf32, #tpu.memory_space<vmem_shared>>)
        tpu.yield
      }) : () -> ()
      %add3A_166 = arith.constant 2 : i32
      %add3A_167 = arith.addi %mul3A_121, %add3A_166 : i32
      %mul3A_168 = arith.constant 128 : i32
      %mul3A_169 = arith.muli %add3A_167, %mul3A_168 : i32
      %add3A_170 = arith.addi %mul3A_6, %mul3A_169 : i32
      %dma_start3A_171 = arith.constant 0 : i32
      %dma_start3A_172 = arith.constant 0 : i32
      %dma_start3A_173 = tpu.memref_slice %arg7[%dma_start3A_171, %dma_start3A_172] : memref<2x128xi32, #tpu.memory_space<vmem>> -> memref<1x128xi32, #tpu.memory_space<vmem>>
      %dma_start3A_174 = tpu.memref_squeeze %dma_start3A_173 : memref<1x128xi32, #tpu.memory_space<vmem>> -> memref<128xi32, #tpu.memory_space<vmem>>
      %dma_start3A_175 = tpu.memref_slice %arg2[%add3A_170] : memref<331904xi32, #tpu.memory_space<hbm>> -> memref<128xi32, #tpu.memory_space<hbm>>
      %dma_start3A_176 = arith.constant 0 : i32
      %dma_start3A_177 = tpu.memref_slice %arg7[%dma_start3A_171, %dma_start3A_176] : memref<2x128xi32, #tpu.memory_space<vmem>> -> memref<1x128xi32, #tpu.memory_space<vmem>>
      %dma_start3A_178 = tpu.memref_squeeze %dma_start3A_177 : memref<1x128xi32, #tpu.memory_space<vmem>> -> memref<128xi32, #tpu.memory_space<vmem>>
      %dma_start3A_179 = tpu.memref_slice %arg2[%add3A_170] : memref<331904xi32, #tpu.memory_space<hbm>> -> memref<128xi32, #tpu.memory_space<hbm>>
      tpu.enqueue_dma source(%dma_start3A_179 : memref<128xi32, #tpu.memory_space<hbm>>) target(%dma_start3A_178 : memref<128xi32, #tpu.memory_space<vmem>>) target_semaphore(%arg13 : memref<!tpu.dma_semaphore, #tpu.memory_space<semaphore_mem>>)
      %dma_start3A_180 = arith.constant 0 : i32
      %dma_start3A_181 = arith.constant 0 : i32
      %dma_start3A_182 = tpu.memref_slice %arg8[%dma_start3A_180, %dma_start3A_181] : memref<2x128xi32, #tpu.memory_space<vmem>> -> memref<1x128xi32, #tpu.memory_space<vmem>>
      %dma_start3A_183 = tpu.memref_squeeze %dma_start3A_182 : memref<1x128xi32, #tpu.memory_space<vmem>> -> memref<128xi32, #tpu.memory_space<vmem>>
      %dma_start3A_184 = tpu.memref_slice %arg3[%add3A_170] : memref<331904xi32, #tpu.memory_space<hbm>> -> memref<128xi32, #tpu.memory_space<hbm>>
      %dma_start3A_185 = arith.constant 0 : i32
      %dma_start3A_186 = tpu.memref_slice %arg8[%dma_start3A_180, %dma_start3A_185] : memref<2x128xi32, #tpu.memory_space<vmem>> -> memref<1x128xi32, #tpu.memory_space<vmem>>
      %dma_start3A_187 = tpu.memref_squeeze %dma_start3A_186 : memref<1x128xi32, #tpu.memory_space<vmem>> -> memref<128xi32, #tpu.memory_space<vmem>>
      %dma_start3A_188 = tpu.memref_slice %arg3[%add3A_170] : memref<331904xi32, #tpu.memory_space<hbm>> -> memref<128xi32, #tpu.memory_space<hbm>>
      tpu.enqueue_dma source(%dma_start3A_188 : memref<128xi32, #tpu.memory_space<hbm>>) target(%dma_start3A_187 : memref<128xi32, #tpu.memory_space<vmem>>) target_semaphore(%arg13 : memref<!tpu.dma_semaphore, #tpu.memory_space<semaphore_mem>>)
      %mul3A_189 = arith.constant 2 : i32
      %mul3A_190 = arith.muli %mul3A_189, %scan3A_119 : i32
      %add3A_191 = arith.constant 1 : i32
      %add3A_192 = arith.addi %mul3A_190, %add3A_191 : i32
      %dma_wait3A_193 = arith.constant 0 : i32
      %dma_wait3A_194 = arith.constant 0 : i32
      %dma_wait3A_195 = tpu.memref_slice %arg7[%dma_wait3A_193, %dma_wait3A_194] : memref<2x128xi32, #tpu.memory_space<vmem>> -> memref<1x128xi32, #tpu.memory_space<vmem>>
      %dma_wait3A_196 = tpu.memref_squeeze %dma_wait3A_195 : memref<1x128xi32, #tpu.memory_space<vmem>> -> memref<128xi32, #tpu.memory_space<vmem>>
      %dma_wait3A_197 = tpu.memref_slice %arg2[%mul3A_6] : memref<331904xi32, #tpu.memory_space<hbm>> -> memref<128xi32, #tpu.memory_space<hbm>>
      %dma_wait3A_198 = arith.constant 0 : i32
      %dma_wait3A_199 = tpu.memref_slice %arg7[%dma_wait3A_193, %dma_wait3A_198] : memref<2x128xi32, #tpu.memory_space<vmem>> -> memref<1x128xi32, #tpu.memory_space<vmem>>
      %dma_wait3A_200 = tpu.memref_squeeze %dma_wait3A_199 : memref<1x128xi32, #tpu.memory_space<vmem>> -> memref<128xi32, #tpu.memory_space<vmem>>
      %dma_wait3A_201 = tpu.memref_slice %arg2[%mul3A_6] : memref<331904xi32, #tpu.memory_space<hbm>> -> memref<128xi32, #tpu.memory_space<hbm>>
      tpu.wait_dma2 semaphore(%arg13 : memref<!tpu.dma_semaphore, #tpu.memory_space<semaphore_mem>>) src(%dma_wait3A_201 : memref<128xi32, #tpu.memory_space<hbm>>) dst(%dma_wait3A_200 : memref<128xi32, #tpu.memory_space<vmem>>)
      %dma_wait3A_202 = arith.constant 0 : i32
      %dma_wait3A_203 = arith.constant 0 : i32
      %dma_wait3A_204 = tpu.memref_slice %arg8[%dma_wait3A_202, %dma_wait3A_203] : memref<2x128xi32, #tpu.memory_space<vmem>> -> memref<1x128xi32, #tpu.memory_space<vmem>>
      %dma_wait3A_205 = tpu.memref_squeeze %dma_wait3A_204 : memref<1x128xi32, #tpu.memory_space<vmem>> -> memref<128xi32, #tpu.memory_space<vmem>>
      %dma_wait3A_206 = tpu.memref_slice %arg3[%mul3A_6] : memref<331904xi32, #tpu.memory_space<hbm>> -> memref<128xi32, #tpu.memory_space<hbm>>
      %dma_wait3A_207 = arith.constant 0 : i32
      %dma_wait3A_208 = tpu.memref_slice %arg8[%dma_wait3A_202, %dma_wait3A_207] : memref<2x128xi32, #tpu.memory_space<vmem>> -> memref<1x128xi32, #tpu.memory_space<vmem>>
      %dma_wait3A_209 = tpu.memref_squeeze %dma_wait3A_208 : memref<1x128xi32, #tpu.memory_space<vmem>> -> memref<128xi32, #tpu.memory_space<vmem>>
      %dma_wait3A_210 = tpu.memref_slice %arg3[%mul3A_6] : memref<331904xi32, #tpu.memory_space<hbm>> -> memref<128xi32, #tpu.memory_space<hbm>>
      tpu.wait_dma2 semaphore(%arg13 : memref<!tpu.dma_semaphore, #tpu.memory_space<semaphore_mem>>) src(%dma_wait3A_210 : memref<128xi32, #tpu.memory_space<hbm>>) dst(%dma_wait3A_209 : memref<128xi32, #tpu.memory_space<vmem>>)
      %dma_start3A_211 = arith.constant 0 : i32
      %dma_start3A_212 = arith.constant 0 : i32
      %dma_start3A_213 = arith.constant 0 : i32
      %dma_start3A_214 = arith.constant 0 : i32
      %dma_start3A_215 = tpu.memref_slice %arg9[%dma_start3A_212, %dma_start3A_213, %dma_start3A_214] : memref<2x128x128xf32, #tpu.memory_space<vmem>> -> memref<1x128x128xf32, #tpu.memory_space<vmem>>
      %dma_start3A_216 = tpu.memref_squeeze %dma_start3A_215 : memref<1x128x128xf32, #tpu.memory_space<vmem>> -> memref<128x128xf32, #tpu.memory_space<vmem>>
      %dma_start3A_217 = arith.constant 0 : i32
      %dma_start3A_218 = tpu.memref_slice %arg7[%dma_start3A_211, %dma_start3A_217] : memref<2x128xi32, #tpu.memory_space<vmem>> -> memref<1x128xi32, #tpu.memory_space<vmem>>
      %dma_start3A_219 = tpu.memref_squeeze %dma_start3A_218 : memref<1x128xi32, #tpu.memory_space<vmem>> -> memref<128xi32, #tpu.memory_space<vmem>>
      %dma_start3A_220 = arith.constant 0 : i32
      %dma_start3A_221 = arith.constant 0 : i32
      %dma_start3A_222 = tpu.memref_slice %arg4[%dma_start3A_220, %dma_start3A_221] : memref<10000x128xf32, #tpu.memory_space<hbm>> -> memref<10000x128xf32, #tpu.memory_space<hbm>>
      tpu.enqueue_indirect_dma source(%dma_start3A_222 : memref<10000x128xf32, #tpu.memory_space<hbm>>) target(%dma_start3A_216 : memref<128x128xf32, #tpu.memory_space<vmem>>) offsets(%dma_start3A_219 : memref<128xi32, #tpu.memory_space<vmem>>) semaphore(%arg11 : memref<!tpu.dma_semaphore, #tpu.memory_space<semaphore_mem>>)
      %dma_wait3A_223 = arith.constant 1 : i32
      %dma_wait3A_224 = arith.constant 1 : i32
      %dma_wait3A_225 = arith.constant 0 : i32
      %dma_wait3A_226 = arith.constant 0 : i32
      %dma_wait3A_227 = tpu.memref_slice %arg9[%dma_wait3A_224, %dma_wait3A_225, %dma_wait3A_226] : memref<2x128x128xf32, #tpu.memory_space<vmem>> -> memref<1x128x128xf32, #tpu.memory_space<vmem>>
      %dma_wait3A_228 = tpu.memref_squeeze %dma_wait3A_227 : memref<1x128x128xf32, #tpu.memory_space<vmem>> -> memref<128x128xf32, #tpu.memory_space<vmem>>
      %dma_wait3A_229 = arith.constant 0 : i32
      %dma_wait3A_230 = tpu.memref_slice %arg7[%dma_wait3A_223, %dma_wait3A_229] : memref<2x128xi32, #tpu.memory_space<vmem>> -> memref<1x128xi32, #tpu.memory_space<vmem>>
      %dma_wait3A_231 = tpu.memref_squeeze %dma_wait3A_230 : memref<1x128xi32, #tpu.memory_space<vmem>> -> memref<128xi32, #tpu.memory_space<vmem>>
      %dma_wait3A_232 = arith.constant 0 : i32
      %dma_wait3A_233 = arith.constant 0 : i32
      %dma_wait3A_234 = tpu.memref_slice %arg4[%dma_wait3A_232, %dma_wait3A_233] : memref<10000x128xf32, #tpu.memory_space<hbm>> -> memref<10000x128xf32, #tpu.memory_space<hbm>>
      tpu.wait_indirect_dma semaphore(%arg12 : memref<!tpu.dma_semaphore, #tpu.memory_space<semaphore_mem>>) src(%dma_wait3A_234 : memref<10000x128xf32, #tpu.memory_space<hbm>>) dst(%dma_wait3A_228 : memref<128x128xf32, #tpu.memory_space<vmem>>)
      %run_scoped3A_235 = arith.constant 1 : i32
      %run_scoped3A_236 = arith.constant 1 : i32
      "tpu.region"() ({
        %run_scoped3A_260 = tpu.sem_alloc : memref<!tpu.dma_semaphore, #tpu.memory_space<semaphore_mem>>
        %dma_start3A_261 = arith.constant 0 : i32
        %dma_start3A_262 = arith.constant 0 : i32
        %dma_start3A_263 = tpu.memref_slice %arg9[%run_scoped3A_235, %dma_start3A_261, %dma_start3A_262] : memref<2x128x128xf32, #tpu.memory_space<vmem>> -> memref<1x128x128xf32, #tpu.memory_space<vmem>>
        %dma_start3A_264 = tpu.memref_squeeze %dma_start3A_263 : memref<1x128x128xf32, #tpu.memory_space<vmem>> -> memref<128x128xf32, #tpu.memory_space<vmem>>
        %dma_start3A_265 = arith.constant 0 : i32
        %dma_start3A_266 = tpu.memref_slice %arg8[%run_scoped3A_236, %dma_start3A_265] : memref<2x128xi32, #tpu.memory_space<vmem>> -> memref<1x128xi32, #tpu.memory_space<vmem>>
        %dma_start3A_267 = tpu.memref_squeeze %dma_start3A_266 : memref<1x128xi32, #tpu.memory_space<vmem>> -> memref<128xi32, #tpu.memory_space<vmem>>
        %dma_start3A_268 = arith.constant 0 : i32
        %dma_start3A_269 = arith.constant 0 : i32
        %dma_start3A_270 = tpu.memref_slice %arg10[%dma_start3A_268, %dma_start3A_269] : memref<10016x128xf32, #tpu.memory_space<vmem_shared>> -> memref<10016x128xf32, #tpu.memory_space<vmem_shared>>
        tpu.enqueue_indirect_dma source(%dma_start3A_264 : memref<128x128xf32, #tpu.memory_space<vmem>>) target(%dma_start3A_270 : memref<10016x128xf32, #tpu.memory_space<vmem_shared>>) offsets(%dma_start3A_267 : memref<128xi32, #tpu.memory_space<vmem>>) semaphore(%run_scoped3A_260 : memref<!tpu.dma_semaphore, #tpu.memory_space<semaphore_mem>>) {add = true}
        %dma_wait3A_271 = arith.constant 0 : i32
        %dma_wait3A_272 = arith.constant 0 : i32
        %dma_wait3A_273 = tpu.memref_slice %arg9[%run_scoped3A_235, %dma_wait3A_271, %dma_wait3A_272] : memref<2x128x128xf32, #tpu.memory_space<vmem>> -> memref<1x128x128xf32, #tpu.memory_space<vmem>>
        %dma_wait3A_274 = tpu.memref_squeeze %dma_wait3A_273 : memref<1x128x128xf32, #tpu.memory_space<vmem>> -> memref<128x128xf32, #tpu.memory_space<vmem>>
        %dma_wait3A_275 = arith.constant 0 : i32
        %dma_wait3A_276 = tpu.memref_slice %arg8[%run_scoped3A_236, %dma_wait3A_275] : memref<2x128xi32, #tpu.memory_space<vmem>> -> memref<1x128xi32, #tpu.memory_space<vmem>>
        %dma_wait3A_277 = tpu.memref_squeeze %dma_wait3A_276 : memref<1x128xi32, #tpu.memory_space<vmem>> -> memref<128xi32, #tpu.memory_space<vmem>>
        %dma_wait3A_278 = arith.constant 0 : i32
        %dma_wait3A_279 = arith.constant 0 : i32
        %dma_wait3A_280 = tpu.memref_slice %arg10[%dma_wait3A_278, %dma_wait3A_279] : memref<10016x128xf32, #tpu.memory_space<vmem_shared>> -> memref<10016x128xf32, #tpu.memory_space<vmem_shared>>
        tpu.wait_indirect_dma semaphore(%run_scoped3A_260 : memref<!tpu.dma_semaphore, #tpu.memory_space<semaphore_mem>>) src(%dma_wait3A_274 : memref<128x128xf32, #tpu.memory_space<vmem>>) dst(%dma_wait3A_280 : memref<10016x128xf32, #tpu.memory_space<vmem_shared>>)
        tpu.yield
      }) : () -> ()
      %add3A_237 = arith.constant 2 : i32
      %add3A_238 = arith.addi %add3A_192, %add3A_237 : i32
      %mul3A_239 = arith.constant 128 : i32
      %mul3A_240 = arith.muli %add3A_238, %mul3A_239 : i32
      %add3A_241 = arith.addi %mul3A_6, %mul3A_240 : i32
      %dma_start3A_242 = arith.constant 1 : i32
      %dma_start3A_243 = arith.constant 0 : i32
      %dma_start3A_244 = tpu.memref_slice %arg7[%dma_start3A_242, %dma_start3A_243] : memref<2x128xi32, #tpu.memory_space<vmem>> -> memref<1x128xi32, #tpu.memory_space<vmem>>
      %dma_start3A_245 = tpu.memref_squeeze %dma_start3A_244 : memref<1x128xi32, #tpu.memory_space<vmem>> -> memref<128xi32, #tpu.memory_space<vmem>>
      %dma_start3A_246 = tpu.memref_slice %arg2[%add3A_241] : memref<331904xi32, #tpu.memory_space<hbm>> -> memref<128xi32, #tpu.memory_space<hbm>>
      %dma_start3A_247 = arith.constant 0 : i32
      %dma_start3A_248 = tpu.memref_slice %arg7[%dma_start3A_242, %dma_start3A_247] : memref<2x128xi32, #tpu.memory_space<vmem>> -> memref<1x128xi32, #tpu.memory_space<vmem>>
      %dma_start3A_249 = tpu.memref_squeeze %dma_start3A_248 : memref<1x128xi32, #tpu.memory_space<vmem>> -> memref<128xi32, #tpu.memory_space<vmem>>
      %dma_start3A_250 = tpu.memref_slice %arg2[%add3A_241] : memref<331904xi32, #tpu.memory_space<hbm>> -> memref<128xi32, #tpu.memory_space<hbm>>
      tpu.enqueue_dma source(%dma_start3A_250 : memref<128xi32, #tpu.memory_space<hbm>>) target(%dma_start3A_249 : memref<128xi32, #tpu.memory_space<vmem>>) target_semaphore(%arg14 : memref<!tpu.dma_semaphore, #tpu.memory_space<semaphore_mem>>)
      %dma_start3A_251 = arith.constant 1 : i32
      %dma_start3A_252 = arith.constant 0 : i32
      %dma_start3A_253 = tpu.memref_slice %arg8[%dma_start3A_251, %dma_start3A_252] : memref<2x128xi32, #tpu.memory_space<vmem>> -> memref<1x128xi32, #tpu.memory_space<vmem>>
      %dma_start3A_254 = tpu.memref_squeeze %dma_start3A_253 : memref<1x128xi32, #tpu.memory_space<vmem>> -> memref<128xi32, #tpu.memory_space<vmem>>
      %dma_start3A_255 = tpu.memref_slice %arg3[%add3A_241] : memref<331904xi32, #tpu.memory_space<hbm>> -> memref<128xi32, #tpu.memory_space<hbm>>
      %dma_start3A_256 = arith.constant 0 : i32
      %dma_start3A_257 = tpu.memref_slice %arg8[%dma_start3A_251, %dma_start3A_256] : memref<2x128xi32, #tpu.memory_space<vmem>> -> memref<1x128xi32, #tpu.memory_space<vmem>>
      %dma_start3A_258 = tpu.memref_squeeze %dma_start3A_257 : memref<1x128xi32, #tpu.memory_space<vmem>> -> memref<128xi32, #tpu.memory_space<vmem>>
      %dma_start3A_259 = tpu.memref_slice %arg3[%add3A_241] : memref<331904xi32, #tpu.memory_space<hbm>> -> memref<128xi32, #tpu.memory_space<hbm>>
      tpu.enqueue_dma source(%dma_start3A_259 : memref<128xi32, #tpu.memory_space<hbm>>) target(%dma_start3A_258 : memref<128xi32, #tpu.memory_space<vmem>>) target_semaphore(%arg14 : memref<!tpu.dma_semaphore, #tpu.memory_space<semaphore_mem>>)
    }
    %scan3A_79 = arith.constant 40 : i32
    %dma_wait3A_80 = arith.constant 0 : i32
    %dma_wait3A_81 = arith.constant 0 : i32
    %dma_wait3A_82 = arith.constant 0 : i32
    %dma_wait3A_83 = arith.constant 0 : i32
    %dma_wait3A_84 = tpu.memref_slice %arg9[%dma_wait3A_81, %dma_wait3A_82, %dma_wait3A_83] : memref<2x128x128xf32, #tpu.memory_space<vmem>> -> memref<1x128x128xf32, #tpu.memory_space<vmem>>
    %dma_wait3A_85 = tpu.memref_squeeze %dma_wait3A_84 : memref<1x128x128xf32, #tpu.memory_space<vmem>> -> memref<128x128xf32, #tpu.memory_space<vmem>>
    %dma_wait3A_86 = arith.constant 0 : i32
    %dma_wait3A_87 = tpu.memref_slice %arg7[%dma_wait3A_80, %dma_wait3A_86] : memref<2x128xi32, #tpu.memory_space<vmem>> -> memref<1x128xi32, #tpu.memory_space<vmem>>
    %dma_wait3A_88 = tpu.memref_squeeze %dma_wait3A_87 : memref<1x128xi32, #tpu.memory_space<vmem>> -> memref<128xi32, #tpu.memory_space<vmem>>
    %dma_wait3A_89 = arith.constant 0 : i32
    %dma_wait3A_90 = arith.constant 0 : i32
    %dma_wait3A_91 = tpu.memref_slice %arg4[%dma_wait3A_89, %dma_wait3A_90] : memref<10000x128xf32, #tpu.memory_space<hbm>> -> memref<10000x128xf32, #tpu.memory_space<hbm>>
    tpu.wait_indirect_dma semaphore(%arg11 : memref<!tpu.dma_semaphore, #tpu.memory_space<semaphore_mem>>) src(%dma_wait3A_91 : memref<10000x128xf32, #tpu.memory_space<hbm>>) dst(%dma_wait3A_85 : memref<128x128xf32, #tpu.memory_space<vmem>>)
    %run_scoped3A = arith.constant 0 : i32
    %run_scoped3A_92 = arith.constant 0 : i32
    "tpu.region"() ({
      %run_scoped3A_119 = tpu.sem_alloc : memref<!tpu.dma_semaphore, #tpu.memory_space<semaphore_mem>>
      %dma_start3A_120 = arith.constant 0 : i32
      %dma_start3A_121 = arith.constant 0 : i32
      %dma_start3A_122 = tpu.memref_slice %arg9[%run_scoped3A, %dma_start3A_120, %dma_start3A_121] : memref<2x128x128xf32, #tpu.memory_space<vmem>> -> memref<1x128x128xf32, #tpu.memory_space<vmem>>
      %dma_start3A_123 = tpu.memref_squeeze %dma_start3A_122 : memref<1x128x128xf32, #tpu.memory_space<vmem>> -> memref<128x128xf32, #tpu.memory_space<vmem>>
      %dma_start3A_124 = arith.constant 0 : i32
      %dma_start3A_125 = tpu.memref_slice %arg8[%run_scoped3A_92, %dma_start3A_124] : memref<2x128xi32, #tpu.memory_space<vmem>> -> memref<1x128xi32, #tpu.memory_space<vmem>>
      %dma_start3A_126 = tpu.memref_squeeze %dma_start3A_125 : memref<1x128xi32, #tpu.memory_space<vmem>> -> memref<128xi32, #tpu.memory_space<vmem>>
      %dma_start3A_127 = arith.constant 0 : i32
      %dma_start3A_128 = arith.constant 0 : i32
      %dma_start3A_129 = tpu.memref_slice %arg10[%dma_start3A_127, %dma_start3A_128] : memref<10016x128xf32, #tpu.memory_space<vmem_shared>> -> memref<10016x128xf32, #tpu.memory_space<vmem_shared>>
      tpu.enqueue_indirect_dma source(%dma_start3A_123 : memref<128x128xf32, #tpu.memory_space<vmem>>) target(%dma_start3A_129 : memref<10016x128xf32, #tpu.memory_space<vmem_shared>>) offsets(%dma_start3A_126 : memref<128xi32, #tpu.memory_space<vmem>>) semaphore(%run_scoped3A_119 : memref<!tpu.dma_semaphore, #tpu.memory_space<semaphore_mem>>) {add = true}
      %dma_wait3A_130 = arith.constant 0 : i32
      %dma_wait3A_131 = arith.constant 0 : i32
      %dma_wait3A_132 = tpu.memref_slice %arg9[%run_scoped3A, %dma_wait3A_130, %dma_wait3A_131] : memref<2x128x128xf32, #tpu.memory_space<vmem>> -> memref<1x128x128xf32, #tpu.memory_space<vmem>>
      %dma_wait3A_133 = tpu.memref_squeeze %dma_wait3A_132 : memref<1x128x128xf32, #tpu.memory_space<vmem>> -> memref<128x128xf32, #tpu.memory_space<vmem>>
      %dma_wait3A_134 = arith.constant 0 : i32
      %dma_wait3A_135 = tpu.memref_slice %arg8[%run_scoped3A_92, %dma_wait3A_134] : memref<2x128xi32, #tpu.memory_space<vmem>> -> memref<1x128xi32, #tpu.memory_space<vmem>>
      %dma_wait3A_136 = tpu.memref_squeeze %dma_wait3A_135 : memref<1x128xi32, #tpu.memory_space<vmem>> -> memref<128xi32, #tpu.memory_space<vmem>>
      %dma_wait3A_137 = arith.constant 0 : i32
      %dma_wait3A_138 = arith.constant 0 : i32
      %dma_wait3A_139 = tpu.memref_slice %arg10[%dma_wait3A_137, %dma_wait3A_138] : memref<10016x128xf32, #tpu.memory_space<vmem_shared>> -> memref<10016x128xf32, #tpu.memory_space<vmem_shared>>
      tpu.wait_indirect_dma semaphore(%run_scoped3A_119 : memref<!tpu.dma_semaphore, #tpu.memory_space<semaphore_mem>>) src(%dma_wait3A_133 : memref<128x128xf32, #tpu.memory_space<vmem>>) dst(%dma_wait3A_139 : memref<10016x128xf32, #tpu.memory_space<vmem_shared>>)
      tpu.yield
    }) : () -> ()
    %dma_wait3A_93 = arith.constant 1 : i32
    %dma_wait3A_94 = arith.constant 0 : i32
    %dma_wait3A_95 = tpu.memref_slice %arg7[%dma_wait3A_93, %dma_wait3A_94] : memref<2x128xi32, #tpu.memory_space<vmem>> -> memref<1x128xi32, #tpu.memory_space<vmem>>
    %dma_wait3A_96 = tpu.memref_squeeze %dma_wait3A_95 : memref<1x128xi32, #tpu.memory_space<vmem>> -> memref<128xi32, #tpu.memory_space<vmem>>
    %dma_wait3A_97 = tpu.memref_slice %arg2[%mul3A_6] : memref<331904xi32, #tpu.memory_space<hbm>> -> memref<128xi32, #tpu.memory_space<hbm>>
    %dma_wait3A_98 = arith.constant 0 : i32
    %dma_wait3A_99 = tpu.memref_slice %arg7[%dma_wait3A_93, %dma_wait3A_98] : memref<2x128xi32, #tpu.memory_space<vmem>> -> memref<1x128xi32, #tpu.memory_space<vmem>>
    %dma_wait3A_100 = tpu.memref_squeeze %dma_wait3A_99 : memref<1x128xi32, #tpu.memory_space<vmem>> -> memref<128xi32, #tpu.memory_space<vmem>>
    %dma_wait3A_101 = tpu.memref_slice %arg2[%mul3A_6] : memref<331904xi32, #tpu.memory_space<hbm>> -> memref<128xi32, #tpu.memory_space<hbm>>
    tpu.wait_dma2 semaphore(%arg14 : memref<!tpu.dma_semaphore, #tpu.memory_space<semaphore_mem>>) src(%dma_wait3A_101 : memref<128xi32, #tpu.memory_space<hbm>>) dst(%dma_wait3A_100 : memref<128xi32, #tpu.memory_space<vmem>>)
    %dma_wait3A_102 = arith.constant 1 : i32
    %dma_wait3A_103 = arith.constant 0 : i32
    %dma_wait3A_104 = tpu.memref_slice %arg8[%dma_wait3A_102, %dma_wait3A_103] : memref<2x128xi32, #tpu.memory_space<vmem>> -> memref<1x128xi32, #tpu.memory_space<vmem>>
    %dma_wait3A_105 = tpu.memref_squeeze %dma_wait3A_104 : memref<1x128xi32, #tpu.memory_space<vmem>> -> memref<128xi32, #tpu.memory_space<vmem>>
    %dma_wait3A_106 = tpu.memref_slice %arg3[%mul3A_6] : memref<331904xi32, #tpu.memory_space<hbm>> -> memref<128xi32, #tpu.memory_space<hbm>>
    %dma_wait3A_107 = arith.constant 0 : i32
    %dma_wait3A_108 = tpu.memref_slice %arg8[%dma_wait3A_102, %dma_wait3A_107] : memref<2x128xi32, #tpu.memory_space<vmem>> -> memref<1x128xi32, #tpu.memory_space<vmem>>
    %dma_wait3A_109 = tpu.memref_squeeze %dma_wait3A_108 : memref<1x128xi32, #tpu.memory_space<vmem>> -> memref<128xi32, #tpu.memory_space<vmem>>
    %dma_wait3A_110 = tpu.memref_slice %arg3[%mul3A_6] : memref<331904xi32, #tpu.memory_space<hbm>> -> memref<128xi32, #tpu.memory_space<hbm>>
    tpu.wait_dma2 semaphore(%arg14 : memref<!tpu.dma_semaphore, #tpu.memory_space<semaphore_mem>>) src(%dma_wait3A_110 : memref<128xi32, #tpu.memory_space<hbm>>) dst(%dma_wait3A_109 : memref<128xi32, #tpu.memory_space<vmem>>)
    %barrier3A_111 = arith.constant 0 : index
    tpu.barrier barrier_id(%barrier3A_111)
    %mul3A_112 = arith.constant 624 : i32
    %mul3A_113 = arith.muli %arg1, %mul3A_112 : i32
    "tpu.region"() ({
      %run_scoped3A_119 = tpu.sem_alloc : memref<!tpu.dma_semaphore, #tpu.memory_space<semaphore_mem>>
      %dma_start3A_120 = arith.constant 0 : i32
      %dma_start3A_121 = tpu.memref_slice %arg6[%arg0, %mul3A_113, %dma_start3A_120] : memref<2x10000x128xf32, #tpu.memory_space<hbm>> -> memref<1x624x128xf32, #tpu.memory_space<hbm>>
      %dma_start3A_122 = tpu.memref_squeeze %dma_start3A_121 : memref<1x624x128xf32, #tpu.memory_space<hbm>> -> memref<624x128xf32, #tpu.memory_space<hbm>>
      %dma_start3A_123 = arith.constant 0 : i32
      %dma_start3A_124 = tpu.memref_slice %arg10[%mul3A_113, %dma_start3A_123] : memref<10016x128xf32, #tpu.memory_space<vmem_shared>> -> memref<624x128xf32, #tpu.memory_space<vmem_shared>>
      tpu.enqueue_dma source(%dma_start3A_124 : memref<624x128xf32, #tpu.memory_space<vmem_shared>>) target(%dma_start3A_122 : memref<624x128xf32, #tpu.memory_space<hbm>>) target_semaphore(%run_scoped3A_119 : memref<!tpu.dma_semaphore, #tpu.memory_space<semaphore_mem>>)
      %dma_wait3A_125 = arith.constant 0 : i32
      %dma_wait3A_126 = tpu.memref_slice %arg6[%arg0, %mul3A_113, %dma_wait3A_125] : memref<2x10000x128xf32, #tpu.memory_space<hbm>> -> memref<1x624x128xf32, #tpu.memory_space<hbm>>
      %dma_wait3A_127 = tpu.memref_squeeze %dma_wait3A_126 : memref<1x624x128xf32, #tpu.memory_space<hbm>> -> memref<624x128xf32, #tpu.memory_space<hbm>>
      %dma_wait3A_128 = arith.constant 0 : i32
      %dma_wait3A_129 = tpu.memref_slice %arg10[%mul3A_113, %dma_wait3A_128] : memref<10016x128xf32, #tpu.memory_space<vmem_shared>> -> memref<624x128xf32, #tpu.memory_space<vmem_shared>>
      tpu.wait_dma2 semaphore(%run_scoped3A_119 : memref<!tpu.dma_semaphore, #tpu.memory_space<semaphore_mem>>) src(%dma_wait3A_129 : memref<624x128xf32, #tpu.memory_space<vmem_shared>>) dst(%dma_wait3A_127 : memref<624x128xf32, #tpu.memory_space<hbm>>)
      tpu.yield
    }) : () -> ()
    %eq3A_114 = arith.constant 15 : i32
    %eq3A_115 = arith.cmpi eq, %arg1, %eq3A_114 : i32
    %convert_element_type3A_116 = arith.extui %eq3A_115 : i1 to i32
    %cond3A_117 = arith.constant 0 : i32
    %cond3A_118 = arith.cmpi ne, %convert_element_type3A_116, %cond3A_117 : i32
    scf.if %cond3A_118 {
      "tpu.region"() ({
        %run_scoped3A_119 = tpu.sem_alloc : memref<!tpu.dma_semaphore, #tpu.memory_space<semaphore_mem>>
        %dma_start3A_120 = arith.constant 9984 : i32
        %dma_start3A_121 = arith.constant 0 : i32
        %dma_start3A_122 = tpu.memref_slice %arg6[%arg0, %dma_start3A_120, %dma_start3A_121] : memref<2x10000x128xf32, #tpu.memory_space<hbm>> -> memref<1x16x128xf32, #tpu.memory_space<hbm>>
        %dma_start3A_123 = tpu.memref_squeeze %dma_start3A_122 : memref<1x16x128xf32, #tpu.memory_space<hbm>> -> memref<16x128xf32, #tpu.memory_space<hbm>>
        %dma_start3A_124 = arith.constant 9984 : i32
        %dma_start3A_125 = arith.constant 0 : i32
        %dma_start3A_126 = tpu.memref_slice %arg10[%dma_start3A_124, %dma_start3A_125] : memref<10016x128xf32, #tpu.memory_space<vmem_shared>> -> memref<16x128xf32, #tpu.memory_space<vmem_shared>>
        tpu.enqueue_dma source(%dma_start3A_126 : memref<16x128xf32, #tpu.memory_space<vmem_shared>>) target(%dma_start3A_123 : memref<16x128xf32, #tpu.memory_space<hbm>>) target_semaphore(%run_scoped3A_119 : memref<!tpu.dma_semaphore, #tpu.memory_space<semaphore_mem>>)
        %dma_wait3A_127 = arith.constant 9984 : i32
        %dma_wait3A_128 = arith.constant 0 : i32
        %dma_wait3A_129 = tpu.memref_slice %arg6[%arg0, %dma_wait3A_127, %dma_wait3A_128] : memref<2x10000x128xf32, #tpu.memory_space<hbm>> -> memref<1x16x128xf32, #tpu.memory_space<hbm>>
        %dma_wait3A_130 = tpu.memref_squeeze %dma_wait3A_129 : memref<1x16x128xf32, #tpu.memory_space<hbm>> -> memref<16x128xf32, #tpu.memory_space<hbm>>
        %dma_wait3A_131 = arith.constant 9984 : i32
        %dma_wait3A_132 = arith.constant 0 : i32
        %dma_wait3A_133 = tpu.memref_slice %arg10[%dma_wait3A_131, %dma_wait3A_132] : memref<10016x128xf32, #tpu.memory_space<vmem_shared>> -> memref<16x128xf32, #tpu.memory_space<vmem_shared>>
        tpu.wait_dma2 semaphore(%run_scoped3A_119 : memref<!tpu.dma_semaphore, #tpu.memory_space<semaphore_mem>>) src(%dma_wait3A_133 : memref<16x128xf32, #tpu.memory_space<vmem_shared>>) dst(%dma_wait3A_130 : memref<16x128xf32, #tpu.memory_space<hbm>>)
        tpu.yield
      }) : () -> ()
    } else {
    }
    return
  }
}

#map = affine_map<(d0, d1) -> (0)>
#map1 = affine_map<(d0, d1) -> (0, 0)>
#map2 = affine_map<(d0, d1) -> (0, 0, 0)>
module attributes {stable_mosaic.version = 14 : i64} {
  func.func @scat_kernel(%arg0: i32, %arg1: i32, %arg2: memref<331904xi32, #tpu.memory_space<hbm>>, %arg3: memref<331904xi32, #tpu.memory_space<hbm>>, %arg4: memref<10000x128xf32, #tpu.memory_space<hbm>>, %arg5: memref<10016x128xf32, #tpu.memory_space<hbm>>, %arg6: memref<2x10000x128xf32, #tpu.memory_space<hbm>>, %arg7: memref<2x128xi32, #tpu.memory_space<vmem>>, %arg8: memref<2x128xi32, #tpu.memory_space<vmem>>, %arg9: memref<2x128x128xf32, #tpu.memory_space<vmem>>, %arg10: memref<10016x128xf32, #tpu.memory_space<vmem_shared>>, %arg11: memref<!tpu.dma_semaphore, #tpu.memory_space<semaphore_mem>>, %arg12: memref<!tpu.dma_semaphore, #tpu.memory_space<semaphore_mem>>, %arg13: memref<!tpu.dma_semaphore, #tpu.memory_space<semaphore_mem>>, %arg14: memref<!tpu.dma_semaphore, #tpu.memory_space<semaphore_mem>>) attributes {dimension_semantics = [#tpu.dimension_semantics<core_parallel>, #tpu.dimension_semantics<subcore_parallel>], iteration_bounds = array<i64: 2, 16>, scalar_prefetch = 0 : i64, scratch_operands = 8 : i64, tpu.core_type = #tpu.core_type<sc_vector_subcore>, window_params = [{transform_indices = #map}, {transform_indices = #map}, {transform_indices = #map1}, {transform_indices = #map1}, {transform_indices = #map2}]} {
    %mul3A = arith.constant 624 : i32
    %mul3A_0 = arith.muli %arg1, %mul3A : i32
    "tpu.region"() ({
      %run_scoped3A_119 = tpu.sem_alloc : memref<!tpu.dma_semaphore, #tpu.memory_space<semaphore_mem>>
      %dma_start3A_120 = arith.constant 0 : i32
      %dma_start3A_121 = tpu.memref_slice %arg10[%mul3A_0, %dma_start3A_120] : memref<10016x128xf32, #tpu.memory_space<vmem_shared>> -> memref<624x128xf32, #tpu.memory_space<vmem_shared>>
      %dma_start3A_122 = arith.constant 0 : i32
      %dma_start3A_123 = tpu.memref_slice %arg5[%mul3A_0, %dma_start3A_122] : memref<10016x128xf32, #tpu.memory_space<hbm>> -> memref<624x128xf32, #tpu.memory_space<hbm>>
      tpu.enqueue_dma source(%dma_start3A_123 : memref<624x128xf32, #tpu.memory_space<hbm>>) target(%dma_start3A_121 : memref<624x128xf32, #tpu.memory_space<vmem_shared>>) target_semaphore(%run_scoped3A_119 : memref<!tpu.dma_semaphore, #tpu.memory_space<semaphore_mem>>)
      %dma_wait3A_124 = arith.constant 0 : i32
      %dma_wait3A_125 = tpu.memref_slice %arg10[%mul3A_0, %dma_wait3A_124] : memref<10016x128xf32, #tpu.memory_space<vmem_shared>> -> memref<624x128xf32, #tpu.memory_space<vmem_shared>>
      %dma_wait3A_126 = arith.constant 0 : i32
      %dma_wait3A_127 = tpu.memref_slice %arg5[%mul3A_0, %dma_wait3A_126] : memref<10016x128xf32, #tpu.memory_space<hbm>> -> memref<624x128xf32, #tpu.memory_space<hbm>>
      tpu.wait_dma2 semaphore(%run_scoped3A_119 : memref<!tpu.dma_semaphore, #tpu.memory_space<semaphore_mem>>) src(%dma_wait3A_127 : memref<624x128xf32, #tpu.memory_space<hbm>>) dst(%dma_wait3A_125 : memref<624x128xf32, #tpu.memory_space<vmem_shared>>)
      tpu.yield
    }) : () -> ()
    %eq3A = arith.constant 15 : i32
    %eq3A_1 = arith.cmpi eq, %arg1, %eq3A : i32
    %convert_element_type3A = arith.extui %eq3A_1 : i1 to i32
    %cond3A = arith.constant 0 : i32
    %cond3A_2 = arith.cmpi ne, %convert_element_type3A, %cond3A : i32
    scf.if %cond3A_2 {
      "tpu.region"() ({
        %run_scoped3A_119 = tpu.sem_alloc : memref<!tpu.dma_semaphore, #tpu.memory_space<semaphore_mem>>
        %dma_start3A_120 = arith.constant 9984 : i32
        %dma_start3A_121 = arith.constant 0 : i32
        %dma_start3A_122 = tpu.memref_slice %arg10[%dma_start3A_120, %dma_start3A_121] : memref<10016x128xf32, #tpu.memory_space<vmem_shared>> -> memref<32x128xf32, #tpu.memory_space<vmem_shared>>
        %dma_start3A_123 = arith.constant 9984 : i32
        %dma_start3A_124 = arith.constant 0 : i32
        %dma_start3A_125 = tpu.memref_slice %arg5[%dma_start3A_123, %dma_start3A_124] : memref<10016x128xf32, #tpu.memory_space<hbm>> -> memref<32x128xf32, #tpu.memory_space<hbm>>
        tpu.enqueue_dma source(%dma_start3A_125 : memref<32x128xf32, #tpu.memory_space<hbm>>) target(%dma_start3A_122 : memref<32x128xf32, #tpu.memory_space<vmem_shared>>) target_semaphore(%run_scoped3A_119 : memref<!tpu.dma_semaphore, #tpu.memory_space<semaphore_mem>>)
        %dma_wait3A_126 = arith.constant 9984 : i32
        %dma_wait3A_127 = arith.constant 0 : i32
        %dma_wait3A_128 = tpu.memref_slice %arg10[%dma_wait3A_126, %dma_wait3A_127] : memref<10016x128xf32, #tpu.memory_space<vmem_shared>> -> memref<32x128xf32, #tpu.memory_space<vmem_shared>>
        %dma_wait3A_129 = arith.constant 9984 : i32
        %dma_wait3A_130 = arith.constant 0 : i32
        %dma_wait3A_131 = tpu.memref_slice %arg5[%dma_wait3A_129, %dma_wait3A_130] : memref<10016x128xf32, #tpu.memory_space<hbm>> -> memref<32x128xf32, #tpu.memory_space<hbm>>
        tpu.wait_dma2 semaphore(%run_scoped3A_119 : memref<!tpu.dma_semaphore, #tpu.memory_space<semaphore_mem>>) src(%dma_wait3A_131 : memref<32x128xf32, #tpu.memory_space<hbm>>) dst(%dma_wait3A_128 : memref<32x128xf32, #tpu.memory_space<vmem_shared>>)
        tpu.yield
      }) : () -> ()
    } else {
    }
    %mul3A_3 = arith.constant 2 : i32
    %mul3A_4 = arith.muli %arg1, %mul3A_3 : i32
    %add3A = arith.addi %mul3A_4, %arg0 : i32
    %mul3A_5 = arith.constant 10368 : i32
    %mul3A_6 = arith.muli %add3A, %mul3A_5 : i32
    %add3A_7 = arith.constant 0 : i32
    %add3A_8 = arith.addi %mul3A_6, %add3A_7 : i32
    %dma_start3A = arith.constant 0 : i32
    %dma_start3A_9 = arith.constant 0 : i32
    %dma_start3A_10 = tpu.memref_slice %arg7[%dma_start3A, %dma_start3A_9] : memref<2x128xi32, #tpu.memory_space<vmem>> -> memref<1x128xi32, #tpu.memory_space<vmem>>
    %dma_start3A_11 = tpu.memref_squeeze %dma_start3A_10 : memref<1x128xi32, #tpu.memory_space<vmem>> -> memref<128xi32, #tpu.memory_space<vmem>>
    %dma_start3A_12 = tpu.memref_slice %arg2[%add3A_8] : memref<331904xi32, #tpu.memory_space<hbm>> -> memref<128xi32, #tpu.memory_space<hbm>>
    %dma_start3A_13 = arith.constant 0 : i32
    %dma_start3A_14 = tpu.memref_slice %arg7[%dma_start3A, %dma_start3A_13] : memref<2x128xi32, #tpu.memory_space<vmem>> -> memref<1x128xi32, #tpu.memory_space<vmem>>
    %dma_start3A_15 = tpu.memref_squeeze %dma_start3A_14 : memref<1x128xi32, #tpu.memory_space<vmem>> -> memref<128xi32, #tpu.memory_space<vmem>>
    %dma_start3A_16 = tpu.memref_slice %arg2[%add3A_8] : memref<331904xi32, #tpu.memory_space<hbm>> -> memref<128xi32, #tpu.memory_space<hbm>>
    tpu.enqueue_dma source(%dma_start3A_16 : memref<128xi32, #tpu.memory_space<hbm>>) target(%dma_start3A_15 : memref<128xi32, #tpu.memory_space<vmem>>) target_semaphore(%arg13 : memref<!tpu.dma_semaphore, #tpu.memory_space<semaphore_mem>>)
    %dma_start3A_17 = arith.constant 0 : i32
    %dma_start3A_18 = arith.constant 0 : i32
    %dma_start3A_19 = tpu.memref_slice %arg8[%dma_start3A_17, %dma_start3A_18] : memref<2x128xi32, #tpu.memory_space<vmem>> -> memref<1x128xi32, #tpu.memory_space<vmem>>
    %dma_start3A_20 = tpu.memref_squeeze %dma_start3A_19 : memref<1x128xi32, #tpu.memory_space<vmem>> -> memref<128xi32, #tpu.memory_space<vmem>>
    %dma_start3A_21 = tpu.memref_slice %arg3[%add3A_8] : memref<331904xi32, #tpu.memory_space<hbm>> -> memref<128xi32, #tpu.memory_space<hbm>>
    %dma_start3A_22 = arith.constant 0 : i32
    %dma_start3A_23 = tpu.memref_slice %arg8[%dma_start3A_17, %dma_start3A_22] : memref<2x128xi32, #tpu.memory_space<vmem>> -> memref<1x128xi32, #tpu.memory_space<vmem>>
    %dma_start3A_24 = tpu.memref_squeeze %dma_start3A_23 : memref<1x128xi32, #tpu.memory_space<vmem>> -> memref<128xi32, #tpu.memory_space<vmem>>
    %dma_start3A_25 = tpu.memref_slice %arg3[%add3A_8] : memref<331904xi32, #tpu.memory_space<hbm>> -> memref<128xi32, #tpu.memory_space<hbm>>
    tpu.enqueue_dma source(%dma_start3A_25 : memref<128xi32, #tpu.memory_space<hbm>>) target(%dma_start3A_24 : memref<128xi32, #tpu.memory_space<vmem>>) target_semaphore(%arg13 : memref<!tpu.dma_semaphore, #tpu.memory_space<semaphore_mem>>)
    %add3A_26 = arith.constant 128 : i32
    %add3A_27 = arith.addi %mul3A_6, %add3A_26 : i32
    %dma_start3A_28 = arith.constant 1 : i32
    %dma_start3A_29 = arith.constant 0 : i32
    %dma_start3A_30 = tpu.memref_slice %arg7[%dma_start3A_28, %dma_start3A_29] : memref<2x128xi32, #tpu.memory_space<vmem>> -> memref<1x128xi32, #tpu.memory_space<vmem>>
    %dma_start3A_31 = tpu.memref_squeeze %dma_start3A_30 : memref<1x128xi32, #tpu.memory_space<vmem>> -> memref<128xi32, #tpu.memory_space<vmem>>
    %dma_start3A_32 = tpu.memref_slice %arg2[%add3A_27] : memref<331904xi32, #tpu.memory_space<hbm>> -> memref<128xi32, #tpu.memory_space<hbm>>
    %dma_start3A_33 = arith.constant 0 : i32
    %dma_start3A_34 = tpu.memref_slice %arg7[%dma_start3A_28, %dma_start3A_33] : memref<2x128xi32, #tpu.memory_space<vmem>> -> memref<1x128xi32, #tpu.memory_space<vmem>>
    %dma_start3A_35 = tpu.memref_squeeze %dma_start3A_34 : memref<1x128xi32, #tpu.memory_space<vmem>> -> memref<128xi32, #tpu.memory_space<vmem>>
    %dma_start3A_36 = tpu.memref_slice %arg2[%add3A_27] : memref<331904xi32, #tpu.memory_space<hbm>> -> memref<128xi32, #tpu.memory_space<hbm>>
    tpu.enqueue_dma source(%dma_start3A_36 : memref<128xi32, #tpu.memory_space<hbm>>) target(%dma_start3A_35 : memref<128xi32, #tpu.memory_space<vmem>>) target_semaphore(%arg14 : memref<!tpu.dma_semaphore, #tpu.memory_space<semaphore_mem>>)
    %dma_start3A_37 = arith.constant 1 : i32
    %dma_start3A_38 = arith.constant 0 : i32
    %dma_start3A_39 = tpu.memref_slice %arg8[%dma_start3A_37, %dma_start3A_38] : memref<2x128xi32, #tpu.memory_space<vmem>> -> memref<1x128xi32, #tpu.memory_space<vmem>>
    %dma_start3A_40 = tpu.memref_squeeze %dma_start3A_39 : memref<1x128xi32, #tpu.memory_space<vmem>> -> memref<128xi32, #tpu.memory_space<vmem>>
    %dma_start3A_41 = tpu.memref_slice %arg3[%add3A_27] : memref<331904xi32, #tpu.memory_space<hbm>> -> memref<128xi32, #tpu.memory_space<hbm>>
    %dma_start3A_42 = arith.constant 0 : i32
    %dma_start3A_43 = tpu.memref_slice %arg8[%dma_start3A_37, %dma_start3A_42] : memref<2x128xi32, #tpu.memory_space<vmem>> -> memref<1x128xi32, #tpu.memory_space<vmem>>
    %dma_start3A_44 = tpu.memref_squeeze %dma_start3A_43 : memref<1x128xi32, #tpu.memory_space<vmem>> -> memref<128xi32, #tpu.memory_space<vmem>>
    %dma_start3A_45 = tpu.memref_slice %arg3[%add3A_27] : memref<331904xi32, #tpu.memory_space<hbm>> -> memref<128xi32, #tpu.memory_space<hbm>>
    tpu.enqueue_dma source(%dma_start3A_45 : memref<128xi32, #tpu.memory_space<hbm>>) target(%dma_start3A_44 : memref<128xi32, #tpu.memory_space<vmem>>) target_semaphore(%arg14 : memref<!tpu.dma_semaphore, #tpu.memory_space<semaphore_mem>>)
    %barrier3A = arith.constant 0 : index
    tpu.barrier barrier_id(%barrier3A)
    %dma_wait3A = arith.constant 0 : i32
    %dma_wait3A_46 = arith.constant 0 : i32
    %dma_wait3A_47 = tpu.memref_slice %arg7[%dma_wait3A, %dma_wait3A_46] : memref<2x128xi32, #tpu.memory_space<vmem>> -> memref<1x128xi32, #tpu.memory_space<vmem>>
    %dma_wait3A_48 = tpu.memref_squeeze %dma_wait3A_47 : memref<1x128xi32, #tpu.memory_space<vmem>> -> memref<128xi32, #tpu.memory_space<vmem>>
    %dma_wait3A_49 = tpu.memref_slice %arg2[%mul3A_6] : memref<331904xi32, #tpu.memory_space<hbm>> -> memref<128xi32, #tpu.memory_space<hbm>>
    %dma_wait3A_50 = arith.constant 0 : i32
    %dma_wait3A_51 = tpu.memref_slice %arg7[%dma_wait3A, %dma_wait3A_50] : memref<2x128xi32, #tpu.memory_space<vmem>> -> memref<1x128xi32, #tpu.memory_space<vmem>>
    %dma_wait3A_52 = tpu.memref_squeeze %dma_wait3A_51 : memref<1x128xi32, #tpu.memory_space<vmem>> -> memref<128xi32, #tpu.memory_space<vmem>>
    %dma_wait3A_53 = tpu.memref_slice %arg2[%mul3A_6] : memref<331904xi32, #tpu.memory_space<hbm>> -> memref<128xi32, #tpu.memory_space<hbm>>
    tpu.wait_dma2 semaphore(%arg13 : memref<!tpu.dma_semaphore, #tpu.memory_space<semaphore_mem>>) src(%dma_wait3A_53 : memref<128xi32, #tpu.memory_space<hbm>>) dst(%dma_wait3A_52 : memref<128xi32, #tpu.memory_space<vmem>>)
    %dma_wait3A_54 = arith.constant 0 : i32
    %dma_wait3A_55 = arith.constant 0 : i32
    %dma_wait3A_56 = tpu.memref_slice %arg8[%dma_wait3A_54, %dma_wait3A_55] : memref<2x128xi32, #tpu.memory_space<vmem>> -> memref<1x128xi32, #tpu.memory_space<vmem>>
    %dma_wait3A_57 = tpu.memref_squeeze %dma_wait3A_56 : memref<1x128xi32, #tpu.memory_space<vmem>> -> memref<128xi32, #tpu.memory_space<vmem>>
    %dma_wait3A_58 = tpu.memref_slice %arg3[%mul3A_6] : memref<331904xi32, #tpu.memory_space<hbm>> -> memref<128xi32, #tpu.memory_space<hbm>>
    %dma_wait3A_59 = arith.constant 0 : i32
    %dma_wait3A_60 = tpu.memref_slice %arg8[%dma_wait3A_54, %dma_wait3A_59] : memref<2x128xi32, #tpu.memory_space<vmem>> -> memref<1x128xi32, #tpu.memory_space<vmem>>
    %dma_wait3A_61 = tpu.memref_squeeze %dma_wait3A_60 : memref<1x128xi32, #tpu.memory_space<vmem>> -> memref<128xi32, #tpu.memory_space<vmem>>
    %dma_wait3A_62 = tpu.memref_slice %arg3[%mul3A_6] : memref<331904xi32, #tpu.memory_space<hbm>> -> memref<128xi32, #tpu.memory_space<hbm>>
    tpu.wait_dma2 semaphore(%arg13 : memref<!tpu.dma_semaphore, #tpu.memory_space<semaphore_mem>>) src(%dma_wait3A_62 : memref<128xi32, #tpu.memory_space<hbm>>) dst(%dma_wait3A_61 : memref<128xi32, #tpu.memory_space<vmem>>)
    %dma_start3A_63 = arith.constant 0 : i32
    %dma_start3A_64 = arith.constant 0 : i32
    %dma_start3A_65 = arith.constant 0 : i32
    %dma_start3A_66 = arith.constant 0 : i32
    %dma_start3A_67 = tpu.memref_slice %arg9[%dma_start3A_64, %dma_start3A_65, %dma_start3A_66] : memref<2x128x128xf32, #tpu.memory_space<vmem>> -> memref<1x128x128xf32, #tpu.memory_space<vmem>>
    %dma_start3A_68 = tpu.memref_squeeze %dma_start3A_67 : memref<1x128x128xf32, #tpu.memory_space<vmem>> -> memref<128x128xf32, #tpu.memory_space<vmem>>
    %dma_start3A_69 = arith.constant 0 : i32
    %dma_start3A_70 = tpu.memref_slice %arg7[%dma_start3A_63, %dma_start3A_69] : memref<2x128xi32, #tpu.memory_space<vmem>> -> memref<1x128xi32, #tpu.memory_space<vmem>>
    %dma_start3A_71 = tpu.memref_squeeze %dma_start3A_70 : memref<1x128xi32, #tpu.memory_space<vmem>> -> memref<128xi32, #tpu.memory_space<vmem>>
    %dma_start3A_72 = arith.constant 0 : i32
    %dma_start3A_73 = arith.constant 0 : i32
    %dma_start3A_74 = tpu.memref_slice %arg4[%dma_start3A_72, %dma_start3A_73] : memref<10000x128xf32, #tpu.memory_space<hbm>> -> memref<10000x128xf32, #tpu.memory_space<hbm>>
    tpu.enqueue_indirect_dma source(%dma_start3A_74 : memref<10000x128xf32, #tpu.memory_space<hbm>>) target(%dma_start3A_68 : memref<128x128xf32, #tpu.memory_space<vmem>>) offsets(%dma_start3A_71 : memref<128xi32, #tpu.memory_space<vmem>>) semaphore(%arg11 : memref<!tpu.dma_semaphore, #tpu.memory_space<semaphore_mem>>)
    %scan3A = arith.constant 0 : i32
    %scan3A_75 = arith.constant 0 : i32
    %scan3A_76 = arith.constant 40 : i32
    %scan3A_77 = arith.addi %scan3A_75, %scan3A_76 : i32
    %scan3A_78 = arith.constant 1 : i32
    scf.for %scan3A_119 = %scan3A_75 to %scan3A_77 step %scan3A_78  : i32 {
      %mul3A_120 = arith.constant 2 : i32
      %mul3A_121 = arith.muli %mul3A_120, %scan3A_119 : i32
      %dma_wait3A_122 = arith.constant 1 : i32
      %dma_wait3A_123 = arith.constant 0 : i32
      %dma_wait3A_124 = tpu.memref_slice %arg7[%dma_wait3A_122, %dma_wait3A_123] : memref<2x128xi32, #tpu.memory_space<vmem>> -> memref<1x128xi32, #tpu.memory_space<vmem>>
      %dma_wait3A_125 = tpu.memref_squeeze %dma_wait3A_124 : memref<1x128xi32, #tpu.memory_space<vmem>> -> memref<128xi32, #tpu.memory_space<vmem>>
      %dma_wait3A_126 = tpu.memref_slice %arg2[%mul3A_6] : memref<331904xi32, #tpu.memory_space<hbm>> -> memref<128xi32, #tpu.memory_space<hbm>>
      %dma_wait3A_127 = arith.constant 0 : i32
      %dma_wait3A_128 = tpu.memref_slice %arg7[%dma_wait3A_122, %dma_wait3A_127] : memref<2x128xi32, #tpu.memory_space<vmem>> -> memref<1x128xi32, #tpu.memory_space<vmem>>
      %dma_wait3A_129 = tpu.memref_squeeze %dma_wait3A_128 : memref<1x128xi32, #tpu.memory_space<vmem>> -> memref<128xi32, #tpu.memory_space<vmem>>
      %dma_wait3A_130 = tpu.memref_slice %arg2[%mul3A_6] : memref<331904xi32, #tpu.memory_space<hbm>> -> memref<128xi32, #tpu.memory_space<hbm>>
      tpu.wait_dma2 semaphore(%arg14 : memref<!tpu.dma_semaphore, #tpu.memory_space<semaphore_mem>>) src(%dma_wait3A_130 : memref<128xi32, #tpu.memory_space<hbm>>) dst(%dma_wait3A_129 : memref<128xi32, #tpu.memory_space<vmem>>)
      %dma_wait3A_131 = arith.constant 1 : i32
      %dma_wait3A_132 = arith.constant 0 : i32
      %dma_wait3A_133 = tpu.memref_slice %arg8[%dma_wait3A_131, %dma_wait3A_132] : memref<2x128xi32, #tpu.memory_space<vmem>> -> memref<1x128xi32, #tpu.memory_space<vmem>>
      %dma_wait3A_134 = tpu.memref_squeeze %dma_wait3A_133 : memref<1x128xi32, #tpu.memory_space<vmem>> -> memref<128xi32, #tpu.memory_space<vmem>>
      %dma_wait3A_135 = tpu.memref_slice %arg3[%mul3A_6] : memref<331904xi32, #tpu.memory_space<hbm>> -> memref<128xi32, #tpu.memory_space<hbm>>
      %dma_wait3A_136 = arith.constant 0 : i32
      %dma_wait3A_137 = tpu.memref_slice %arg8[%dma_wait3A_131, %dma_wait3A_136] : memref<2x128xi32, #tpu.memory_space<vmem>> -> memref<1x128xi32, #tpu.memory_space<vmem>>
      %dma_wait3A_138 = tpu.memref_squeeze %dma_wait3A_137 : memref<1x128xi32, #tpu.memory_space<vmem>> -> memref<128xi32, #tpu.memory_space<vmem>>
      %dma_wait3A_139 = tpu.memref_slice %arg3[%mul3A_6] : memref<331904xi32, #tpu.memory_space<hbm>> -> memref<128xi32, #tpu.memory_space<hbm>>
      tpu.wait_dma2 semaphore(%arg14 : memref<!tpu.dma_semaphore, #tpu.memory_space<semaphore_mem>>) src(%dma_wait3A_139 : memref<128xi32, #tpu.memory_space<hbm>>) dst(%dma_wait3A_138 : memref<128xi32, #tpu.memory_space<vmem>>)
      %dma_start3A_140 = arith.constant 1 : i32
      %dma_start3A_141 = arith.constant 1 : i32
      %dma_start3A_142 = arith.constant 0 : i32
      %dma_start3A_143 = arith.constant 0 : i32
      %dma_start3A_144 = tpu.memref_slice %arg9[%dma_start3A_141, %dma_start3A_142, %dma_start3A_143] : memref<2x128x128xf32, #tpu.memory_space<vmem>> -> memref<1x128x128xf32, #tpu.memory_space<vmem>>
      %dma_start3A_145 = tpu.memref_squeeze %dma_start3A_144 : memref<1x128x128xf32, #tpu.memory_space<vmem>> -> memref<128x128xf32, #tpu.memory_space<vmem>>
      %dma_start3A_146 = arith.constant 0 : i32
      %dma_start3A_147 = tpu.memref_slice %arg7[%dma_start3A_140, %dma_start3A_146] : memref<2x128xi32, #tpu.memory_space<vmem>> -> memref<1x128xi32, #tpu.memory_space<vmem>>
      %dma_start3A_148 = tpu.memref_squeeze %dma_start3A_147 : memref<1x128xi32, #tpu.memory_space<vmem>> -> memref<128xi32, #tpu.memory_space<vmem>>
      %dma_start3A_149 = arith.constant 0 : i32
      %dma_start3A_150 = arith.constant 0 : i32
      %dma_start3A_151 = tpu.memref_slice %arg4[%dma_start3A_149, %dma_start3A_150] : memref<10000x128xf32, #tpu.memory_space<hbm>> -> memref<10000x128xf32, #tpu.memory_space<hbm>>
      tpu.enqueue_indirect_dma source(%dma_start3A_151 : memref<10000x128xf32, #tpu.memory_space<hbm>>) target(%dma_start3A_145 : memref<128x128xf32, #tpu.memory_space<vmem>>) offsets(%dma_start3A_148 : memref<128xi32, #tpu.memory_space<vmem>>) semaphore(%arg12 : memref<!tpu.dma_semaphore, #tpu.memory_space<semaphore_mem>>)
      %dma_wait3A_152 = arith.constant 0 : i32
      %dma_wait3A_153 = arith.constant 0 : i32
      %dma_wait3A_154 = arith.constant 0 : i32
      %dma_wait3A_155 = arith.constant 0 : i32
      %dma_wait3A_156 = tpu.memref_slice %arg9[%dma_wait3A_153, %dma_wait3A_154, %dma_wait3A_155] : memref<2x128x128xf32, #tpu.memory_space<vmem>> -> memref<1x128x128xf32, #tpu.memory_space<vmem>>
      %dma_wait3A_157 = tpu.memref_squeeze %dma_wait3A_156 : memref<1x128x128xf32, #tpu.memory_space<vmem>> -> memref<128x128xf32, #tpu.memory_space<vmem>>
      %dma_wait3A_158 = arith.constant 0 : i32
      %dma_wait3A_159 = tpu.memref_slice %arg7[%dma_wait3A_152, %dma_wait3A_158] : memref<2x128xi32, #tpu.memory_space<vmem>> -> memref<1x128xi32, #tpu.memory_space<vmem>>
      %dma_wait3A_160 = tpu.memref_squeeze %dma_wait3A_159 : memref<1x128xi32, #tpu.memory_space<vmem>> -> memref<128xi32, #tpu.memory_space<vmem>>
      %dma_wait3A_161 = arith.constant 0 : i32
      %dma_wait3A_162 = arith.constant 0 : i32
      %dma_wait3A_163 = tpu.memref_slice %arg4[%dma_wait3A_161, %dma_wait3A_162] : memref<10000x128xf32, #tpu.memory_space<hbm>> -> memref<10000x128xf32, #tpu.memory_space<hbm>>
      tpu.wait_indirect_dma semaphore(%arg11 : memref<!tpu.dma_semaphore, #tpu.memory_space<semaphore_mem>>) src(%dma_wait3A_163 : memref<10000x128xf32, #tpu.memory_space<hbm>>) dst(%dma_wait3A_157 : memref<128x128xf32, #tpu.memory_space<vmem>>)
      %run_scoped3A_164 = arith.constant 0 : i32
      %run_scoped3A_165 = arith.constant 0 : i32
      "tpu.region"() ({
        %run_scoped3A_260 = tpu.sem_alloc : memref<!tpu.dma_semaphore, #tpu.memory_space<semaphore_mem>>
        %dma_start3A_261 = arith.constant 0 : i32
        %dma_start3A_262 = arith.constant 0 : i32
        %dma_start3A_263 = tpu.memref_slice %arg9[%run_scoped3A_164, %dma_start3A_261, %dma_start3A_262] : memref<2x128x128xf32, #tpu.memory_space<vmem>> -> memref<1x128x128xf32, #tpu.memory_space<vmem>>
        %dma_start3A_264 = tpu.memref_squeeze %dma_start3A_263 : memref<1x128x128xf32, #tpu.memory_space<vmem>> -> memref<128x128xf32, #tpu.memory_space<vmem>>
        %dma_start3A_265 = arith.constant 0 : i32
        %dma_start3A_266 = tpu.memref_slice %arg8[%run_scoped3A_165, %dma_start3A_265] : memref<2x128xi32, #tpu.memory_space<vmem>> -> memref<1x128xi32, #tpu.memory_space<vmem>>
        %dma_start3A_267 = tpu.memref_squeeze %dma_start3A_266 : memref<1x128xi32, #tpu.memory_space<vmem>> -> memref<128xi32, #tpu.memory_space<vmem>>
        %dma_start3A_268 = arith.constant 0 : i32
        %dma_start3A_269 = arith.constant 0 : i32
        %dma_start3A_270 = tpu.memref_slice %arg10[%dma_start3A_268, %dma_start3A_269] : memref<10016x128xf32, #tpu.memory_space<vmem_shared>> -> memref<10016x128xf32, #tpu.memory_space<vmem_shared>>
        tpu.enqueue_indirect_dma source(%dma_start3A_264 : memref<128x128xf32, #tpu.memory_space<vmem>>) target(%dma_start3A_270 : memref<10016x128xf32, #tpu.memory_space<vmem_shared>>) offsets(%dma_start3A_267 : memref<128xi32, #tpu.memory_space<vmem>>) semaphore(%run_scoped3A_260 : memref<!tpu.dma_semaphore, #tpu.memory_space<semaphore_mem>>) {add = true}
        %dma_wait3A_271 = arith.constant 0 : i32
        %dma_wait3A_272 = arith.constant 0 : i32
        %dma_wait3A_273 = tpu.memref_slice %arg9[%run_scoped3A_164, %dma_wait3A_271, %dma_wait3A_272] : memref<2x128x128xf32, #tpu.memory_space<vmem>> -> memref<1x128x128xf32, #tpu.memory_space<vmem>>
        %dma_wait3A_274 = tpu.memref_squeeze %dma_wait3A_273 : memref<1x128x128xf32, #tpu.memory_space<vmem>> -> memref<128x128xf32, #tpu.memory_space<vmem>>
        %dma_wait3A_275 = arith.constant 0 : i32
        %dma_wait3A_276 = tpu.memref_slice %arg8[%run_scoped3A_165, %dma_wait3A_275] : memref<2x128xi32, #tpu.memory_space<vmem>> -> memref<1x128xi32, #tpu.memory_space<vmem>>
        %dma_wait3A_277 = tpu.memref_squeeze %dma_wait3A_276 : memref<1x128xi32, #tpu.memory_space<vmem>> -> memref<128xi32, #tpu.memory_space<vmem>>
        %dma_wait3A_278 = arith.constant 0 : i32
        %dma_wait3A_279 = arith.constant 0 : i32
        %dma_wait3A_280 = tpu.memref_slice %arg10[%dma_wait3A_278, %dma_wait3A_279] : memref<10016x128xf32, #tpu.memory_space<vmem_shared>> -> memref<10016x128xf32, #tpu.memory_space<vmem_shared>>
        tpu.wait_indirect_dma semaphore(%run_scoped3A_260 : memref<!tpu.dma_semaphore, #tpu.memory_space<semaphore_mem>>) src(%dma_wait3A_274 : memref<128x128xf32, #tpu.memory_space<vmem>>) dst(%dma_wait3A_280 : memref<10016x128xf32, #tpu.memory_space<vmem_shared>>)
        tpu.yield
      }) : () -> ()
      %add3A_166 = arith.constant 2 : i32
      %add3A_167 = arith.addi %mul3A_121, %add3A_166 : i32
      %mul3A_168 = arith.constant 128 : i32
      %mul3A_169 = arith.muli %add3A_167, %mul3A_168 : i32
      %add3A_170 = arith.addi %mul3A_6, %mul3A_169 : i32
      %dma_start3A_171 = arith.constant 0 : i32
      %dma_start3A_172 = arith.constant 0 : i32
      %dma_start3A_173 = tpu.memref_slice %arg7[%dma_start3A_171, %dma_start3A_172] : memref<2x128xi32, #tpu.memory_space<vmem>> -> memref<1x128xi32, #tpu.memory_space<vmem>>
      %dma_start3A_174 = tpu.memref_squeeze %dma_start3A_173 : memref<1x128xi32, #tpu.memory_space<vmem>> -> memref<128xi32, #tpu.memory_space<vmem>>
      %dma_start3A_175 = tpu.memref_slice %arg2[%add3A_170] : memref<331904xi32, #tpu.memory_space<hbm>> -> memref<128xi32, #tpu.memory_space<hbm>>
      %dma_start3A_176 = arith.constant 0 : i32
      %dma_start3A_177 = tpu.memref_slice %arg7[%dma_start3A_171, %dma_start3A_176] : memref<2x128xi32, #tpu.memory_space<vmem>> -> memref<1x128xi32, #tpu.memory_space<vmem>>
      %dma_start3A_178 = tpu.memref_squeeze %dma_start3A_177 : memref<1x128xi32, #tpu.memory_space<vmem>> -> memref<128xi32, #tpu.memory_space<vmem>>
      %dma_start3A_179 = tpu.memref_slice %arg2[%add3A_170] : memref<331904xi32, #tpu.memory_space<hbm>> -> memref<128xi32, #tpu.memory_space<hbm>>
      tpu.enqueue_dma source(%dma_start3A_179 : memref<128xi32, #tpu.memory_space<hbm>>) target(%dma_start3A_178 : memref<128xi32, #tpu.memory_space<vmem>>) target_semaphore(%arg13 : memref<!tpu.dma_semaphore, #tpu.memory_space<semaphore_mem>>)
      %dma_start3A_180 = arith.constant 0 : i32
      %dma_start3A_181 = arith.constant 0 : i32
      %dma_start3A_182 = tpu.memref_slice %arg8[%dma_start3A_180, %dma_start3A_181] : memref<2x128xi32, #tpu.memory_space<vmem>> -> memref<1x128xi32, #tpu.memory_space<vmem>>
      %dma_start3A_183 = tpu.memref_squeeze %dma_start3A_182 : memref<1x128xi32, #tpu.memory_space<vmem>> -> memref<128xi32, #tpu.memory_space<vmem>>
      %dma_start3A_184 = tpu.memref_slice %arg3[%add3A_170] : memref<331904xi32, #tpu.memory_space<hbm>> -> memref<128xi32, #tpu.memory_space<hbm>>
      %dma_start3A_185 = arith.constant 0 : i32
      %dma_start3A_186 = tpu.memref_slice %arg8[%dma_start3A_180, %dma_start3A_185] : memref<2x128xi32, #tpu.memory_space<vmem>> -> memref<1x128xi32, #tpu.memory_space<vmem>>
      %dma_start3A_187 = tpu.memref_squeeze %dma_start3A_186 : memref<1x128xi32, #tpu.memory_space<vmem>> -> memref<128xi32, #tpu.memory_space<vmem>>
      %dma_start3A_188 = tpu.memref_slice %arg3[%add3A_170] : memref<331904xi32, #tpu.memory_space<hbm>> -> memref<128xi32, #tpu.memory_space<hbm>>
      tpu.enqueue_dma source(%dma_start3A_188 : memref<128xi32, #tpu.memory_space<hbm>>) target(%dma_start3A_187 : memref<128xi32, #tpu.memory_space<vmem>>) target_semaphore(%arg13 : memref<!tpu.dma_semaphore, #tpu.memory_space<semaphore_mem>>)
      %mul3A_189 = arith.constant 2 : i32
      %mul3A_190 = arith.muli %mul3A_189, %scan3A_119 : i32
      %add3A_191 = arith.constant 1 : i32
      %add3A_192 = arith.addi %mul3A_190, %add3A_191 : i32
      %dma_wait3A_193 = arith.constant 0 : i32
      %dma_wait3A_194 = arith.constant 0 : i32
      %dma_wait3A_195 = tpu.memref_slice %arg7[%dma_wait3A_193, %dma_wait3A_194] : memref<2x128xi32, #tpu.memory_space<vmem>> -> memref<1x128xi32, #tpu.memory_space<vmem>>
      %dma_wait3A_196 = tpu.memref_squeeze %dma_wait3A_195 : memref<1x128xi32, #tpu.memory_space<vmem>> -> memref<128xi32, #tpu.memory_space<vmem>>
      %dma_wait3A_197 = tpu.memref_slice %arg2[%mul3A_6] : memref<331904xi32, #tpu.memory_space<hbm>> -> memref<128xi32, #tpu.memory_space<hbm>>
      %dma_wait3A_198 = arith.constant 0 : i32
      %dma_wait3A_199 = tpu.memref_slice %arg7[%dma_wait3A_193, %dma_wait3A_198] : memref<2x128xi32, #tpu.memory_space<vmem>> -> memref<1x128xi32, #tpu.memory_space<vmem>>
      %dma_wait3A_200 = tpu.memref_squeeze %dma_wait3A_199 : memref<1x128xi32, #tpu.memory_space<vmem>> -> memref<128xi32, #tpu.memory_space<vmem>>
      %dma_wait3A_201 = tpu.memref_slice %arg2[%mul3A_6] : memref<331904xi32, #tpu.memory_space<hbm>> -> memref<128xi32, #tpu.memory_space<hbm>>
      tpu.wait_dma2 semaphore(%arg13 : memref<!tpu.dma_semaphore, #tpu.memory_space<semaphore_mem>>) src(%dma_wait3A_201 : memref<128xi32, #tpu.memory_space<hbm>>) dst(%dma_wait3A_200 : memref<128xi32, #tpu.memory_space<vmem>>)
      %dma_wait3A_202 = arith.constant 0 : i32
      %dma_wait3A_203 = arith.constant 0 : i32
      %dma_wait3A_204 = tpu.memref_slice %arg8[%dma_wait3A_202, %dma_wait3A_203] : memref<2x128xi32, #tpu.memory_space<vmem>> -> memref<1x128xi32, #tpu.memory_space<vmem>>
      %dma_wait3A_205 = tpu.memref_squeeze %dma_wait3A_204 : memref<1x128xi32, #tpu.memory_space<vmem>> -> memref<128xi32, #tpu.memory_space<vmem>>
      %dma_wait3A_206 = tpu.memref_slice %arg3[%mul3A_6] : memref<331904xi32, #tpu.memory_space<hbm>> -> memref<128xi32, #tpu.memory_space<hbm>>
      %dma_wait3A_207 = arith.constant 0 : i32
      %dma_wait3A_208 = tpu.memref_slice %arg8[%dma_wait3A_202, %dma_wait3A_207] : memref<2x128xi32, #tpu.memory_space<vmem>> -> memref<1x128xi32, #tpu.memory_space<vmem>>
      %dma_wait3A_209 = tpu.memref_squeeze %dma_wait3A_208 : memref<1x128xi32, #tpu.memory_space<vmem>> -> memref<128xi32, #tpu.memory_space<vmem>>
      %dma_wait3A_210 = tpu.memref_slice %arg3[%mul3A_6] : memref<331904xi32, #tpu.memory_space<hbm>> -> memref<128xi32, #tpu.memory_space<hbm>>
      tpu.wait_dma2 semaphore(%arg13 : memref<!tpu.dma_semaphore, #tpu.memory_space<semaphore_mem>>) src(%dma_wait3A_210 : memref<128xi32, #tpu.memory_space<hbm>>) dst(%dma_wait3A_209 : memref<128xi32, #tpu.memory_space<vmem>>)
      %dma_start3A_211 = arith.constant 0 : i32
      %dma_start3A_212 = arith.constant 0 : i32
      %dma_start3A_213 = arith.constant 0 : i32
      %dma_start3A_214 = arith.constant 0 : i32
      %dma_start3A_215 = tpu.memref_slice %arg9[%dma_start3A_212, %dma_start3A_213, %dma_start3A_214] : memref<2x128x128xf32, #tpu.memory_space<vmem>> -> memref<1x128x128xf32, #tpu.memory_space<vmem>>
      %dma_start3A_216 = tpu.memref_squeeze %dma_start3A_215 : memref<1x128x128xf32, #tpu.memory_space<vmem>> -> memref<128x128xf32, #tpu.memory_space<vmem>>
      %dma_start3A_217 = arith.constant 0 : i32
      %dma_start3A_218 = tpu.memref_slice %arg7[%dma_start3A_211, %dma_start3A_217] : memref<2x128xi32, #tpu.memory_space<vmem>> -> memref<1x128xi32, #tpu.memory_space<vmem>>
      %dma_start3A_219 = tpu.memref_squeeze %dma_start3A_218 : memref<1x128xi32, #tpu.memory_space<vmem>> -> memref<128xi32, #tpu.memory_space<vmem>>
      %dma_start3A_220 = arith.constant 0 : i32
      %dma_start3A_221 = arith.constant 0 : i32
      %dma_start3A_222 = tpu.memref_slice %arg4[%dma_start3A_220, %dma_start3A_221] : memref<10000x128xf32, #tpu.memory_space<hbm>> -> memref<10000x128xf32, #tpu.memory_space<hbm>>
      tpu.enqueue_indirect_dma source(%dma_start3A_222 : memref<10000x128xf32, #tpu.memory_space<hbm>>) target(%dma_start3A_216 : memref<128x128xf32, #tpu.memory_space<vmem>>) offsets(%dma_start3A_219 : memref<128xi32, #tpu.memory_space<vmem>>) semaphore(%arg11 : memref<!tpu.dma_semaphore, #tpu.memory_space<semaphore_mem>>)
      %dma_wait3A_223 = arith.constant 1 : i32
      %dma_wait3A_224 = arith.constant 1 : i32
      %dma_wait3A_225 = arith.constant 0 : i32
      %dma_wait3A_226 = arith.constant 0 : i32
      %dma_wait3A_227 = tpu.memref_slice %arg9[%dma_wait3A_224, %dma_wait3A_225, %dma_wait3A_226] : memref<2x128x128xf32, #tpu.memory_space<vmem>> -> memref<1x128x128xf32, #tpu.memory_space<vmem>>
      %dma_wait3A_228 = tpu.memref_squeeze %dma_wait3A_227 : memref<1x128x128xf32, #tpu.memory_space<vmem>> -> memref<128x128xf32, #tpu.memory_space<vmem>>
      %dma_wait3A_229 = arith.constant 0 : i32
      %dma_wait3A_230 = tpu.memref_slice %arg7[%dma_wait3A_223, %dma_wait3A_229] : memref<2x128xi32, #tpu.memory_space<vmem>> -> memref<1x128xi32, #tpu.memory_space<vmem>>
      %dma_wait3A_231 = tpu.memref_squeeze %dma_wait3A_230 : memref<1x128xi32, #tpu.memory_space<vmem>> -> memref<128xi32, #tpu.memory_space<vmem>>
      %dma_wait3A_232 = arith.constant 0 : i32
      %dma_wait3A_233 = arith.constant 0 : i32
      %dma_wait3A_234 = tpu.memref_slice %arg4[%dma_wait3A_232, %dma_wait3A_233] : memref<10000x128xf32, #tpu.memory_space<hbm>> -> memref<10000x128xf32, #tpu.memory_space<hbm>>
      tpu.wait_indirect_dma semaphore(%arg12 : memref<!tpu.dma_semaphore, #tpu.memory_space<semaphore_mem>>) src(%dma_wait3A_234 : memref<10000x128xf32, #tpu.memory_space<hbm>>) dst(%dma_wait3A_228 : memref<128x128xf32, #tpu.memory_space<vmem>>)
      %run_scoped3A_235 = arith.constant 1 : i32
      %run_scoped3A_236 = arith.constant 1 : i32
      "tpu.region"() ({
        %run_scoped3A_260 = tpu.sem_alloc : memref<!tpu.dma_semaphore, #tpu.memory_space<semaphore_mem>>
        %dma_start3A_261 = arith.constant 0 : i32
        %dma_start3A_262 = arith.constant 0 : i32
        %dma_start3A_263 = tpu.memref_slice %arg9[%run_scoped3A_235, %dma_start3A_261, %dma_start3A_262] : memref<2x128x128xf32, #tpu.memory_space<vmem>> -> memref<1x128x128xf32, #tpu.memory_space<vmem>>
        %dma_start3A_264 = tpu.memref_squeeze %dma_start3A_263 : memref<1x128x128xf32, #tpu.memory_space<vmem>> -> memref<128x128xf32, #tpu.memory_space<vmem>>
        %dma_start3A_265 = arith.constant 0 : i32
        %dma_start3A_266 = tpu.memref_slice %arg8[%run_scoped3A_236, %dma_start3A_265] : memref<2x128xi32, #tpu.memory_space<vmem>> -> memref<1x128xi32, #tpu.memory_space<vmem>>
        %dma_start3A_267 = tpu.memref_squeeze %dma_start3A_266 : memref<1x128xi32, #tpu.memory_space<vmem>> -> memref<128xi32, #tpu.memory_space<vmem>>
        %dma_start3A_268 = arith.constant 0 : i32
        %dma_start3A_269 = arith.constant 0 : i32
        %dma_start3A_270 = tpu.memref_slice %arg10[%dma_start3A_268, %dma_start3A_269] : memref<10016x128xf32, #tpu.memory_space<vmem_shared>> -> memref<10016x128xf32, #tpu.memory_space<vmem_shared>>
        tpu.enqueue_indirect_dma source(%dma_start3A_264 : memref<128x128xf32, #tpu.memory_space<vmem>>) target(%dma_start3A_270 : memref<10016x128xf32, #tpu.memory_space<vmem_shared>>) offsets(%dma_start3A_267 : memref<128xi32, #tpu.memory_space<vmem>>) semaphore(%run_scoped3A_260 : memref<!tpu.dma_semaphore, #tpu.memory_space<semaphore_mem>>) {add = true}
        %dma_wait3A_271 = arith.constant 0 : i32
        %dma_wait3A_272 = arith.constant 0 : i32
        %dma_wait3A_273 = tpu.memref_slice %arg9[%run_scoped3A_235, %dma_wait3A_271, %dma_wait3A_272] : memref<2x128x128xf32, #tpu.memory_space<vmem>> -> memref<1x128x128xf32, #tpu.memory_space<vmem>>
        %dma_wait3A_274 = tpu.memref_squeeze %dma_wait3A_273 : memref<1x128x128xf32, #tpu.memory_space<vmem>> -> memref<128x128xf32, #tpu.memory_space<vmem>>
        %dma_wait3A_275 = arith.constant 0 : i32
        %dma_wait3A_276 = tpu.memref_slice %arg8[%run_scoped3A_236, %dma_wait3A_275] : memref<2x128xi32, #tpu.memory_space<vmem>> -> memref<1x128xi32, #tpu.memory_space<vmem>>
        %dma_wait3A_277 = tpu.memref_squeeze %dma_wait3A_276 : memref<1x128xi32, #tpu.memory_space<vmem>> -> memref<128xi32, #tpu.memory_space<vmem>>
        %dma_wait3A_278 = arith.constant 0 : i32
        %dma_wait3A_279 = arith.constant 0 : i32
        %dma_wait3A_280 = tpu.memref_slice %arg10[%dma_wait3A_278, %dma_wait3A_279] : memref<10016x128xf32, #tpu.memory_space<vmem_shared>> -> memref<10016x128xf32, #tpu.memory_space<vmem_shared>>
        tpu.wait_indirect_dma semaphore(%run_scoped3A_260 : memref<!tpu.dma_semaphore, #tpu.memory_space<semaphore_mem>>) src(%dma_wait3A_274 : memref<128x128xf32, #tpu.memory_space<vmem>>) dst(%dma_wait3A_280 : memref<10016x128xf32, #tpu.memory_space<vmem_shared>>)
        tpu.yield
      }) : () -> ()
      %add3A_237 = arith.constant 2 : i32
      %add3A_238 = arith.addi %add3A_192, %add3A_237 : i32
      %mul3A_239 = arith.constant 128 : i32
      %mul3A_240 = arith.muli %add3A_238, %mul3A_239 : i32
      %add3A_241 = arith.addi %mul3A_6, %mul3A_240 : i32
      %dma_start3A_242 = arith.constant 1 : i32
      %dma_start3A_243 = arith.constant 0 : i32
      %dma_start3A_244 = tpu.memref_slice %arg7[%dma_start3A_242, %dma_start3A_243] : memref<2x128xi32, #tpu.memory_space<vmem>> -> memref<1x128xi32, #tpu.memory_space<vmem>>
      %dma_start3A_245 = tpu.memref_squeeze %dma_start3A_244 : memref<1x128xi32, #tpu.memory_space<vmem>> -> memref<128xi32, #tpu.memory_space<vmem>>
      %dma_start3A_246 = tpu.memref_slice %arg2[%add3A_241] : memref<331904xi32, #tpu.memory_space<hbm>> -> memref<128xi32, #tpu.memory_space<hbm>>
      %dma_start3A_247 = arith.constant 0 : i32
      %dma_start3A_248 = tpu.memref_slice %arg7[%dma_start3A_242, %dma_start3A_247] : memref<2x128xi32, #tpu.memory_space<vmem>> -> memref<1x128xi32, #tpu.memory_space<vmem>>
      %dma_start3A_249 = tpu.memref_squeeze %dma_start3A_248 : memref<1x128xi32, #tpu.memory_space<vmem>> -> memref<128xi32, #tpu.memory_space<vmem>>
      %dma_start3A_250 = tpu.memref_slice %arg2[%add3A_241] : memref<331904xi32, #tpu.memory_space<hbm>> -> memref<128xi32, #tpu.memory_space<hbm>>
      tpu.enqueue_dma source(%dma_start3A_250 : memref<128xi32, #tpu.memory_space<hbm>>) target(%dma_start3A_249 : memref<128xi32, #tpu.memory_space<vmem>>) target_semaphore(%arg14 : memref<!tpu.dma_semaphore, #tpu.memory_space<semaphore_mem>>)
      %dma_start3A_251 = arith.constant 1 : i32
      %dma_start3A_252 = arith.constant 0 : i32
      %dma_start3A_253 = tpu.memref_slice %arg8[%dma_start3A_251, %dma_start3A_252] : memref<2x128xi32, #tpu.memory_space<vmem>> -> memref<1x128xi32, #tpu.memory_space<vmem>>
      %dma_start3A_254 = tpu.memref_squeeze %dma_start3A_253 : memref<1x128xi32, #tpu.memory_space<vmem>> -> memref<128xi32, #tpu.memory_space<vmem>>
      %dma_start3A_255 = tpu.memref_slice %arg3[%add3A_241] : memref<331904xi32, #tpu.memory_space<hbm>> -> memref<128xi32, #tpu.memory_space<hbm>>
      %dma_start3A_256 = arith.constant 0 : i32
      %dma_start3A_257 = tpu.memref_slice %arg8[%dma_start3A_251, %dma_start3A_256] : memref<2x128xi32, #tpu.memory_space<vmem>> -> memref<1x128xi32, #tpu.memory_space<vmem>>
      %dma_start3A_258 = tpu.memref_squeeze %dma_start3A_257 : memref<1x128xi32, #tpu.memory_space<vmem>> -> memref<128xi32, #tpu.memory_space<vmem>>
      %dma_start3A_259 = tpu.memref_slice %arg3[%add3A_241] : memref<331904xi32, #tpu.memory_space<hbm>> -> memref<128xi32, #tpu.memory_space<hbm>>
      tpu.enqueue_dma source(%dma_start3A_259 : memref<128xi32, #tpu.memory_space<hbm>>) target(%dma_start3A_258 : memref<128xi32, #tpu.memory_space<vmem>>) target_semaphore(%arg14 : memref<!tpu.dma_semaphore, #tpu.memory_space<semaphore_mem>>)
    }
    %scan3A_79 = arith.constant 40 : i32
    %dma_wait3A_80 = arith.constant 0 : i32
    %dma_wait3A_81 = arith.constant 0 : i32
    %dma_wait3A_82 = arith.constant 0 : i32
    %dma_wait3A_83 = arith.constant 0 : i32
    %dma_wait3A_84 = tpu.memref_slice %arg9[%dma_wait3A_81, %dma_wait3A_82, %dma_wait3A_83] : memref<2x128x128xf32, #tpu.memory_space<vmem>> -> memref<1x128x128xf32, #tpu.memory_space<vmem>>
    %dma_wait3A_85 = tpu.memref_squeeze %dma_wait3A_84 : memref<1x128x128xf32, #tpu.memory_space<vmem>> -> memref<128x128xf32, #tpu.memory_space<vmem>>
    %dma_wait3A_86 = arith.constant 0 : i32
    %dma_wait3A_87 = tpu.memref_slice %arg7[%dma_wait3A_80, %dma_wait3A_86] : memref<2x128xi32, #tpu.memory_space<vmem>> -> memref<1x128xi32, #tpu.memory_space<vmem>>
    %dma_wait3A_88 = tpu.memref_squeeze %dma_wait3A_87 : memref<1x128xi32, #tpu.memory_space<vmem>> -> memref<128xi32, #tpu.memory_space<vmem>>
    %dma_wait3A_89 = arith.constant 0 : i32
    %dma_wait3A_90 = arith.constant 0 : i32
    %dma_wait3A_91 = tpu.memref_slice %arg4[%dma_wait3A_89, %dma_wait3A_90] : memref<10000x128xf32, #tpu.memory_space<hbm>> -> memref<10000x128xf32, #tpu.memory_space<hbm>>
    tpu.wait_indirect_dma semaphore(%arg11 : memref<!tpu.dma_semaphore, #tpu.memory_space<semaphore_mem>>) src(%dma_wait3A_91 : memref<10000x128xf32, #tpu.memory_space<hbm>>) dst(%dma_wait3A_85 : memref<128x128xf32, #tpu.memory_space<vmem>>)
    %run_scoped3A = arith.constant 0 : i32
    %run_scoped3A_92 = arith.constant 0 : i32
    "tpu.region"() ({
      %run_scoped3A_119 = tpu.sem_alloc : memref<!tpu.dma_semaphore, #tpu.memory_space<semaphore_mem>>
      %dma_start3A_120 = arith.constant 0 : i32
      %dma_start3A_121 = arith.constant 0 : i32
      %dma_start3A_122 = tpu.memref_slice %arg9[%run_scoped3A, %dma_start3A_120, %dma_start3A_121] : memref<2x128x128xf32, #tpu.memory_space<vmem>> -> memref<1x128x128xf32, #tpu.memory_space<vmem>>
      %dma_start3A_123 = tpu.memref_squeeze %dma_start3A_122 : memref<1x128x128xf32, #tpu.memory_space<vmem>> -> memref<128x128xf32, #tpu.memory_space<vmem>>
      %dma_start3A_124 = arith.constant 0 : i32
      %dma_start3A_125 = tpu.memref_slice %arg8[%run_scoped3A_92, %dma_start3A_124] : memref<2x128xi32, #tpu.memory_space<vmem>> -> memref<1x128xi32, #tpu.memory_space<vmem>>
      %dma_start3A_126 = tpu.memref_squeeze %dma_start3A_125 : memref<1x128xi32, #tpu.memory_space<vmem>> -> memref<128xi32, #tpu.memory_space<vmem>>
      %dma_start3A_127 = arith.constant 0 : i32
      %dma_start3A_128 = arith.constant 0 : i32
      %dma_start3A_129 = tpu.memref_slice %arg10[%dma_start3A_127, %dma_start3A_128] : memref<10016x128xf32, #tpu.memory_space<vmem_shared>> -> memref<10016x128xf32, #tpu.memory_space<vmem_shared>>
      tpu.enqueue_indirect_dma source(%dma_start3A_123 : memref<128x128xf32, #tpu.memory_space<vmem>>) target(%dma_start3A_129 : memref<10016x128xf32, #tpu.memory_space<vmem_shared>>) offsets(%dma_start3A_126 : memref<128xi32, #tpu.memory_space<vmem>>) semaphore(%run_scoped3A_119 : memref<!tpu.dma_semaphore, #tpu.memory_space<semaphore_mem>>) {add = true}
      %dma_wait3A_130 = arith.constant 0 : i32
      %dma_wait3A_131 = arith.constant 0 : i32
      %dma_wait3A_132 = tpu.memref_slice %arg9[%run_scoped3A, %dma_wait3A_130, %dma_wait3A_131] : memref<2x128x128xf32, #tpu.memory_space<vmem>> -> memref<1x128x128xf32, #tpu.memory_space<vmem>>
      %dma_wait3A_133 = tpu.memref_squeeze %dma_wait3A_132 : memref<1x128x128xf32, #tpu.memory_space<vmem>> -> memref<128x128xf32, #tpu.memory_space<vmem>>
      %dma_wait3A_134 = arith.constant 0 : i32
      %dma_wait3A_135 = tpu.memref_slice %arg8[%run_scoped3A_92, %dma_wait3A_134] : memref<2x128xi32, #tpu.memory_space<vmem>> -> memref<1x128xi32, #tpu.memory_space<vmem>>
      %dma_wait3A_136 = tpu.memref_squeeze %dma_wait3A_135 : memref<1x128xi32, #tpu.memory_space<vmem>> -> memref<128xi32, #tpu.memory_space<vmem>>
      %dma_wait3A_137 = arith.constant 0 : i32
      %dma_wait3A_138 = arith.constant 0 : i32
      %dma_wait3A_139 = tpu.memref_slice %arg10[%dma_wait3A_137, %dma_wait3A_138] : memref<10016x128xf32, #tpu.memory_space<vmem_shared>> -> memref<10016x128xf32, #tpu.memory_space<vmem_shared>>
      tpu.wait_indirect_dma semaphore(%run_scoped3A_119 : memref<!tpu.dma_semaphore, #tpu.memory_space<semaphore_mem>>) src(%dma_wait3A_133 : memref<128x128xf32, #tpu.memory_space<vmem>>) dst(%dma_wait3A_139 : memref<10016x128xf32, #tpu.memory_space<vmem_shared>>)
      tpu.yield
    }) : () -> ()
    %dma_wait3A_93 = arith.constant 1 : i32
    %dma_wait3A_94 = arith.constant 0 : i32
    %dma_wait3A_95 = tpu.memref_slice %arg7[%dma_wait3A_93, %dma_wait3A_94] : memref<2x128xi32, #tpu.memory_space<vmem>> -> memref<1x128xi32, #tpu.memory_space<vmem>>
    %dma_wait3A_96 = tpu.memref_squeeze %dma_wait3A_95 : memref<1x128xi32, #tpu.memory_space<vmem>> -> memref<128xi32, #tpu.memory_space<vmem>>
    %dma_wait3A_97 = tpu.memref_slice %arg2[%mul3A_6] : memref<331904xi32, #tpu.memory_space<hbm>> -> memref<128xi32, #tpu.memory_space<hbm>>
    %dma_wait3A_98 = arith.constant 0 : i32
    %dma_wait3A_99 = tpu.memref_slice %arg7[%dma_wait3A_93, %dma_wait3A_98] : memref<2x128xi32, #tpu.memory_space<vmem>> -> memref<1x128xi32, #tpu.memory_space<vmem>>
    %dma_wait3A_100 = tpu.memref_squeeze %dma_wait3A_99 : memref<1x128xi32, #tpu.memory_space<vmem>> -> memref<128xi32, #tpu.memory_space<vmem>>
    %dma_wait3A_101 = tpu.memref_slice %arg2[%mul3A_6] : memref<331904xi32, #tpu.memory_space<hbm>> -> memref<128xi32, #tpu.memory_space<hbm>>
    tpu.wait_dma2 semaphore(%arg14 : memref<!tpu.dma_semaphore, #tpu.memory_space<semaphore_mem>>) src(%dma_wait3A_101 : memref<128xi32, #tpu.memory_space<hbm>>) dst(%dma_wait3A_100 : memref<128xi32, #tpu.memory_space<vmem>>)
    %dma_wait3A_102 = arith.constant 1 : i32
    %dma_wait3A_103 = arith.constant 0 : i32
    %dma_wait3A_104 = tpu.memref_slice %arg8[%dma_wait3A_102, %dma_wait3A_103] : memref<2x128xi32, #tpu.memory_space<vmem>> -> memref<1x128xi32, #tpu.memory_space<vmem>>
    %dma_wait3A_105 = tpu.memref_squeeze %dma_wait3A_104 : memref<1x128xi32, #tpu.memory_space<vmem>> -> memref<128xi32, #tpu.memory_space<vmem>>
    %dma_wait3A_106 = tpu.memref_slice %arg3[%mul3A_6] : memref<331904xi32, #tpu.memory_space<hbm>> -> memref<128xi32, #tpu.memory_space<hbm>>
    %dma_wait3A_107 = arith.constant 0 : i32
    %dma_wait3A_108 = tpu.memref_slice %arg8[%dma_wait3A_102, %dma_wait3A_107] : memref<2x128xi32, #tpu.memory_space<vmem>> -> memref<1x128xi32, #tpu.memory_space<vmem>>
    %dma_wait3A_109 = tpu.memref_squeeze %dma_wait3A_108 : memref<1x128xi32, #tpu.memory_space<vmem>> -> memref<128xi32, #tpu.memory_space<vmem>>
    %dma_wait3A_110 = tpu.memref_slice %arg3[%mul3A_6] : memref<331904xi32, #tpu.memory_space<hbm>> -> memref<128xi32, #tpu.memory_space<hbm>>
    tpu.wait_dma2 semaphore(%arg14 : memref<!tpu.dma_semaphore, #tpu.memory_space<semaphore_mem>>) src(%dma_wait3A_110 : memref<128xi32, #tpu.memory_space<hbm>>) dst(%dma_wait3A_109 : memref<128xi32, #tpu.memory_space<vmem>>)
    %barrier3A_111 = arith.constant 0 : index
    tpu.barrier barrier_id(%barrier3A_111)
    %mul3A_112 = arith.constant 624 : i32
    %mul3A_113 = arith.muli %arg1, %mul3A_112 : i32
    "tpu.region"() ({
      %run_scoped3A_119 = tpu.sem_alloc : memref<!tpu.dma_semaphore, #tpu.memory_space<semaphore_mem>>
      %dma_start3A_120 = arith.constant 0 : i32
      %dma_start3A_121 = tpu.memref_slice %arg6[%arg0, %mul3A_113, %dma_start3A_120] : memref<2x10000x128xf32, #tpu.memory_space<hbm>> -> memref<1x624x128xf32, #tpu.memory_space<hbm>>
      %dma_start3A_122 = tpu.memref_squeeze %dma_start3A_121 : memref<1x624x128xf32, #tpu.memory_space<hbm>> -> memref<624x128xf32, #tpu.memory_space<hbm>>
      %dma_start3A_123 = arith.constant 0 : i32
      %dma_start3A_124 = tpu.memref_slice %arg10[%mul3A_113, %dma_start3A_123] : memref<10016x128xf32, #tpu.memory_space<vmem_shared>> -> memref<624x128xf32, #tpu.memory_space<vmem_shared>>
      tpu.enqueue_dma source(%dma_start3A_124 : memref<624x128xf32, #tpu.memory_space<vmem_shared>>) target(%dma_start3A_122 : memref<624x128xf32, #tpu.memory_space<hbm>>) target_semaphore(%run_scoped3A_119 : memref<!tpu.dma_semaphore, #tpu.memory_space<semaphore_mem>>)
      %dma_wait3A_125 = arith.constant 0 : i32
      %dma_wait3A_126 = tpu.memref_slice %arg6[%arg0, %mul3A_113, %dma_wait3A_125] : memref<2x10000x128xf32, #tpu.memory_space<hbm>> -> memref<1x624x128xf32, #tpu.memory_space<hbm>>
      %dma_wait3A_127 = tpu.memref_squeeze %dma_wait3A_126 : memref<1x624x128xf32, #tpu.memory_space<hbm>> -> memref<624x128xf32, #tpu.memory_space<hbm>>
      %dma_wait3A_128 = arith.constant 0 : i32
      %dma_wait3A_129 = tpu.memref_slice %arg10[%mul3A_113, %dma_wait3A_128] : memref<10016x128xf32, #tpu.memory_space<vmem_shared>> -> memref<624x128xf32, #tpu.memory_space<vmem_shared>>
      tpu.wait_dma2 semaphore(%run_scoped3A_119 : memref<!tpu.dma_semaphore, #tpu.memory_space<semaphore_mem>>) src(%dma_wait3A_129 : memref<624x128xf32, #tpu.memory_space<vmem_shared>>) dst(%dma_wait3A_127 : memref<624x128xf32, #tpu.memory_space<hbm>>)
      tpu.yield
    }) : () -> ()
    %eq3A_114 = arith.constant 15 : i32
    %eq3A_115 = arith.cmpi eq, %arg1, %eq3A_114 : i32
    %convert_element_type3A_116 = arith.extui %eq3A_115 : i1 to i32
    %cond3A_117 = arith.constant 0 : i32
    %cond3A_118 = arith.cmpi ne, %convert_element_type3A_116, %cond3A_117 : i32
    scf.if %cond3A_118 {
      "tpu.region"() ({
        %run_scoped3A_119 = tpu.sem_alloc : memref<!tpu.dma_semaphore, #tpu.memory_space<semaphore_mem>>
        %dma_start3A_120 = arith.constant 9984 : i32
        %dma_start3A_121 = arith.constant 0 : i32
        %dma_start3A_122 = tpu.memref_slice %arg6[%arg0, %dma_start3A_120, %dma_start3A_121] : memref<2x10000x128xf32, #tpu.memory_space<hbm>> -> memref<1x16x128xf32, #tpu.memory_space<hbm>>
        %dma_start3A_123 = tpu.memref_squeeze %dma_start3A_122 : memref<1x16x128xf32, #tpu.memory_space<hbm>> -> memref<16x128xf32, #tpu.memory_space<hbm>>
        %dma_start3A_124 = arith.constant 9984 : i32
        %dma_start3A_125 = arith.constant 0 : i32
        %dma_start3A_126 = tpu.memref_slice %arg10[%dma_start3A_124, %dma_start3A_125] : memref<10016x128xf32, #tpu.memory_space<vmem_shared>> -> memref<16x128xf32, #tpu.memory_space<vmem_shared>>
        tpu.enqueue_dma source(%dma_start3A_126 : memref<16x128xf32, #tpu.memory_space<vmem_shared>>) target(%dma_start3A_123 : memref<16x128xf32, #tpu.memory_space<hbm>>) target_semaphore(%run_scoped3A_119 : memref<!tpu.dma_semaphore, #tpu.memory_space<semaphore_mem>>)
        %dma_wait3A_127 = arith.constant 9984 : i32
        %dma_wait3A_128 = arith.constant 0 : i32
        %dma_wait3A_129 = tpu.memref_slice %arg6[%arg0, %dma_wait3A_127, %dma_wait3A_128] : memref<2x10000x128xf32, #tpu.memory_space<hbm>> -> memref<1x16x128xf32, #tpu.memory_space<hbm>>
        %dma_wait3A_130 = tpu.memref_squeeze %dma_wait3A_129 : memref<1x16x128xf32, #tpu.memory_space<hbm>> -> memref<16x128xf32, #tpu.memory_space<hbm>>
        %dma_wait3A_131 = arith.constant 9984 : i32
        %dma_wait3A_132 = arith.constant 0 : i32
        %dma_wait3A_133 = tpu.memref_slice %arg10[%dma_wait3A_131, %dma_wait3A_132] : memref<10016x128xf32, #tpu.memory_space<vmem_shared>> -> memref<16x128xf32, #tpu.memory_space<vmem_shared>>
        tpu.wait_dma2 semaphore(%run_scoped3A_119 : memref<!tpu.dma_semaphore, #tpu.memory_space<semaphore_mem>>) src(%dma_wait3A_133 : memref<16x128xf32, #tpu.memory_space<vmem_shared>>) dst(%dma_wait3A_130 : memref<16x128xf32, #tpu.memory_space<hbm>>)
        tpu.yield
      }) : () -> ()
    } else {
    }
    return
  }
}

#map = affine_map<(d0, d1) -> (0)>
#map1 = affine_map<(d0, d1) -> (0, 0)>
#map2 = affine_map<(d0, d1) -> (0, 0, 0)>
module attributes {stable_mosaic.version = 14 : i64} {
  func.func @scat_kernel(%arg0: i32, %arg1: i32, %arg2: memref<331904xi32, #tpu.memory_space<hbm>>, %arg3: memref<331904xi32, #tpu.memory_space<hbm>>, %arg4: memref<10000x128xf32, #tpu.memory_space<hbm>>, %arg5: memref<10016x128xf32, #tpu.memory_space<hbm>>, %arg6: memref<2x10000x128xf32, #tpu.memory_space<hbm>>, %arg7: memref<2x128xi32, #tpu.memory_space<vmem>>, %arg8: memref<2x128xi32, #tpu.memory_space<vmem>>, %arg9: memref<2x128x128xf32, #tpu.memory_space<vmem>>, %arg10: memref<10016x128xf32, #tpu.memory_space<vmem_shared>>, %arg11: memref<!tpu.dma_semaphore, #tpu.memory_space<semaphore_mem>>, %arg12: memref<!tpu.dma_semaphore, #tpu.memory_space<semaphore_mem>>, %arg13: memref<!tpu.dma_semaphore, #tpu.memory_space<semaphore_mem>>, %arg14: memref<!tpu.dma_semaphore, #tpu.memory_space<semaphore_mem>>) attributes {dimension_semantics = [#tpu.dimension_semantics<core_parallel>, #tpu.dimension_semantics<subcore_parallel>], iteration_bounds = array<i64: 2, 16>, scalar_prefetch = 0 : i64, scratch_operands = 8 : i64, tpu.core_type = #tpu.core_type<sc_vector_subcore>, window_params = [{transform_indices = #map}, {transform_indices = #map}, {transform_indices = #map1}, {transform_indices = #map1}, {transform_indices = #map2}]} {
    %mul3A = arith.constant 624 : i32
    %mul3A_0 = arith.muli %arg1, %mul3A : i32
    "tpu.region"() ({
      %run_scoped3A_119 = tpu.sem_alloc : memref<!tpu.dma_semaphore, #tpu.memory_space<semaphore_mem>>
      %dma_start3A_120 = arith.constant 0 : i32
      %dma_start3A_121 = tpu.memref_slice %arg10[%mul3A_0, %dma_start3A_120] : memref<10016x128xf32, #tpu.memory_space<vmem_shared>> -> memref<624x128xf32, #tpu.memory_space<vmem_shared>>
      %dma_start3A_122 = arith.constant 0 : i32
      %dma_start3A_123 = tpu.memref_slice %arg5[%mul3A_0, %dma_start3A_122] : memref<10016x128xf32, #tpu.memory_space<hbm>> -> memref<624x128xf32, #tpu.memory_space<hbm>>
      tpu.enqueue_dma source(%dma_start3A_123 : memref<624x128xf32, #tpu.memory_space<hbm>>) target(%dma_start3A_121 : memref<624x128xf32, #tpu.memory_space<vmem_shared>>) target_semaphore(%run_scoped3A_119 : memref<!tpu.dma_semaphore, #tpu.memory_space<semaphore_mem>>)
      %dma_wait3A_124 = arith.constant 0 : i32
      %dma_wait3A_125 = tpu.memref_slice %arg10[%mul3A_0, %dma_wait3A_124] : memref<10016x128xf32, #tpu.memory_space<vmem_shared>> -> memref<624x128xf32, #tpu.memory_space<vmem_shared>>
      %dma_wait3A_126 = arith.constant 0 : i32
      %dma_wait3A_127 = tpu.memref_slice %arg5[%mul3A_0, %dma_wait3A_126] : memref<10016x128xf32, #tpu.memory_space<hbm>> -> memref<624x128xf32, #tpu.memory_space<hbm>>
      tpu.wait_dma2 semaphore(%run_scoped3A_119 : memref<!tpu.dma_semaphore, #tpu.memory_space<semaphore_mem>>) src(%dma_wait3A_127 : memref<624x128xf32, #tpu.memory_space<hbm>>) dst(%dma_wait3A_125 : memref<624x128xf32, #tpu.memory_space<vmem_shared>>)
      tpu.yield
    }) : () -> ()
    %eq3A = arith.constant 15 : i32
    %eq3A_1 = arith.cmpi eq, %arg1, %eq3A : i32
    %convert_element_type3A = arith.extui %eq3A_1 : i1 to i32
    %cond3A = arith.constant 0 : i32
    %cond3A_2 = arith.cmpi ne, %convert_element_type3A, %cond3A : i32
    scf.if %cond3A_2 {
      "tpu.region"() ({
        %run_scoped3A_119 = tpu.sem_alloc : memref<!tpu.dma_semaphore, #tpu.memory_space<semaphore_mem>>
        %dma_start3A_120 = arith.constant 9984 : i32
        %dma_start3A_121 = arith.constant 0 : i32
        %dma_start3A_122 = tpu.memref_slice %arg10[%dma_start3A_120, %dma_start3A_121] : memref<10016x128xf32, #tpu.memory_space<vmem_shared>> -> memref<32x128xf32, #tpu.memory_space<vmem_shared>>
        %dma_start3A_123 = arith.constant 9984 : i32
        %dma_start3A_124 = arith.constant 0 : i32
        %dma_start3A_125 = tpu.memref_slice %arg5[%dma_start3A_123, %dma_start3A_124] : memref<10016x128xf32, #tpu.memory_space<hbm>> -> memref<32x128xf32, #tpu.memory_space<hbm>>
        tpu.enqueue_dma source(%dma_start3A_125 : memref<32x128xf32, #tpu.memory_space<hbm>>) target(%dma_start3A_122 : memref<32x128xf32, #tpu.memory_space<vmem_shared>>) target_semaphore(%run_scoped3A_119 : memref<!tpu.dma_semaphore, #tpu.memory_space<semaphore_mem>>)
        %dma_wait3A_126 = arith.constant 9984 : i32
        %dma_wait3A_127 = arith.constant 0 : i32
        %dma_wait3A_128 = tpu.memref_slice %arg10[%dma_wait3A_126, %dma_wait3A_127] : memref<10016x128xf32, #tpu.memory_space<vmem_shared>> -> memref<32x128xf32, #tpu.memory_space<vmem_shared>>
        %dma_wait3A_129 = arith.constant 9984 : i32
        %dma_wait3A_130 = arith.constant 0 : i32
        %dma_wait3A_131 = tpu.memref_slice %arg5[%dma_wait3A_129, %dma_wait3A_130] : memref<10016x128xf32, #tpu.memory_space<hbm>> -> memref<32x128xf32, #tpu.memory_space<hbm>>
        tpu.wait_dma2 semaphore(%run_scoped3A_119 : memref<!tpu.dma_semaphore, #tpu.memory_space<semaphore_mem>>) src(%dma_wait3A_131 : memref<32x128xf32, #tpu.memory_space<hbm>>) dst(%dma_wait3A_128 : memref<32x128xf32, #tpu.memory_space<vmem_shared>>)
        tpu.yield
      }) : () -> ()
    } else {
    }
    %mul3A_3 = arith.constant 2 : i32
    %mul3A_4 = arith.muli %arg1, %mul3A_3 : i32
    %add3A = arith.addi %mul3A_4, %arg0 : i32
    %mul3A_5 = arith.constant 10368 : i32
    %mul3A_6 = arith.muli %add3A, %mul3A_5 : i32
    %add3A_7 = arith.constant 0 : i32
    %add3A_8 = arith.addi %mul3A_6, %add3A_7 : i32
    %dma_start3A = arith.constant 0 : i32
    %dma_start3A_9 = arith.constant 0 : i32
    %dma_start3A_10 = tpu.memref_slice %arg7[%dma_start3A, %dma_start3A_9] : memref<2x128xi32, #tpu.memory_space<vmem>> -> memref<1x128xi32, #tpu.memory_space<vmem>>
    %dma_start3A_11 = tpu.memref_squeeze %dma_start3A_10 : memref<1x128xi32, #tpu.memory_space<vmem>> -> memref<128xi32, #tpu.memory_space<vmem>>
    %dma_start3A_12 = tpu.memref_slice %arg2[%add3A_8] : memref<331904xi32, #tpu.memory_space<hbm>> -> memref<128xi32, #tpu.memory_space<hbm>>
    %dma_start3A_13 = arith.constant 0 : i32
    %dma_start3A_14 = tpu.memref_slice %arg7[%dma_start3A, %dma_start3A_13] : memref<2x128xi32, #tpu.memory_space<vmem>> -> memref<1x128xi32, #tpu.memory_space<vmem>>
    %dma_start3A_15 = tpu.memref_squeeze %dma_start3A_14 : memref<1x128xi32, #tpu.memory_space<vmem>> -> memref<128xi32, #tpu.memory_space<vmem>>
    %dma_start3A_16 = tpu.memref_slice %arg2[%add3A_8] : memref<331904xi32, #tpu.memory_space<hbm>> -> memref<128xi32, #tpu.memory_space<hbm>>
    tpu.enqueue_dma source(%dma_start3A_16 : memref<128xi32, #tpu.memory_space<hbm>>) target(%dma_start3A_15 : memref<128xi32, #tpu.memory_space<vmem>>) target_semaphore(%arg13 : memref<!tpu.dma_semaphore, #tpu.memory_space<semaphore_mem>>)
    %dma_start3A_17 = arith.constant 0 : i32
    %dma_start3A_18 = arith.constant 0 : i32
    %dma_start3A_19 = tpu.memref_slice %arg8[%dma_start3A_17, %dma_start3A_18] : memref<2x128xi32, #tpu.memory_space<vmem>> -> memref<1x128xi32, #tpu.memory_space<vmem>>
    %dma_start3A_20 = tpu.memref_squeeze %dma_start3A_19 : memref<1x128xi32, #tpu.memory_space<vmem>> -> memref<128xi32, #tpu.memory_space<vmem>>
    %dma_start3A_21 = tpu.memref_slice %arg3[%add3A_8] : memref<331904xi32, #tpu.memory_space<hbm>> -> memref<128xi32, #tpu.memory_space<hbm>>
    %dma_start3A_22 = arith.constant 0 : i32
    %dma_start3A_23 = tpu.memref_slice %arg8[%dma_start3A_17, %dma_start3A_22] : memref<2x128xi32, #tpu.memory_space<vmem>> -> memref<1x128xi32, #tpu.memory_space<vmem>>
    %dma_start3A_24 = tpu.memref_squeeze %dma_start3A_23 : memref<1x128xi32, #tpu.memory_space<vmem>> -> memref<128xi32, #tpu.memory_space<vmem>>
    %dma_start3A_25 = tpu.memref_slice %arg3[%add3A_8] : memref<331904xi32, #tpu.memory_space<hbm>> -> memref<128xi32, #tpu.memory_space<hbm>>
    tpu.enqueue_dma source(%dma_start3A_25 : memref<128xi32, #tpu.memory_space<hbm>>) target(%dma_start3A_24 : memref<128xi32, #tpu.memory_space<vmem>>) target_semaphore(%arg13 : memref<!tpu.dma_semaphore, #tpu.memory_space<semaphore_mem>>)
    %add3A_26 = arith.constant 128 : i32
    %add3A_27 = arith.addi %mul3A_6, %add3A_26 : i32
    %dma_start3A_28 = arith.constant 1 : i32
    %dma_start3A_29 = arith.constant 0 : i32
    %dma_start3A_30 = tpu.memref_slice %arg7[%dma_start3A_28, %dma_start3A_29] : memref<2x128xi32, #tpu.memory_space<vmem>> -> memref<1x128xi32, #tpu.memory_space<vmem>>
    %dma_start3A_31 = tpu.memref_squeeze %dma_start3A_30 : memref<1x128xi32, #tpu.memory_space<vmem>> -> memref<128xi32, #tpu.memory_space<vmem>>
    %dma_start3A_32 = tpu.memref_slice %arg2[%add3A_27] : memref<331904xi32, #tpu.memory_space<hbm>> -> memref<128xi32, #tpu.memory_space<hbm>>
    %dma_start3A_33 = arith.constant 0 : i32
    %dma_start3A_34 = tpu.memref_slice %arg7[%dma_start3A_28, %dma_start3A_33] : memref<2x128xi32, #tpu.memory_space<vmem>> -> memref<1x128xi32, #tpu.memory_space<vmem>>
    %dma_start3A_35 = tpu.memref_squeeze %dma_start3A_34 : memref<1x128xi32, #tpu.memory_space<vmem>> -> memref<128xi32, #tpu.memory_space<vmem>>
    %dma_start3A_36 = tpu.memref_slice %arg2[%add3A_27] : memref<331904xi32, #tpu.memory_space<hbm>> -> memref<128xi32, #tpu.memory_space<hbm>>
    tpu.enqueue_dma source(%dma_start3A_36 : memref<128xi32, #tpu.memory_space<hbm>>) target(%dma_start3A_35 : memref<128xi32, #tpu.memory_space<vmem>>) target_semaphore(%arg14 : memref<!tpu.dma_semaphore, #tpu.memory_space<semaphore_mem>>)
    %dma_start3A_37 = arith.constant 1 : i32
    %dma_start3A_38 = arith.constant 0 : i32
    %dma_start3A_39 = tpu.memref_slice %arg8[%dma_start3A_37, %dma_start3A_38] : memref<2x128xi32, #tpu.memory_space<vmem>> -> memref<1x128xi32, #tpu.memory_space<vmem>>
    %dma_start3A_40 = tpu.memref_squeeze %dma_start3A_39 : memref<1x128xi32, #tpu.memory_space<vmem>> -> memref<128xi32, #tpu.memory_space<vmem>>
    %dma_start3A_41 = tpu.memref_slice %arg3[%add3A_27] : memref<331904xi32, #tpu.memory_space<hbm>> -> memref<128xi32, #tpu.memory_space<hbm>>
    %dma_start3A_42 = arith.constant 0 : i32
    %dma_start3A_43 = tpu.memref_slice %arg8[%dma_start3A_37, %dma_start3A_42] : memref<2x128xi32, #tpu.memory_space<vmem>> -> memref<1x128xi32, #tpu.memory_space<vmem>>
    %dma_start3A_44 = tpu.memref_squeeze %dma_start3A_43 : memref<1x128xi32, #tpu.memory_space<vmem>> -> memref<128xi32, #tpu.memory_space<vmem>>
    %dma_start3A_45 = tpu.memref_slice %arg3[%add3A_27] : memref<331904xi32, #tpu.memory_space<hbm>> -> memref<128xi32, #tpu.memory_space<hbm>>
    tpu.enqueue_dma source(%dma_start3A_45 : memref<128xi32, #tpu.memory_space<hbm>>) target(%dma_start3A_44 : memref<128xi32, #tpu.memory_space<vmem>>) target_semaphore(%arg14 : memref<!tpu.dma_semaphore, #tpu.memory_space<semaphore_mem>>)
    %barrier3A = arith.constant 0 : index
    tpu.barrier barrier_id(%barrier3A)
    %dma_wait3A = arith.constant 0 : i32
    %dma_wait3A_46 = arith.constant 0 : i32
    %dma_wait3A_47 = tpu.memref_slice %arg7[%dma_wait3A, %dma_wait3A_46] : memref<2x128xi32, #tpu.memory_space<vmem>> -> memref<1x128xi32, #tpu.memory_space<vmem>>
    %dma_wait3A_48 = tpu.memref_squeeze %dma_wait3A_47 : memref<1x128xi32, #tpu.memory_space<vmem>> -> memref<128xi32, #tpu.memory_space<vmem>>
    %dma_wait3A_49 = tpu.memref_slice %arg2[%mul3A_6] : memref<331904xi32, #tpu.memory_space<hbm>> -> memref<128xi32, #tpu.memory_space<hbm>>
    %dma_wait3A_50 = arith.constant 0 : i32
    %dma_wait3A_51 = tpu.memref_slice %arg7[%dma_wait3A, %dma_wait3A_50] : memref<2x128xi32, #tpu.memory_space<vmem>> -> memref<1x128xi32, #tpu.memory_space<vmem>>
    %dma_wait3A_52 = tpu.memref_squeeze %dma_wait3A_51 : memref<1x128xi32, #tpu.memory_space<vmem>> -> memref<128xi32, #tpu.memory_space<vmem>>
    %dma_wait3A_53 = tpu.memref_slice %arg2[%mul3A_6] : memref<331904xi32, #tpu.memory_space<hbm>> -> memref<128xi32, #tpu.memory_space<hbm>>
    tpu.wait_dma2 semaphore(%arg13 : memref<!tpu.dma_semaphore, #tpu.memory_space<semaphore_mem>>) src(%dma_wait3A_53 : memref<128xi32, #tpu.memory_space<hbm>>) dst(%dma_wait3A_52 : memref<128xi32, #tpu.memory_space<vmem>>)
    %dma_wait3A_54 = arith.constant 0 : i32
    %dma_wait3A_55 = arith.constant 0 : i32
    %dma_wait3A_56 = tpu.memref_slice %arg8[%dma_wait3A_54, %dma_wait3A_55] : memref<2x128xi32, #tpu.memory_space<vmem>> -> memref<1x128xi32, #tpu.memory_space<vmem>>
    %dma_wait3A_57 = tpu.memref_squeeze %dma_wait3A_56 : memref<1x128xi32, #tpu.memory_space<vmem>> -> memref<128xi32, #tpu.memory_space<vmem>>
    %dma_wait3A_58 = tpu.memref_slice %arg3[%mul3A_6] : memref<331904xi32, #tpu.memory_space<hbm>> -> memref<128xi32, #tpu.memory_space<hbm>>
    %dma_wait3A_59 = arith.constant 0 : i32
    %dma_wait3A_60 = tpu.memref_slice %arg8[%dma_wait3A_54, %dma_wait3A_59] : memref<2x128xi32, #tpu.memory_space<vmem>> -> memref<1x128xi32, #tpu.memory_space<vmem>>
    %dma_wait3A_61 = tpu.memref_squeeze %dma_wait3A_60 : memref<1x128xi32, #tpu.memory_space<vmem>> -> memref<128xi32, #tpu.memory_space<vmem>>
    %dma_wait3A_62 = tpu.memref_slice %arg3[%mul3A_6] : memref<331904xi32, #tpu.memory_space<hbm>> -> memref<128xi32, #tpu.memory_space<hbm>>
    tpu.wait_dma2 semaphore(%arg13 : memref<!tpu.dma_semaphore, #tpu.memory_space<semaphore_mem>>) src(%dma_wait3A_62 : memref<128xi32, #tpu.memory_space<hbm>>) dst(%dma_wait3A_61 : memref<128xi32, #tpu.memory_space<vmem>>)
    %dma_start3A_63 = arith.constant 0 : i32
    %dma_start3A_64 = arith.constant 0 : i32
    %dma_start3A_65 = arith.constant 0 : i32
    %dma_start3A_66 = arith.constant 0 : i32
    %dma_start3A_67 = tpu.memref_slice %arg9[%dma_start3A_64, %dma_start3A_65, %dma_start3A_66] : memref<2x128x128xf32, #tpu.memory_space<vmem>> -> memref<1x128x128xf32, #tpu.memory_space<vmem>>
    %dma_start3A_68 = tpu.memref_squeeze %dma_start3A_67 : memref<1x128x128xf32, #tpu.memory_space<vmem>> -> memref<128x128xf32, #tpu.memory_space<vmem>>
    %dma_start3A_69 = arith.constant 0 : i32
    %dma_start3A_70 = tpu.memref_slice %arg7[%dma_start3A_63, %dma_start3A_69] : memref<2x128xi32, #tpu.memory_space<vmem>> -> memref<1x128xi32, #tpu.memory_space<vmem>>
    %dma_start3A_71 = tpu.memref_squeeze %dma_start3A_70 : memref<1x128xi32, #tpu.memory_space<vmem>> -> memref<128xi32, #tpu.memory_space<vmem>>
    %dma_start3A_72 = arith.constant 0 : i32
    %dma_start3A_73 = arith.constant 0 : i32
    %dma_start3A_74 = tpu.memref_slice %arg4[%dma_start3A_72, %dma_start3A_73] : memref<10000x128xf32, #tpu.memory_space<hbm>> -> memref<10000x128xf32, #tpu.memory_space<hbm>>
    tpu.enqueue_indirect_dma source(%dma_start3A_74 : memref<10000x128xf32, #tpu.memory_space<hbm>>) target(%dma_start3A_68 : memref<128x128xf32, #tpu.memory_space<vmem>>) offsets(%dma_start3A_71 : memref<128xi32, #tpu.memory_space<vmem>>) semaphore(%arg11 : memref<!tpu.dma_semaphore, #tpu.memory_space<semaphore_mem>>)
    %scan3A = arith.constant 0 : i32
    %scan3A_75 = arith.constant 0 : i32
    %scan3A_76 = arith.constant 40 : i32
    %scan3A_77 = arith.addi %scan3A_75, %scan3A_76 : i32
    %scan3A_78 = arith.constant 1 : i32
    scf.for %scan3A_119 = %scan3A_75 to %scan3A_77 step %scan3A_78  : i32 {
      %mul3A_120 = arith.constant 2 : i32
      %mul3A_121 = arith.muli %mul3A_120, %scan3A_119 : i32
      %dma_wait3A_122 = arith.constant 1 : i32
      %dma_wait3A_123 = arith.constant 0 : i32
      %dma_wait3A_124 = tpu.memref_slice %arg7[%dma_wait3A_122, %dma_wait3A_123] : memref<2x128xi32, #tpu.memory_space<vmem>> -> memref<1x128xi32, #tpu.memory_space<vmem>>
      %dma_wait3A_125 = tpu.memref_squeeze %dma_wait3A_124 : memref<1x128xi32, #tpu.memory_space<vmem>> -> memref<128xi32, #tpu.memory_space<vmem>>
      %dma_wait3A_126 = tpu.memref_slice %arg2[%mul3A_6] : memref<331904xi32, #tpu.memory_space<hbm>> -> memref<128xi32, #tpu.memory_space<hbm>>
      %dma_wait3A_127 = arith.constant 0 : i32
      %dma_wait3A_128 = tpu.memref_slice %arg7[%dma_wait3A_122, %dma_wait3A_127] : memref<2x128xi32, #tpu.memory_space<vmem>> -> memref<1x128xi32, #tpu.memory_space<vmem>>
      %dma_wait3A_129 = tpu.memref_squeeze %dma_wait3A_128 : memref<1x128xi32, #tpu.memory_space<vmem>> -> memref<128xi32, #tpu.memory_space<vmem>>
      %dma_wait3A_130 = tpu.memref_slice %arg2[%mul3A_6] : memref<331904xi32, #tpu.memory_space<hbm>> -> memref<128xi32, #tpu.memory_space<hbm>>
      tpu.wait_dma2 semaphore(%arg14 : memref<!tpu.dma_semaphore, #tpu.memory_space<semaphore_mem>>) src(%dma_wait3A_130 : memref<128xi32, #tpu.memory_space<hbm>>) dst(%dma_wait3A_129 : memref<128xi32, #tpu.memory_space<vmem>>)
      %dma_wait3A_131 = arith.constant 1 : i32
      %dma_wait3A_132 = arith.constant 0 : i32
      %dma_wait3A_133 = tpu.memref_slice %arg8[%dma_wait3A_131, %dma_wait3A_132] : memref<2x128xi32, #tpu.memory_space<vmem>> -> memref<1x128xi32, #tpu.memory_space<vmem>>
      %dma_wait3A_134 = tpu.memref_squeeze %dma_wait3A_133 : memref<1x128xi32, #tpu.memory_space<vmem>> -> memref<128xi32, #tpu.memory_space<vmem>>
      %dma_wait3A_135 = tpu.memref_slice %arg3[%mul3A_6] : memref<331904xi32, #tpu.memory_space<hbm>> -> memref<128xi32, #tpu.memory_space<hbm>>
      %dma_wait3A_136 = arith.constant 0 : i32
      %dma_wait3A_137 = tpu.memref_slice %arg8[%dma_wait3A_131, %dma_wait3A_136] : memref<2x128xi32, #tpu.memory_space<vmem>> -> memref<1x128xi32, #tpu.memory_space<vmem>>
      %dma_wait3A_138 = tpu.memref_squeeze %dma_wait3A_137 : memref<1x128xi32, #tpu.memory_space<vmem>> -> memref<128xi32, #tpu.memory_space<vmem>>
      %dma_wait3A_139 = tpu.memref_slice %arg3[%mul3A_6] : memref<331904xi32, #tpu.memory_space<hbm>> -> memref<128xi32, #tpu.memory_space<hbm>>
      tpu.wait_dma2 semaphore(%arg14 : memref<!tpu.dma_semaphore, #tpu.memory_space<semaphore_mem>>) src(%dma_wait3A_139 : memref<128xi32, #tpu.memory_space<hbm>>) dst(%dma_wait3A_138 : memref<128xi32, #tpu.memory_space<vmem>>)
      %dma_start3A_140 = arith.constant 1 : i32
      %dma_start3A_141 = arith.constant 1 : i32
      %dma_start3A_142 = arith.constant 0 : i32
      %dma_start3A_143 = arith.constant 0 : i32
      %dma_start3A_144 = tpu.memref_slice %arg9[%dma_start3A_141, %dma_start3A_142, %dma_start3A_143] : memref<2x128x128xf32, #tpu.memory_space<vmem>> -> memref<1x128x128xf32, #tpu.memory_space<vmem>>
      %dma_start3A_145 = tpu.memref_squeeze %dma_start3A_144 : memref<1x128x128xf32, #tpu.memory_space<vmem>> -> memref<128x128xf32, #tpu.memory_space<vmem>>
      %dma_start3A_146 = arith.constant 0 : i32
      %dma_start3A_147 = tpu.memref_slice %arg7[%dma_start3A_140, %dma_start3A_146] : memref<2x128xi32, #tpu.memory_space<vmem>> -> memref<1x128xi32, #tpu.memory_space<vmem>>
      %dma_start3A_148 = tpu.memref_squeeze %dma_start3A_147 : memref<1x128xi32, #tpu.memory_space<vmem>> -> memref<128xi32, #tpu.memory_space<vmem>>
      %dma_start3A_149 = arith.constant 0 : i32
      %dma_start3A_150 = arith.constant 0 : i32
      %dma_start3A_151 = tpu.memref_slice %arg4[%dma_start3A_149, %dma_start3A_150] : memref<10000x128xf32, #tpu.memory_space<hbm>> -> memref<10000x128xf32, #tpu.memory_space<hbm>>
      tpu.enqueue_indirect_dma source(%dma_start3A_151 : memref<10000x128xf32, #tpu.memory_space<hbm>>) target(%dma_start3A_145 : memref<128x128xf32, #tpu.memory_space<vmem>>) offsets(%dma_start3A_148 : memref<128xi32, #tpu.memory_space<vmem>>) semaphore(%arg12 : memref<!tpu.dma_semaphore, #tpu.memory_space<semaphore_mem>>)
      %dma_wait3A_152 = arith.constant 0 : i32
      %dma_wait3A_153 = arith.constant 0 : i32
      %dma_wait3A_154 = arith.constant 0 : i32
      %dma_wait3A_155 = arith.constant 0 : i32
      %dma_wait3A_156 = tpu.memref_slice %arg9[%dma_wait3A_153, %dma_wait3A_154, %dma_wait3A_155] : memref<2x128x128xf32, #tpu.memory_space<vmem>> -> memref<1x128x128xf32, #tpu.memory_space<vmem>>
      %dma_wait3A_157 = tpu.memref_squeeze %dma_wait3A_156 : memref<1x128x128xf32, #tpu.memory_space<vmem>> -> memref<128x128xf32, #tpu.memory_space<vmem>>
      %dma_wait3A_158 = arith.constant 0 : i32
      %dma_wait3A_159 = tpu.memref_slice %arg7[%dma_wait3A_152, %dma_wait3A_158] : memref<2x128xi32, #tpu.memory_space<vmem>> -> memref<1x128xi32, #tpu.memory_space<vmem>>
      %dma_wait3A_160 = tpu.memref_squeeze %dma_wait3A_159 : memref<1x128xi32, #tpu.memory_space<vmem>> -> memref<128xi32, #tpu.memory_space<vmem>>
      %dma_wait3A_161 = arith.constant 0 : i32
      %dma_wait3A_162 = arith.constant 0 : i32
      %dma_wait3A_163 = tpu.memref_slice %arg4[%dma_wait3A_161, %dma_wait3A_162] : memref<10000x128xf32, #tpu.memory_space<hbm>> -> memref<10000x128xf32, #tpu.memory_space<hbm>>
      tpu.wait_indirect_dma semaphore(%arg11 : memref<!tpu.dma_semaphore, #tpu.memory_space<semaphore_mem>>) src(%dma_wait3A_163 : memref<10000x128xf32, #tpu.memory_space<hbm>>) dst(%dma_wait3A_157 : memref<128x128xf32, #tpu.memory_space<vmem>>)
      %run_scoped3A_164 = arith.constant 0 : i32
      %run_scoped3A_165 = arith.constant 0 : i32
      "tpu.region"() ({
        %run_scoped3A_260 = tpu.sem_alloc : memref<!tpu.dma_semaphore, #tpu.memory_space<semaphore_mem>>
        %dma_start3A_261 = arith.constant 0 : i32
        %dma_start3A_262 = arith.constant 0 : i32
        %dma_start3A_263 = tpu.memref_slice %arg9[%run_scoped3A_164, %dma_start3A_261, %dma_start3A_262] : memref<2x128x128xf32, #tpu.memory_space<vmem>> -> memref<1x128x128xf32, #tpu.memory_space<vmem>>
        %dma_start3A_264 = tpu.memref_squeeze %dma_start3A_263 : memref<1x128x128xf32, #tpu.memory_space<vmem>> -> memref<128x128xf32, #tpu.memory_space<vmem>>
        %dma_start3A_265 = arith.constant 0 : i32
        %dma_start3A_266 = tpu.memref_slice %arg8[%run_scoped3A_165, %dma_start3A_265] : memref<2x128xi32, #tpu.memory_space<vmem>> -> memref<1x128xi32, #tpu.memory_space<vmem>>
        %dma_start3A_267 = tpu.memref_squeeze %dma_start3A_266 : memref<1x128xi32, #tpu.memory_space<vmem>> -> memref<128xi32, #tpu.memory_space<vmem>>
        %dma_start3A_268 = arith.constant 0 : i32
        %dma_start3A_269 = arith.constant 0 : i32
        %dma_start3A_270 = tpu.memref_slice %arg10[%dma_start3A_268, %dma_start3A_269] : memref<10016x128xf32, #tpu.memory_space<vmem_shared>> -> memref<10016x128xf32, #tpu.memory_space<vmem_shared>>
        tpu.enqueue_indirect_dma source(%dma_start3A_264 : memref<128x128xf32, #tpu.memory_space<vmem>>) target(%dma_start3A_270 : memref<10016x128xf32, #tpu.memory_space<vmem_shared>>) offsets(%dma_start3A_267 : memref<128xi32, #tpu.memory_space<vmem>>) semaphore(%run_scoped3A_260 : memref<!tpu.dma_semaphore, #tpu.memory_space<semaphore_mem>>) {add = true}
        %dma_wait3A_271 = arith.constant 0 : i32
        %dma_wait3A_272 = arith.constant 0 : i32
        %dma_wait3A_273 = tpu.memref_slice %arg9[%run_scoped3A_164, %dma_wait3A_271, %dma_wait3A_272] : memref<2x128x128xf32, #tpu.memory_space<vmem>> -> memref<1x128x128xf32, #tpu.memory_space<vmem>>
        %dma_wait3A_274 = tpu.memref_squeeze %dma_wait3A_273 : memref<1x128x128xf32, #tpu.memory_space<vmem>> -> memref<128x128xf32, #tpu.memory_space<vmem>>
        %dma_wait3A_275 = arith.constant 0 : i32
        %dma_wait3A_276 = tpu.memref_slice %arg8[%run_scoped3A_165, %dma_wait3A_275] : memref<2x128xi32, #tpu.memory_space<vmem>> -> memref<1x128xi32, #tpu.memory_space<vmem>>
        %dma_wait3A_277 = tpu.memref_squeeze %dma_wait3A_276 : memref<1x128xi32, #tpu.memory_space<vmem>> -> memref<128xi32, #tpu.memory_space<vmem>>
        %dma_wait3A_278 = arith.constant 0 : i32
        %dma_wait3A_279 = arith.constant 0 : i32
        %dma_wait3A_280 = tpu.memref_slice %arg10[%dma_wait3A_278, %dma_wait3A_279] : memref<10016x128xf32, #tpu.memory_space<vmem_shared>> -> memref<10016x128xf32, #tpu.memory_space<vmem_shared>>
        tpu.wait_indirect_dma semaphore(%run_scoped3A_260 : memref<!tpu.dma_semaphore, #tpu.memory_space<semaphore_mem>>) src(%dma_wait3A_274 : memref<128x128xf32, #tpu.memory_space<vmem>>) dst(%dma_wait3A_280 : memref<10016x128xf32, #tpu.memory_space<vmem_shared>>)
        tpu.yield
      }) : () -> ()
      %add3A_166 = arith.constant 2 : i32
      %add3A_167 = arith.addi %mul3A_121, %add3A_166 : i32
      %mul3A_168 = arith.constant 128 : i32
      %mul3A_169 = arith.muli %add3A_167, %mul3A_168 : i32
      %add3A_170 = arith.addi %mul3A_6, %mul3A_169 : i32
      %dma_start3A_171 = arith.constant 0 : i32
      %dma_start3A_172 = arith.constant 0 : i32
      %dma_start3A_173 = tpu.memref_slice %arg7[%dma_start3A_171, %dma_start3A_172] : memref<2x128xi32, #tpu.memory_space<vmem>> -> memref<1x128xi32, #tpu.memory_space<vmem>>
      %dma_start3A_174 = tpu.memref_squeeze %dma_start3A_173 : memref<1x128xi32, #tpu.memory_space<vmem>> -> memref<128xi32, #tpu.memory_space<vmem>>
      %dma_start3A_175 = tpu.memref_slice %arg2[%add3A_170] : memref<331904xi32, #tpu.memory_space<hbm>> -> memref<128xi32, #tpu.memory_space<hbm>>
      %dma_start3A_176 = arith.constant 0 : i32
      %dma_start3A_177 = tpu.memref_slice %arg7[%dma_start3A_171, %dma_start3A_176] : memref<2x128xi32, #tpu.memory_space<vmem>> -> memref<1x128xi32, #tpu.memory_space<vmem>>
      %dma_start3A_178 = tpu.memref_squeeze %dma_start3A_177 : memref<1x128xi32, #tpu.memory_space<vmem>> -> memref<128xi32, #tpu.memory_space<vmem>>
      %dma_start3A_179 = tpu.memref_slice %arg2[%add3A_170] : memref<331904xi32, #tpu.memory_space<hbm>> -> memref<128xi32, #tpu.memory_space<hbm>>
      tpu.enqueue_dma source(%dma_start3A_179 : memref<128xi32, #tpu.memory_space<hbm>>) target(%dma_start3A_178 : memref<128xi32, #tpu.memory_space<vmem>>) target_semaphore(%arg13 : memref<!tpu.dma_semaphore, #tpu.memory_space<semaphore_mem>>)
      %dma_start3A_180 = arith.constant 0 : i32
      %dma_start3A_181 = arith.constant 0 : i32
      %dma_start3A_182 = tpu.memref_slice %arg8[%dma_start3A_180, %dma_start3A_181] : memref<2x128xi32, #tpu.memory_space<vmem>> -> memref<1x128xi32, #tpu.memory_space<vmem>>
      %dma_start3A_183 = tpu.memref_squeeze %dma_start3A_182 : memref<1x128xi32, #tpu.memory_space<vmem>> -> memref<128xi32, #tpu.memory_space<vmem>>
      %dma_start3A_184 = tpu.memref_slice %arg3[%add3A_170] : memref<331904xi32, #tpu.memory_space<hbm>> -> memref<128xi32, #tpu.memory_space<hbm>>
      %dma_start3A_185 = arith.constant 0 : i32
      %dma_start3A_186 = tpu.memref_slice %arg8[%dma_start3A_180, %dma_start3A_185] : memref<2x128xi32, #tpu.memory_space<vmem>> -> memref<1x128xi32, #tpu.memory_space<vmem>>
      %dma_start3A_187 = tpu.memref_squeeze %dma_start3A_186 : memref<1x128xi32, #tpu.memory_space<vmem>> -> memref<128xi32, #tpu.memory_space<vmem>>
      %dma_start3A_188 = tpu.memref_slice %arg3[%add3A_170] : memref<331904xi32, #tpu.memory_space<hbm>> -> memref<128xi32, #tpu.memory_space<hbm>>
      tpu.enqueue_dma source(%dma_start3A_188 : memref<128xi32, #tpu.memory_space<hbm>>) target(%dma_start3A_187 : memref<128xi32, #tpu.memory_space<vmem>>) target_semaphore(%arg13 : memref<!tpu.dma_semaphore, #tpu.memory_space<semaphore_mem>>)
      %mul3A_189 = arith.constant 2 : i32
      %mul3A_190 = arith.muli %mul3A_189, %scan3A_119 : i32
      %add3A_191 = arith.constant 1 : i32
      %add3A_192 = arith.addi %mul3A_190, %add3A_191 : i32
      %dma_wait3A_193 = arith.constant 0 : i32
      %dma_wait3A_194 = arith.constant 0 : i32
      %dma_wait3A_195 = tpu.memref_slice %arg7[%dma_wait3A_193, %dma_wait3A_194] : memref<2x128xi32, #tpu.memory_space<vmem>> -> memref<1x128xi32, #tpu.memory_space<vmem>>
      %dma_wait3A_196 = tpu.memref_squeeze %dma_wait3A_195 : memref<1x128xi32, #tpu.memory_space<vmem>> -> memref<128xi32, #tpu.memory_space<vmem>>
      %dma_wait3A_197 = tpu.memref_slice %arg2[%mul3A_6] : memref<331904xi32, #tpu.memory_space<hbm>> -> memref<128xi32, #tpu.memory_space<hbm>>
      %dma_wait3A_198 = arith.constant 0 : i32
      %dma_wait3A_199 = tpu.memref_slice %arg7[%dma_wait3A_193, %dma_wait3A_198] : memref<2x128xi32, #tpu.memory_space<vmem>> -> memref<1x128xi32, #tpu.memory_space<vmem>>
      %dma_wait3A_200 = tpu.memref_squeeze %dma_wait3A_199 : memref<1x128xi32, #tpu.memory_space<vmem>> -> memref<128xi32, #tpu.memory_space<vmem>>
      %dma_wait3A_201 = tpu.memref_slice %arg2[%mul3A_6] : memref<331904xi32, #tpu.memory_space<hbm>> -> memref<128xi32, #tpu.memory_space<hbm>>
      tpu.wait_dma2 semaphore(%arg13 : memref<!tpu.dma_semaphore, #tpu.memory_space<semaphore_mem>>) src(%dma_wait3A_201 : memref<128xi32, #tpu.memory_space<hbm>>) dst(%dma_wait3A_200 : memref<128xi32, #tpu.memory_space<vmem>>)
      %dma_wait3A_202 = arith.constant 0 : i32
      %dma_wait3A_203 = arith.constant 0 : i32
      %dma_wait3A_204 = tpu.memref_slice %arg8[%dma_wait3A_202, %dma_wait3A_203] : memref<2x128xi32, #tpu.memory_space<vmem>> -> memref<1x128xi32, #tpu.memory_space<vmem>>
      %dma_wait3A_205 = tpu.memref_squeeze %dma_wait3A_204 : memref<1x128xi32, #tpu.memory_space<vmem>> -> memref<128xi32, #tpu.memory_space<vmem>>
      %dma_wait3A_206 = tpu.memref_slice %arg3[%mul3A_6] : memref<331904xi32, #tpu.memory_space<hbm>> -> memref<128xi32, #tpu.memory_space<hbm>>
      %dma_wait3A_207 = arith.constant 0 : i32
      %dma_wait3A_208 = tpu.memref_slice %arg8[%dma_wait3A_202, %dma_wait3A_207] : memref<2x128xi32, #tpu.memory_space<vmem>> -> memref<1x128xi32, #tpu.memory_space<vmem>>
      %dma_wait3A_209 = tpu.memref_squeeze %dma_wait3A_208 : memref<1x128xi32, #tpu.memory_space<vmem>> -> memref<128xi32, #tpu.memory_space<vmem>>
      %dma_wait3A_210 = tpu.memref_slice %arg3[%mul3A_6] : memref<331904xi32, #tpu.memory_space<hbm>> -> memref<128xi32, #tpu.memory_space<hbm>>
      tpu.wait_dma2 semaphore(%arg13 : memref<!tpu.dma_semaphore, #tpu.memory_space<semaphore_mem>>) src(%dma_wait3A_210 : memref<128xi32, #tpu.memory_space<hbm>>) dst(%dma_wait3A_209 : memref<128xi32, #tpu.memory_space<vmem>>)
      %dma_start3A_211 = arith.constant 0 : i32
      %dma_start3A_212 = arith.constant 0 : i32
      %dma_start3A_213 = arith.constant 0 : i32
      %dma_start3A_214 = arith.constant 0 : i32
      %dma_start3A_215 = tpu.memref_slice %arg9[%dma_start3A_212, %dma_start3A_213, %dma_start3A_214] : memref<2x128x128xf32, #tpu.memory_space<vmem>> -> memref<1x128x128xf32, #tpu.memory_space<vmem>>
      %dma_start3A_216 = tpu.memref_squeeze %dma_start3A_215 : memref<1x128x128xf32, #tpu.memory_space<vmem>> -> memref<128x128xf32, #tpu.memory_space<vmem>>
      %dma_start3A_217 = arith.constant 0 : i32
      %dma_start3A_218 = tpu.memref_slice %arg7[%dma_start3A_211, %dma_start3A_217] : memref<2x128xi32, #tpu.memory_space<vmem>> -> memref<1x128xi32, #tpu.memory_space<vmem>>
      %dma_start3A_219 = tpu.memref_squeeze %dma_start3A_218 : memref<1x128xi32, #tpu.memory_space<vmem>> -> memref<128xi32, #tpu.memory_space<vmem>>
      %dma_start3A_220 = arith.constant 0 : i32
      %dma_start3A_221 = arith.constant 0 : i32
      %dma_start3A_222 = tpu.memref_slice %arg4[%dma_start3A_220, %dma_start3A_221] : memref<10000x128xf32, #tpu.memory_space<hbm>> -> memref<10000x128xf32, #tpu.memory_space<hbm>>
      tpu.enqueue_indirect_dma source(%dma_start3A_222 : memref<10000x128xf32, #tpu.memory_space<hbm>>) target(%dma_start3A_216 : memref<128x128xf32, #tpu.memory_space<vmem>>) offsets(%dma_start3A_219 : memref<128xi32, #tpu.memory_space<vmem>>) semaphore(%arg11 : memref<!tpu.dma_semaphore, #tpu.memory_space<semaphore_mem>>)
      %dma_wait3A_223 = arith.constant 1 : i32
      %dma_wait3A_224 = arith.constant 1 : i32
      %dma_wait3A_225 = arith.constant 0 : i32
      %dma_wait3A_226 = arith.constant 0 : i32
      %dma_wait3A_227 = tpu.memref_slice %arg9[%dma_wait3A_224, %dma_wait3A_225, %dma_wait3A_226] : memref<2x128x128xf32, #tpu.memory_space<vmem>> -> memref<1x128x128xf32, #tpu.memory_space<vmem>>
      %dma_wait3A_228 = tpu.memref_squeeze %dma_wait3A_227 : memref<1x128x128xf32, #tpu.memory_space<vmem>> -> memref<128x128xf32, #tpu.memory_space<vmem>>
      %dma_wait3A_229 = arith.constant 0 : i32
      %dma_wait3A_230 = tpu.memref_slice %arg7[%dma_wait3A_223, %dma_wait3A_229] : memref<2x128xi32, #tpu.memory_space<vmem>> -> memref<1x128xi32, #tpu.memory_space<vmem>>
      %dma_wait3A_231 = tpu.memref_squeeze %dma_wait3A_230 : memref<1x128xi32, #tpu.memory_space<vmem>> -> memref<128xi32, #tpu.memory_space<vmem>>
      %dma_wait3A_232 = arith.constant 0 : i32
      %dma_wait3A_233 = arith.constant 0 : i32
      %dma_wait3A_234 = tpu.memref_slice %arg4[%dma_wait3A_232, %dma_wait3A_233] : memref<10000x128xf32, #tpu.memory_space<hbm>> -> memref<10000x128xf32, #tpu.memory_space<hbm>>
      tpu.wait_indirect_dma semaphore(%arg12 : memref<!tpu.dma_semaphore, #tpu.memory_space<semaphore_mem>>) src(%dma_wait3A_234 : memref<10000x128xf32, #tpu.memory_space<hbm>>) dst(%dma_wait3A_228 : memref<128x128xf32, #tpu.memory_space<vmem>>)
      %run_scoped3A_235 = arith.constant 1 : i32
      %run_scoped3A_236 = arith.constant 1 : i32
      "tpu.region"() ({
        %run_scoped3A_260 = tpu.sem_alloc : memref<!tpu.dma_semaphore, #tpu.memory_space<semaphore_mem>>
        %dma_start3A_261 = arith.constant 0 : i32
        %dma_start3A_262 = arith.constant 0 : i32
        %dma_start3A_263 = tpu.memref_slice %arg9[%run_scoped3A_235, %dma_start3A_261, %dma_start3A_262] : memref<2x128x128xf32, #tpu.memory_space<vmem>> -> memref<1x128x128xf32, #tpu.memory_space<vmem>>
        %dma_start3A_264 = tpu.memref_squeeze %dma_start3A_263 : memref<1x128x128xf32, #tpu.memory_space<vmem>> -> memref<128x128xf32, #tpu.memory_space<vmem>>
        %dma_start3A_265 = arith.constant 0 : i32
        %dma_start3A_266 = tpu.memref_slice %arg8[%run_scoped3A_236, %dma_start3A_265] : memref<2x128xi32, #tpu.memory_space<vmem>> -> memref<1x128xi32, #tpu.memory_space<vmem>>
        %dma_start3A_267 = tpu.memref_squeeze %dma_start3A_266 : memref<1x128xi32, #tpu.memory_space<vmem>> -> memref<128xi32, #tpu.memory_space<vmem>>
        %dma_start3A_268 = arith.constant 0 : i32
        %dma_start3A_269 = arith.constant 0 : i32
        %dma_start3A_270 = tpu.memref_slice %arg10[%dma_start3A_268, %dma_start3A_269] : memref<10016x128xf32, #tpu.memory_space<vmem_shared>> -> memref<10016x128xf32, #tpu.memory_space<vmem_shared>>
        tpu.enqueue_indirect_dma source(%dma_start3A_264 : memref<128x128xf32, #tpu.memory_space<vmem>>) target(%dma_start3A_270 : memref<10016x128xf32, #tpu.memory_space<vmem_shared>>) offsets(%dma_start3A_267 : memref<128xi32, #tpu.memory_space<vmem>>) semaphore(%run_scoped3A_260 : memref<!tpu.dma_semaphore, #tpu.memory_space<semaphore_mem>>) {add = true}
        %dma_wait3A_271 = arith.constant 0 : i32
        %dma_wait3A_272 = arith.constant 0 : i32
        %dma_wait3A_273 = tpu.memref_slice %arg9[%run_scoped3A_235, %dma_wait3A_271, %dma_wait3A_272] : memref<2x128x128xf32, #tpu.memory_space<vmem>> -> memref<1x128x128xf32, #tpu.memory_space<vmem>>
        %dma_wait3A_274 = tpu.memref_squeeze %dma_wait3A_273 : memref<1x128x128xf32, #tpu.memory_space<vmem>> -> memref<128x128xf32, #tpu.memory_space<vmem>>
        %dma_wait3A_275 = arith.constant 0 : i32
        %dma_wait3A_276 = tpu.memref_slice %arg8[%run_scoped3A_236, %dma_wait3A_275] : memref<2x128xi32, #tpu.memory_space<vmem>> -> memref<1x128xi32, #tpu.memory_space<vmem>>
        %dma_wait3A_277 = tpu.memref_squeeze %dma_wait3A_276 : memref<1x128xi32, #tpu.memory_space<vmem>> -> memref<128xi32, #tpu.memory_space<vmem>>
        %dma_wait3A_278 = arith.constant 0 : i32
        %dma_wait3A_279 = arith.constant 0 : i32
        %dma_wait3A_280 = tpu.memref_slice %arg10[%dma_wait3A_278, %dma_wait3A_279] : memref<10016x128xf32, #tpu.memory_space<vmem_shared>> -> memref<10016x128xf32, #tpu.memory_space<vmem_shared>>
        tpu.wait_indirect_dma semaphore(%run_scoped3A_260 : memref<!tpu.dma_semaphore, #tpu.memory_space<semaphore_mem>>) src(%dma_wait3A_274 : memref<128x128xf32, #tpu.memory_space<vmem>>) dst(%dma_wait3A_280 : memref<10016x128xf32, #tpu.memory_space<vmem_shared>>)
        tpu.yield
      }) : () -> ()
      %add3A_237 = arith.constant 2 : i32
      %add3A_238 = arith.addi %add3A_192, %add3A_237 : i32
      %mul3A_239 = arith.constant 128 : i32
      %mul3A_240 = arith.muli %add3A_238, %mul3A_239 : i32
      %add3A_241 = arith.addi %mul3A_6, %mul3A_240 : i32
      %dma_start3A_242 = arith.constant 1 : i32
      %dma_start3A_243 = arith.constant 0 : i32
      %dma_start3A_244 = tpu.memref_slice %arg7[%dma_start3A_242, %dma_start3A_243] : memref<2x128xi32, #tpu.memory_space<vmem>> -> memref<1x128xi32, #tpu.memory_space<vmem>>
      %dma_start3A_245 = tpu.memref_squeeze %dma_start3A_244 : memref<1x128xi32, #tpu.memory_space<vmem>> -> memref<128xi32, #tpu.memory_space<vmem>>
      %dma_start3A_246 = tpu.memref_slice %arg2[%add3A_241] : memref<331904xi32, #tpu.memory_space<hbm>> -> memref<128xi32, #tpu.memory_space<hbm>>
      %dma_start3A_247 = arith.constant 0 : i32
      %dma_start3A_248 = tpu.memref_slice %arg7[%dma_start3A_242, %dma_start3A_247] : memref<2x128xi32, #tpu.memory_space<vmem>> -> memref<1x128xi32, #tpu.memory_space<vmem>>
      %dma_start3A_249 = tpu.memref_squeeze %dma_start3A_248 : memref<1x128xi32, #tpu.memory_space<vmem>> -> memref<128xi32, #tpu.memory_space<vmem>>
      %dma_start3A_250 = tpu.memref_slice %arg2[%add3A_241] : memref<331904xi32, #tpu.memory_space<hbm>> -> memref<128xi32, #tpu.memory_space<hbm>>
      tpu.enqueue_dma source(%dma_start3A_250 : memref<128xi32, #tpu.memory_space<hbm>>) target(%dma_start3A_249 : memref<128xi32, #tpu.memory_space<vmem>>) target_semaphore(%arg14 : memref<!tpu.dma_semaphore, #tpu.memory_space<semaphore_mem>>)
      %dma_start3A_251 = arith.constant 1 : i32
      %dma_start3A_252 = arith.constant 0 : i32
      %dma_start3A_253 = tpu.memref_slice %arg8[%dma_start3A_251, %dma_start3A_252] : memref<2x128xi32, #tpu.memory_space<vmem>> -> memref<1x128xi32, #tpu.memory_space<vmem>>
      %dma_start3A_254 = tpu.memref_squeeze %dma_start3A_253 : memref<1x128xi32, #tpu.memory_space<vmem>> -> memref<128xi32, #tpu.memory_space<vmem>>
      %dma_start3A_255 = tpu.memref_slice %arg3[%add3A_241] : memref<331904xi32, #tpu.memory_space<hbm>> -> memref<128xi32, #tpu.memory_space<hbm>>
      %dma_start3A_256 = arith.constant 0 : i32
      %dma_start3A_257 = tpu.memref_slice %arg8[%dma_start3A_251, %dma_start3A_256] : memref<2x128xi32, #tpu.memory_space<vmem>> -> memref<1x128xi32, #tpu.memory_space<vmem>>
      %dma_start3A_258 = tpu.memref_squeeze %dma_start3A_257 : memref<1x128xi32, #tpu.memory_space<vmem>> -> memref<128xi32, #tpu.memory_space<vmem>>
      %dma_start3A_259 = tpu.memref_slice %arg3[%add3A_241] : memref<331904xi32, #tpu.memory_space<hbm>> -> memref<128xi32, #tpu.memory_space<hbm>>
      tpu.enqueue_dma source(%dma_start3A_259 : memref<128xi32, #tpu.memory_space<hbm>>) target(%dma_start3A_258 : memref<128xi32, #tpu.memory_space<vmem>>) target_semaphore(%arg14 : memref<!tpu.dma_semaphore, #tpu.memory_space<semaphore_mem>>)
    }
    %scan3A_79 = arith.constant 40 : i32
    %dma_wait3A_80 = arith.constant 0 : i32
    %dma_wait3A_81 = arith.constant 0 : i32
    %dma_wait3A_82 = arith.constant 0 : i32
    %dma_wait3A_83 = arith.constant 0 : i32
    %dma_wait3A_84 = tpu.memref_slice %arg9[%dma_wait3A_81, %dma_wait3A_82, %dma_wait3A_83] : memref<2x128x128xf32, #tpu.memory_space<vmem>> -> memref<1x128x128xf32, #tpu.memory_space<vmem>>
    %dma_wait3A_85 = tpu.memref_squeeze %dma_wait3A_84 : memref<1x128x128xf32, #tpu.memory_space<vmem>> -> memref<128x128xf32, #tpu.memory_space<vmem>>
    %dma_wait3A_86 = arith.constant 0 : i32
    %dma_wait3A_87 = tpu.memref_slice %arg7[%dma_wait3A_80, %dma_wait3A_86] : memref<2x128xi32, #tpu.memory_space<vmem>> -> memref<1x128xi32, #tpu.memory_space<vmem>>
    %dma_wait3A_88 = tpu.memref_squeeze %dma_wait3A_87 : memref<1x128xi32, #tpu.memory_space<vmem>> -> memref<128xi32, #tpu.memory_space<vmem>>
    %dma_wait3A_89 = arith.constant 0 : i32
    %dma_wait3A_90 = arith.constant 0 : i32
    %dma_wait3A_91 = tpu.memref_slice %arg4[%dma_wait3A_89, %dma_wait3A_90] : memref<10000x128xf32, #tpu.memory_space<hbm>> -> memref<10000x128xf32, #tpu.memory_space<hbm>>
    tpu.wait_indirect_dma semaphore(%arg11 : memref<!tpu.dma_semaphore, #tpu.memory_space<semaphore_mem>>) src(%dma_wait3A_91 : memref<10000x128xf32, #tpu.memory_space<hbm>>) dst(%dma_wait3A_85 : memref<128x128xf32, #tpu.memory_space<vmem>>)
    %run_scoped3A = arith.constant 0 : i32
    %run_scoped3A_92 = arith.constant 0 : i32
    "tpu.region"() ({
      %run_scoped3A_119 = tpu.sem_alloc : memref<!tpu.dma_semaphore, #tpu.memory_space<semaphore_mem>>
      %dma_start3A_120 = arith.constant 0 : i32
      %dma_start3A_121 = arith.constant 0 : i32
      %dma_start3A_122 = tpu.memref_slice %arg9[%run_scoped3A, %dma_start3A_120, %dma_start3A_121] : memref<2x128x128xf32, #tpu.memory_space<vmem>> -> memref<1x128x128xf32, #tpu.memory_space<vmem>>
      %dma_start3A_123 = tpu.memref_squeeze %dma_start3A_122 : memref<1x128x128xf32, #tpu.memory_space<vmem>> -> memref<128x128xf32, #tpu.memory_space<vmem>>
      %dma_start3A_124 = arith.constant 0 : i32
      %dma_start3A_125 = tpu.memref_slice %arg8[%run_scoped3A_92, %dma_start3A_124] : memref<2x128xi32, #tpu.memory_space<vmem>> -> memref<1x128xi32, #tpu.memory_space<vmem>>
      %dma_start3A_126 = tpu.memref_squeeze %dma_start3A_125 : memref<1x128xi32, #tpu.memory_space<vmem>> -> memref<128xi32, #tpu.memory_space<vmem>>
      %dma_start3A_127 = arith.constant 0 : i32
      %dma_start3A_128 = arith.constant 0 : i32
      %dma_start3A_129 = tpu.memref_slice %arg10[%dma_start3A_127, %dma_start3A_128] : memref<10016x128xf32, #tpu.memory_space<vmem_shared>> -> memref<10016x128xf32, #tpu.memory_space<vmem_shared>>
      tpu.enqueue_indirect_dma source(%dma_start3A_123 : memref<128x128xf32, #tpu.memory_space<vmem>>) target(%dma_start3A_129 : memref<10016x128xf32, #tpu.memory_space<vmem_shared>>) offsets(%dma_start3A_126 : memref<128xi32, #tpu.memory_space<vmem>>) semaphore(%run_scoped3A_119 : memref<!tpu.dma_semaphore, #tpu.memory_space<semaphore_mem>>) {add = true}
      %dma_wait3A_130 = arith.constant 0 : i32
      %dma_wait3A_131 = arith.constant 0 : i32
      %dma_wait3A_132 = tpu.memref_slice %arg9[%run_scoped3A, %dma_wait3A_130, %dma_wait3A_131] : memref<2x128x128xf32, #tpu.memory_space<vmem>> -> memref<1x128x128xf32, #tpu.memory_space<vmem>>
      %dma_wait3A_133 = tpu.memref_squeeze %dma_wait3A_132 : memref<1x128x128xf32, #tpu.memory_space<vmem>> -> memref<128x128xf32, #tpu.memory_space<vmem>>
      %dma_wait3A_134 = arith.constant 0 : i32
      %dma_wait3A_135 = tpu.memref_slice %arg8[%run_scoped3A_92, %dma_wait3A_134] : memref<2x128xi32, #tpu.memory_space<vmem>> -> memref<1x128xi32, #tpu.memory_space<vmem>>
      %dma_wait3A_136 = tpu.memref_squeeze %dma_wait3A_135 : memref<1x128xi32, #tpu.memory_space<vmem>> -> memref<128xi32, #tpu.memory_space<vmem>>
      %dma_wait3A_137 = arith.constant 0 : i32
      %dma_wait3A_138 = arith.constant 0 : i32
      %dma_wait3A_139 = tpu.memref_slice %arg10[%dma_wait3A_137, %dma_wait3A_138] : memref<10016x128xf32, #tpu.memory_space<vmem_shared>> -> memref<10016x128xf32, #tpu.memory_space<vmem_shared>>
      tpu.wait_indirect_dma semaphore(%run_scoped3A_119 : memref<!tpu.dma_semaphore, #tpu.memory_space<semaphore_mem>>) src(%dma_wait3A_133 : memref<128x128xf32, #tpu.memory_space<vmem>>) dst(%dma_wait3A_139 : memref<10016x128xf32, #tpu.memory_space<vmem_shared>>)
      tpu.yield
    }) : () -> ()
    %dma_wait3A_93 = arith.constant 1 : i32
    %dma_wait3A_94 = arith.constant 0 : i32
    %dma_wait3A_95 = tpu.memref_slice %arg7[%dma_wait3A_93, %dma_wait3A_94] : memref<2x128xi32, #tpu.memory_space<vmem>> -> memref<1x128xi32, #tpu.memory_space<vmem>>
    %dma_wait3A_96 = tpu.memref_squeeze %dma_wait3A_95 : memref<1x128xi32, #tpu.memory_space<vmem>> -> memref<128xi32, #tpu.memory_space<vmem>>
    %dma_wait3A_97 = tpu.memref_slice %arg2[%mul3A_6] : memref<331904xi32, #tpu.memory_space<hbm>> -> memref<128xi32, #tpu.memory_space<hbm>>
    %dma_wait3A_98 = arith.constant 0 : i32
    %dma_wait3A_99 = tpu.memref_slice %arg7[%dma_wait3A_93, %dma_wait3A_98] : memref<2x128xi32, #tpu.memory_space<vmem>> -> memref<1x128xi32, #tpu.memory_space<vmem>>
    %dma_wait3A_100 = tpu.memref_squeeze %dma_wait3A_99 : memref<1x128xi32, #tpu.memory_space<vmem>> -> memref<128xi32, #tpu.memory_space<vmem>>
    %dma_wait3A_101 = tpu.memref_slice %arg2[%mul3A_6] : memref<331904xi32, #tpu.memory_space<hbm>> -> memref<128xi32, #tpu.memory_space<hbm>>
    tpu.wait_dma2 semaphore(%arg14 : memref<!tpu.dma_semaphore, #tpu.memory_space<semaphore_mem>>) src(%dma_wait3A_101 : memref<128xi32, #tpu.memory_space<hbm>>) dst(%dma_wait3A_100 : memref<128xi32, #tpu.memory_space<vmem>>)
    %dma_wait3A_102 = arith.constant 1 : i32
    %dma_wait3A_103 = arith.constant 0 : i32
    %dma_wait3A_104 = tpu.memref_slice %arg8[%dma_wait3A_102, %dma_wait3A_103] : memref<2x128xi32, #tpu.memory_space<vmem>> -> memref<1x128xi32, #tpu.memory_space<vmem>>
    %dma_wait3A_105 = tpu.memref_squeeze %dma_wait3A_104 : memref<1x128xi32, #tpu.memory_space<vmem>> -> memref<128xi32, #tpu.memory_space<vmem>>
    %dma_wait3A_106 = tpu.memref_slice %arg3[%mul3A_6] : memref<331904xi32, #tpu.memory_space<hbm>> -> memref<128xi32, #tpu.memory_space<hbm>>
    %dma_wait3A_107 = arith.constant 0 : i32
    %dma_wait3A_108 = tpu.memref_slice %arg8[%dma_wait3A_102, %dma_wait3A_107] : memref<2x128xi32, #tpu.memory_space<vmem>> -> memref<1x128xi32, #tpu.memory_space<vmem>>
    %dma_wait3A_109 = tpu.memref_squeeze %dma_wait3A_108 : memref<1x128xi32, #tpu.memory_space<vmem>> -> memref<128xi32, #tpu.memory_space<vmem>>
    %dma_wait3A_110 = tpu.memref_slice %arg3[%mul3A_6] : memref<331904xi32, #tpu.memory_space<hbm>> -> memref<128xi32, #tpu.memory_space<hbm>>
    tpu.wait_dma2 semaphore(%arg14 : memref<!tpu.dma_semaphore, #tpu.memory_space<semaphore_mem>>) src(%dma_wait3A_110 : memref<128xi32, #tpu.memory_space<hbm>>) dst(%dma_wait3A_109 : memref<128xi32, #tpu.memory_space<vmem>>)
    %barrier3A_111 = arith.constant 0 : index
    tpu.barrier barrier_id(%barrier3A_111)
    %mul3A_112 = arith.constant 624 : i32
    %mul3A_113 = arith.muli %arg1, %mul3A_112 : i32
    "tpu.region"() ({
      %run_scoped3A_119 = tpu.sem_alloc : memref<!tpu.dma_semaphore, #tpu.memory_space<semaphore_mem>>
      %dma_start3A_120 = arith.constant 0 : i32
      %dma_start3A_121 = tpu.memref_slice %arg6[%arg0, %mul3A_113, %dma_start3A_120] : memref<2x10000x128xf32, #tpu.memory_space<hbm>> -> memref<1x624x128xf32, #tpu.memory_space<hbm>>
      %dma_start3A_122 = tpu.memref_squeeze %dma_start3A_121 : memref<1x624x128xf32, #tpu.memory_space<hbm>> -> memref<624x128xf32, #tpu.memory_space<hbm>>
      %dma_start3A_123 = arith.constant 0 : i32
      %dma_start3A_124 = tpu.memref_slice %arg10[%mul3A_113, %dma_start3A_123] : memref<10016x128xf32, #tpu.memory_space<vmem_shared>> -> memref<624x128xf32, #tpu.memory_space<vmem_shared>>
      tpu.enqueue_dma source(%dma_start3A_124 : memref<624x128xf32, #tpu.memory_space<vmem_shared>>) target(%dma_start3A_122 : memref<624x128xf32, #tpu.memory_space<hbm>>) target_semaphore(%run_scoped3A_119 : memref<!tpu.dma_semaphore, #tpu.memory_space<semaphore_mem>>)
      %dma_wait3A_125 = arith.constant 0 : i32
      %dma_wait3A_126 = tpu.memref_slice %arg6[%arg0, %mul3A_113, %dma_wait3A_125] : memref<2x10000x128xf32, #tpu.memory_space<hbm>> -> memref<1x624x128xf32, #tpu.memory_space<hbm>>
      %dma_wait3A_127 = tpu.memref_squeeze %dma_wait3A_126 : memref<1x624x128xf32, #tpu.memory_space<hbm>> -> memref<624x128xf32, #tpu.memory_space<hbm>>
      %dma_wait3A_128 = arith.constant 0 : i32
      %dma_wait3A_129 = tpu.memref_slice %arg10[%mul3A_113, %dma_wait3A_128] : memref<10016x128xf32, #tpu.memory_space<vmem_shared>> -> memref<624x128xf32, #tpu.memory_space<vmem_shared>>
      tpu.wait_dma2 semaphore(%run_scoped3A_119 : memref<!tpu.dma_semaphore, #tpu.memory_space<semaphore_mem>>) src(%dma_wait3A_129 : memref<624x128xf32, #tpu.memory_space<vmem_shared>>) dst(%dma_wait3A_127 : memref<624x128xf32, #tpu.memory_space<hbm>>)
      tpu.yield
    }) : () -> ()
    %eq3A_114 = arith.constant 15 : i32
    %eq3A_115 = arith.cmpi eq, %arg1, %eq3A_114 : i32
    %convert_element_type3A_116 = arith.extui %eq3A_115 : i1 to i32
    %cond3A_117 = arith.constant 0 : i32
    %cond3A_118 = arith.cmpi ne, %convert_element_type3A_116, %cond3A_117 : i32
    scf.if %cond3A_118 {
      "tpu.region"() ({
        %run_scoped3A_119 = tpu.sem_alloc : memref<!tpu.dma_semaphore, #tpu.memory_space<semaphore_mem>>
        %dma_start3A_120 = arith.constant 9984 : i32
        %dma_start3A_121 = arith.constant 0 : i32
        %dma_start3A_122 = tpu.memref_slice %arg6[%arg0, %dma_start3A_120, %dma_start3A_121] : memref<2x10000x128xf32, #tpu.memory_space<hbm>> -> memref<1x16x128xf32, #tpu.memory_space<hbm>>
        %dma_start3A_123 = tpu.memref_squeeze %dma_start3A_122 : memref<1x16x128xf32, #tpu.memory_space<hbm>> -> memref<16x128xf32, #tpu.memory_space<hbm>>
        %dma_start3A_124 = arith.constant 9984 : i32
        %dma_start3A_125 = arith.constant 0 : i32
        %dma_start3A_126 = tpu.memref_slice %arg10[%dma_start3A_124, %dma_start3A_125] : memref<10016x128xf32, #tpu.memory_space<vmem_shared>> -> memref<16x128xf32, #tpu.memory_space<vmem_shared>>
        tpu.enqueue_dma source(%dma_start3A_126 : memref<16x128xf32, #tpu.memory_space<vmem_shared>>) target(%dma_start3A_123 : memref<16x128xf32, #tpu.memory_space<hbm>>) target_semaphore(%run_scoped3A_119 : memref<!tpu.dma_semaphore, #tpu.memory_space<semaphore_mem>>)
        %dma_wait3A_127 = arith.constant 9984 : i32
        %dma_wait3A_128 = arith.constant 0 : i32
        %dma_wait3A_129 = tpu.memref_slice %arg6[%arg0, %dma_wait3A_127, %dma_wait3A_128] : memref<2x10000x128xf32, #tpu.memory_space<hbm>> -> memref<1x16x128xf32, #tpu.memory_space<hbm>>
        %dma_wait3A_130 = tpu.memref_squeeze %dma_wait3A_129 : memref<1x16x128xf32, #tpu.memory_space<hbm>> -> memref<16x128xf32, #tpu.memory_space<hbm>>
        %dma_wait3A_131 = arith.constant 9984 : i32
        %dma_wait3A_132 = arith.constant 0 : i32
        %dma_wait3A_133 = tpu.memref_slice %arg10[%dma_wait3A_131, %dma_wait3A_132] : memref<10016x128xf32, #tpu.memory_space<vmem_shared>> -> memref<16x128xf32, #tpu.memory_space<vmem_shared>>
        tpu.wait_dma2 semaphore(%run_scoped3A_119 : memref<!tpu.dma_semaphore, #tpu.memory_space<semaphore_mem>>) src(%dma_wait3A_133 : memref<16x128xf32, #tpu.memory_space<vmem_shared>>) dst(%dma_wait3A_130 : memref<16x128xf32, #tpu.memory_space<hbm>>)
        tpu.yield
      }) : () -> ()
    } else {
    }
    return
  }
}

module attributes {stable_mosaic.version = 14 : i64} {
  func.func @body(%arg0: i32, %arg1: memref<2000x128xf32, #tpu.memory_space<vmem>>, %arg2: memref<2x2000x128xf32, #tpu.memory_space<vmem>>, %arg3: memref<2000x128xf32, #tpu.memory_space<vmem>>, %arg4: memref<2000x8xf32, #tpu.memory_space<vmem>>) attributes {dimension_semantics = [#tpu.dimension_semantics<arbitrary>], iteration_bounds = array<i64: 5>, scalar_prefetch = 0 : i64, scratch_operands = 0 : i64, tpu.core_type = #tpu.core_type<tc>, window_params = [{transform_indices = @transform_0, window_bounds = array<i64: 2000, 128>}, {transform_indices = @transform_1, window_bounds = array<i64: 2, 2000, 128>}, {transform_indices = @transform_2, window_bounds = array<i64: 2000, 128>}, {transform_indices = @transform_3, window_bounds = array<i64: 2000, 8>}]} {
    %get3A = arith.constant 0 : index
    %get3A_0 = arith.constant 0 : index
    %get3A_1 = arith.constant 0 : index
    %get3A_2 = vector.load %arg2[%get3A, %get3A_0, %get3A_1] : memref<2x2000x128xf32, #tpu.memory_space<vmem>>, vector<2x2000x128xf32>
    %slice3A = vector.extract_strided_slice %get3A_2 {offsets = [0, 0, 0], sizes = [1, 2000, 128], strides = [1, 1, 1]} : vector<2x2000x128xf32> to vector<1x2000x128xf32>
    %squeeze3A = vector.shape_cast %slice3A : vector<1x2000x128xf32> to vector<2000x128xf32>
    %slice3A_3 = vector.extract_strided_slice %squeeze3A {offsets = [0, 0], sizes = [2000, 1], strides = [1, 1]} : vector<2000x128xf32> to vector<2000x1xf32>
    %slice3A_4 = vector.extract_strided_slice %get3A_2 {offsets = [1, 0, 0], sizes = [1, 2000, 128], strides = [1, 1, 1]} : vector<2x2000x128xf32> to vector<1x2000x128xf32>
    %squeeze3A_5 = vector.shape_cast %slice3A_4 : vector<1x2000x128xf32> to vector<2000x128xf32>
    %slice3A_6 = vector.extract_strided_slice %squeeze3A_5 {offsets = [0, 0], sizes = [2000, 1], strides = [1, 1]} : vector<2000x128xf32> to vector<2000x1xf32>
    %add3A = arith.addf %slice3A_3, %slice3A_6 : vector<2000x1xf32>
    %rsqrt3A = math.rsqrt %add3A : vector<2000x1xf32>
    %get3A_7 = arith.constant 0 : index
    %get3A_8 = arith.constant 0 : index
    %get3A_9 = vector.load %arg1[%get3A_7, %get3A_8] : memref<2000x128xf32, #tpu.memory_space<vmem>>, vector<2000x128xf32>
    %mul3A = vector.broadcast %rsqrt3A : vector<2000x1xf32> to vector<2000x128xf32>
    %mul3A_10 = arith.mulf %get3A_9, %mul3A : vector<2000x128xf32>
    %swap3A = arith.constant 0 : index
    %swap3A_11 = arith.constant 0 : index
    %swap3A_12 = vector.load %arg3[%swap3A, %swap3A_11] : memref<2000x128xf32, #tpu.memory_space<vmem>>, vector<2000x128xf32>
    tpu.vector_store %arg3[%swap3A, %swap3A_11], %mul3A_10 {strides = array<i32>} : memref<2000x128xf32, #tpu.memory_space<vmem>>, vector<2000x128xf32>,
    %broadcast_in_dim3A = vector.shape_cast %rsqrt3A : vector<2000x1xf32> to vector<2000x1xf32>
    %broadcast_in_dim3A_13 = vector.broadcast %broadcast_in_dim3A : vector<2000x1xf32> to vector<2000x8xf32>
    %swap3A_14 = arith.constant 0 : index
    %swap3A_15 = arith.constant 0 : index
    %swap3A_16 = vector.load %arg4[%swap3A_14, %swap3A_15] : memref<2000x8xf32, #tpu.memory_space<vmem>>, vector<2000x8xf32>
    tpu.vector_store %arg4[%swap3A_14, %swap3A_15], %broadcast_in_dim3A_13 {strides = array<i32>} : memref<2000x8xf32, #tpu.memory_space<vmem>>, vector<2000x8xf32>,
    return
  }
  func.func @transform_0(%arg0: i32) -> (i32, i32) {
    %c0_i32 = arith.constant 0 : i32
    %c0_i32_0 = arith.constant 0 : i32
    return %arg0, %c0_i32 : i32, i32
  }
  func.func @transform_1(%arg0: i32) -> (i32, i32, i32) {
    %c0_i32 = arith.constant 0 : i32
    %c0_i32_0 = arith.constant 0 : i32
    %c0_i32_1 = arith.constant 0 : i32
    return %c0_i32, %arg0, %c0_i32_0 : i32, i32, i32
  }
  func.func @transform_2(%arg0: i32) -> (i32, i32) {
    %c0_i32 = arith.constant 0 : i32
    %c0_i32_0 = arith.constant 0 : i32
    return %arg0, %c0_i32 : i32, i32
  }
  func.func @transform_3(%arg0: i32) -> (i32, i32) {
    %c0_i32 = arith.constant 0 : i32
    %c0_i32_0 = arith.constant 0 : i32
    return %arg0, %c0_i32 : i32, i32
  }
}

module attributes {stable_mosaic.version = 14 : i64} {
  func.func @body(%arg0: i32, %arg1: memref<2x2000x128xf32, #tpu.memory_space<vmem>>, %arg2: memref<2000x8xf32, #tpu.memory_space<vmem>>, %arg3: memref<128x256xf32, #tpu.memory_space<vmem>>, %arg4: memref<1x256xf32, #tpu.memory_space<vmem>>, %arg5: memref<1x1x2000xi32, #tpu.memory_space<vmem>>, %arg6: memref<64x256xf32, #tpu.memory_space<vmem>>, %arg7: memref<64x256xf32, #tpu.memory_space<vmem>>, %arg8: memref<64x128xf32, #tpu.memory_space<vmem>>) attributes {dimension_semantics = [#tpu.dimension_semantics<arbitrary>], iteration_bounds = array<i64: 5>, scalar_prefetch = 0 : i64, scratch_operands = 2 : i64, tpu.core_type = #tpu.core_type<tc>, window_params = [{transform_indices = @transform_0, window_bounds = array<i64: 2, 2000, 128>}, {transform_indices = @transform_1, window_bounds = array<i64: 2000, 8>}, {pipeline_mode = #tpu.pipeline_mode<synchronous>, transform_indices = @transform_2, window_bounds = array<i64: 128, 256>}, {pipeline_mode = #tpu.pipeline_mode<synchronous>, transform_indices = @transform_3, window_bounds = array<i64: 1, 256>}, {transform_indices = @transform_4, window_bounds = array<i64: 1, 1, 2000>}, {pipeline_mode = #tpu.pipeline_mode<synchronous>, transform_indices = @transform_5, window_bounds = array<i64: 64, 256>}]} {
    %eq3A = arith.constant 0 : i32
    %eq3A_0 = arith.cmpi eq, %arg0, %eq3A : i32
    %convert_element_type3A = arith.extui %eq3A_0 : i1 to i32
    %cond3A = arith.constant 0 : i32
    %cond3A_1 = arith.cmpi ne, %convert_element_type3A, %cond3A : i32
    scf.if %cond3A_1 {
      %broadcast_in_dim3A_57 = arith.constant 0.000000e+00 : f32
      %broadcast_in_dim3A_58 = vector.broadcast %broadcast_in_dim3A_57 : f32 to vector<64x256xf32>
      %swap3A_59 = arith.constant 0 : index
      %swap3A_60 = arith.constant 0 : index
      %swap3A_61 = vector.load %arg7[%swap3A_59, %swap3A_60] : memref<64x256xf32, #tpu.memory_space<vmem>>, vector<64x256xf32>
      tpu.vector_store %arg7[%swap3A_59, %swap3A_60], %broadcast_in_dim3A_58 {strides = array<i32>} : memref<64x256xf32, #tpu.memory_space<vmem>>, vector<64x256xf32>,
      %broadcast_in_dim3A_62 = arith.constant 0.000000e+00 : f32
      %broadcast_in_dim3A_63 = vector.broadcast %broadcast_in_dim3A_62 : f32 to vector<64x128xf32>
      %swap3A_64 = arith.constant 0 : index
      %swap3A_65 = arith.constant 0 : index
      %swap3A_66 = vector.load %arg8[%swap3A_64, %swap3A_65] : memref<64x128xf32, #tpu.memory_space<vmem>>, vector<64x128xf32>
      tpu.vector_store %arg8[%swap3A_64, %swap3A_65], %broadcast_in_dim3A_63 {strides = array<i32>} : memref<64x128xf32, #tpu.memory_space<vmem>>, vector<64x128xf32>,
    } else {
    }
    %get3A = arith.constant 0 : index
    %get3A_2 = arith.constant 0 : index
    %get3A_3 = vector.load %arg2[%get3A, %get3A_2] : memref<2000x8xf32, #tpu.memory_space<vmem>>, vector<2000x1xf32>
    %get3A_4 = arith.constant 0 : index
    %get3A_5 = arith.constant 0 : index
    %get3A_6 = arith.constant 0 : index
    %get3A_7 = vector.load %arg1[%get3A_4, %get3A_5, %get3A_6] : memref<2x2000x128xf32, #tpu.memory_space<vmem>>, vector<1x2000x128xf32>
    %get3A_8 = vector.shape_cast %get3A_7 : vector<1x2000x128xf32> to vector<2000x128xf32>
    %get3A_9 = arith.constant 1 : index
    %get3A_10 = arith.constant 0 : index
    %get3A_11 = arith.constant 0 : index
    %get3A_12 = vector.load %arg1[%get3A_9, %get3A_10, %get3A_11] : memref<2x2000x128xf32, #tpu.memory_space<vmem>>, vector<1x2000x128xf32>
    %get3A_13 = vector.shape_cast %get3A_12 : vector<1x2000x128xf32> to vector<2000x128xf32>
    %add3A = arith.addf %get3A_8, %get3A_13 : vector<2000x128xf32>
    %get3A_14 = arith.constant 0 : index
    %get3A_15 = arith.constant 0 : index
    %get3A_16 = vector.load %arg3[%get3A_14, %get3A_15] : memref<128x256xf32, #tpu.memory_space<vmem>>, vector<128x256xf32>
    %dot_general3A = arith.constant dense<0.000000e+00> : vector<2000x256xf32>
    %dot_general3A_17 = tpu.matmul %add3A, %get3A_16, %dot_general3A {dimension_numbers = #tpu.dot_dimension_numbers<[1], [0], [0], [1], [0, 0, 1, 1], [], []>, transpose_lhs_hint = false} : vector<2000x128xf32>, vector<128x256xf32>, vector<2000x256xf32> -> vector<2000x256xf32>
    %mul3A = vector.broadcast %get3A_3 : vector<2000x1xf32> to vector<2000x256xf32>
    %mul3A_18 = arith.mulf %dot_general3A_17, %mul3A : vector<2000x256xf32>
    %get3A_19 = arith.constant 0 : index
    %get3A_20 = arith.constant 0 : index
    %get3A_21 = vector.load %arg4[%get3A_19, %get3A_20] : memref<1x256xf32, #tpu.memory_space<vmem>>, vector<1x256xf32>
    %add3A_22 = vector.broadcast %get3A_21 : vector<1x256xf32> to vector<2000x256xf32>
    %add3A_23 = arith.addf %mul3A_18, %add3A_22 : vector<2000x256xf32>
    %get3A_24 = arith.constant 0 : index
    %get3A_25 = arith.constant 0 : index
    %get3A_26 = arith.constant 0 : index
    %get3A_27 = vector.load %arg5[%get3A_24, %get3A_25, %get3A_26] : memref<1x1x2000xi32, #tpu.memory_space<vmem>>, vector<1x1x2000xi32>
    %get3A_28 = vector.shape_cast %get3A_27 : vector<1x1x2000xi32> to vector<2000xi32>
    %broadcast_in_dim3A = vector.shape_cast %get3A_28 : vector<2000xi32> to vector<2000x1xi32>
    %iota3A = tpu.iota {dimensions = array<i32: 1>} : vector<2000x64xi32>
    %eq3A_29 = vector.broadcast %broadcast_in_dim3A : vector<2000x1xi32> to vector<2000x64xi32>
    %eq3A_30 = arith.cmpi eq, %eq3A_29, %iota3A : vector<2000x64xi32>
    %convert_element_type3A_31 = arith.extui %eq3A_30 : vector<2000x64xi1> to vector<2000x64xi32>
    %convert_element_type3A_32 = arith.sitofp %convert_element_type3A_31 : vector<2000x64xi32> to vector<2000x64xf32>
    %get3A_33 = arith.constant 0 : index
    %get3A_34 = arith.constant 0 : index
    %get3A_35 = vector.load %arg7[%get3A_33, %get3A_34] : memref<64x256xf32, #tpu.memory_space<vmem>>, vector<64x256xf32>
    %dot_general3A_36 = arith.constant dense<0.000000e+00> : vector<64x256xf32>
    %dot_general3A_37 = tpu.matmul %convert_element_type3A_32, %add3A_23, %dot_general3A_36 {dimension_numbers = #tpu.dot_dimension_numbers<[0], [0], [1], [1], [0, 1, 1, 1], [], []>, transpose_lhs_hint = false} : vector<2000x64xf32>, vector<2000x256xf32>, vector<64x256xf32> -> vector<64x256xf32>
    %add3A_38 = arith.addf %get3A_35, %dot_general3A_37 : vector<64x256xf32>
    %swap3A = arith.constant 0 : index
    %swap3A_39 = arith.constant 0 : index
    %swap3A_40 = vector.load %arg7[%swap3A, %swap3A_39] : memref<64x256xf32, #tpu.memory_space<vmem>>, vector<64x256xf32>
    tpu.vector_store %arg7[%swap3A, %swap3A_39], %add3A_38 {strides = array<i32>} : memref<64x256xf32, #tpu.memory_space<vmem>>, vector<64x256xf32>,
    %get3A_41 = arith.constant 0 : index
    %get3A_42 = arith.constant 0 : index
    %get3A_43 = vector.load %arg8[%get3A_41, %get3A_42] : memref<64x128xf32, #tpu.memory_space<vmem>>, vector<64x128xf32>
    %broadcast_in_dim3A_44 = arith.constant 1.000000e+00 : f32
    %broadcast_in_dim3A_45 = vector.broadcast %broadcast_in_dim3A_44 : f32 to vector<2000x128xf32>
    %dot_general3A_46 = arith.constant dense<0.000000e+00> : vector<64x128xf32>
    %dot_general3A_47 = tpu.matmul %convert_element_type3A_32, %broadcast_in_dim3A_45, %dot_general3A_46 {dimension_numbers = #tpu.dot_dimension_numbers<[0], [0], [1], [1], [0, 1, 1, 1], [], []>, transpose_lhs_hint = false} : vector<2000x64xf32>, vector<2000x128xf32>, vector<64x128xf32> -> vector<64x128xf32>
    %add3A_48 = arith.addf %get3A_43, %dot_general3A_47 : vector<64x128xf32>
    %swap3A_49 = arith.constant 0 : index
    %swap3A_50 = arith.constant 0 : index
    %swap3A_51 = vector.load %arg8[%swap3A_49, %swap3A_50] : memref<64x128xf32, #tpu.memory_space<vmem>>, vector<64x128xf32>
    tpu.vector_store %arg8[%swap3A_49, %swap3A_50], %add3A_48 {strides = array<i32>} : memref<64x128xf32, #tpu.memory_space<vmem>>, vector<64x128xf32>,
    %eq3A_52 = arith.constant 4 : i32
    %eq3A_53 = arith.cmpi eq, %arg0, %eq3A_52 : i32
    %convert_element_type3A_54 = arith.extui %eq3A_53 : i1 to i32
    %cond3A_55 = arith.constant 0 : i32
    %cond3A_56 = arith.cmpi ne, %convert_element_type3A_54, %cond3A_55 : i32
    scf.if %cond3A_56 {
      %get3A_57 = arith.constant 0 : index
      %get3A_58 = arith.constant 0 : index
      %get3A_59 = vector.load %arg8[%get3A_57, %get3A_58] : memref<64x128xf32, #tpu.memory_space<vmem>>, vector<64x1xf32>
      %max3A = arith.constant 1.000000e+00 : f32
      %max3A_60 = vector.broadcast %max3A : f32 to vector<64x1xf32>
      %max3A_61 = arith.maximumf %get3A_59, %max3A_60 : vector<64x1xf32>
      %get3A_62 = arith.constant 0 : index
      %get3A_63 = arith.constant 0 : index
      %get3A_64 = vector.load %arg7[%get3A_62, %get3A_63] : memref<64x256xf32, #tpu.memory_space<vmem>>, vector<64x256xf32>
      %div3A = vector.broadcast %max3A_61 : vector<64x1xf32> to vector<64x256xf32>
      %div3A_65 = arith.divf %get3A_64, %div3A : vector<64x256xf32>
      %swap3A_66 = arith.constant 0 : index
      %swap3A_67 = arith.constant 0 : index
      %swap3A_68 = vector.load %arg6[%swap3A_66, %swap3A_67] : memref<64x256xf32, #tpu.memory_space<vmem>>, vector<64x256xf32>
      tpu.vector_store %arg6[%swap3A_66, %swap3A_67], %div3A_65 {strides = array<i32>} : memref<64x256xf32, #tpu.memory_space<vmem>>, vector<64x256xf32>,
    } else {
    }
    return
  }
  func.func @transform_0(%arg0: i32) -> (i32, i32, i32) {
    %c0_i32 = arith.constant 0 : i32
    %c0_i32_0 = arith.constant 0 : i32
    %c0_i32_1 = arith.constant 0 : i32
    return %c0_i32, %arg0, %c0_i32_0 : i32, i32, i32
  }
  func.func @transform_1(%arg0: i32) -> (i32, i32) {
    %c0_i32 = arith.constant 0 : i32
    %c0_i32_0 = arith.constant 0 : i32
    return %arg0, %c0_i32 : i32, i32
  }
  func.func @transform_2(%arg0: i32) -> (i32, i32) {
    %c0_i32 = arith.constant 0 : i32
    %c0_i32_0 = arith.constant 0 : i32
    %c0_i32_1 = arith.constant 0 : i32
    return %c0_i32, %c0_i32_0 : i32, i32
  }
  func.func @transform_3(%arg0: i32) -> (i32, i32) {
    %c0_i32 = arith.constant 0 : i32
    %c0_i32_0 = arith.constant 0 : i32
    %c0_i32_1 = arith.constant 0 : i32
    return %c0_i32, %c0_i32_0 : i32, i32
  }
  func.func @transform_4(%arg0: i32) -> (i32, i32, i32) {
    %c0_i32 = arith.constant 0 : i32
    %c0_i32_0 = arith.constant 0 : i32
    %c0_i32_1 = arith.constant 0 : i32
    return %arg0, %c0_i32, %c0_i32_0 : i32, i32, i32
  }
  func.func @transform_5(%arg0: i32) -> (i32, i32) {
    %c0_i32 = arith.constant 0 : i32
    %c0_i32_0 = arith.constant 0 : i32
    %c0_i32_1 = arith.constant 0 : i32
    return %c0_i32, %c0_i32_0 : i32, i32
  }
}

module attributes {stable_mosaic.version = 14 : i64} {
  func.func @body(%arg0: i32, %arg1: memref<2x2000x128xf32, #tpu.memory_space<vmem>>, %arg2: memref<2000x8xf32, #tpu.memory_space<vmem>>, %arg3: memref<128x128xf32, #tpu.memory_space<vmem>>, %arg4: memref<1x128xf32, #tpu.memory_space<vmem>>, %arg5: memref<1x128xf32, #tpu.memory_space<vmem>>, %arg6: memref<1x128xf32, #tpu.memory_space<vmem>>, %arg7: memref<1x128xf32, #tpu.memory_space<vmem>>, %arg8: memref<1x128xf32, #tpu.memory_space<vmem>>, %arg9: memref<2000x128xf32, #tpu.memory_space<vmem>>) attributes {dimension_semantics = [#tpu.dimension_semantics<arbitrary>], iteration_bounds = array<i64: 5>, scalar_prefetch = 0 : i64, scratch_operands = 0 : i64, tpu.core_type = #tpu.core_type<tc>, window_params = [{transform_indices = @transform_0, window_bounds = array<i64: 2, 2000, 128>}, {transform_indices = @transform_1, window_bounds = array<i64: 2000, 8>}, {pipeline_mode = #tpu.pipeline_mode<synchronous>, transform_indices = @transform_2, window_bounds = array<i64: 128, 128>}, {pipeline_mode = #tpu.pipeline_mode<synchronous>, transform_indices = @transform_3, window_bounds = array<i64: 1, 128>}, {pipeline_mode = #tpu.pipeline_mode<synchronous>, transform_indices = @transform_4, window_bounds = array<i64: 1, 128>}, {pipeline_mode = #tpu.pipeline_mode<synchronous>, transform_indices = @transform_5, window_bounds = array<i64: 1, 128>}, {pipeline_mode = #tpu.pipeline_mode<synchronous>, transform_indices = @transform_6, window_bounds = array<i64: 1, 128>}, {pipeline_mode = #tpu.pipeline_mode<synchronous>, transform_indices = @transform_7, window_bounds = array<i64: 1, 128>}, {transform_indices = @transform_8, window_bounds = array<i64: 2000, 128>}]} {
    %get3A = arith.constant 0 : index
    %get3A_0 = arith.constant 0 : index
    %get3A_1 = vector.load %arg2[%get3A, %get3A_0] : memref<2000x8xf32, #tpu.memory_space<vmem>>, vector<2000x1xf32>
    %get3A_2 = arith.constant 0 : index
    %get3A_3 = arith.constant 0 : index
    %get3A_4 = arith.constant 0 : index
    %get3A_5 = vector.load %arg1[%get3A_2, %get3A_3, %get3A_4] : memref<2x2000x128xf32, #tpu.memory_space<vmem>>, vector<1x2000x128xf32>
    %get3A_6 = vector.shape_cast %get3A_5 : vector<1x2000x128xf32> to vector<2000x128xf32>
    %get3A_7 = arith.constant 1 : index
    %get3A_8 = arith.constant 0 : index
    %get3A_9 = arith.constant 0 : index
    %get3A_10 = vector.load %arg1[%get3A_7, %get3A_8, %get3A_9] : memref<2x2000x128xf32, #tpu.memory_space<vmem>>, vector<1x2000x128xf32>
    %get3A_11 = vector.shape_cast %get3A_10 : vector<1x2000x128xf32> to vector<2000x128xf32>
    %add3A = arith.addf %get3A_6, %get3A_11 : vector<2000x128xf32>
    %get3A_12 = arith.constant 0 : index
    %get3A_13 = arith.constant 0 : index
    %get3A_14 = vector.load %arg3[%get3A_12, %get3A_13] : memref<128x128xf32, #tpu.memory_space<vmem>>, vector<128x128xf32>
    %dot_general3A = arith.constant dense<0.000000e+00> : vector<2000x128xf32>
    %dot_general3A_15 = tpu.matmul %add3A, %get3A_14, %dot_general3A {dimension_numbers = #tpu.dot_dimension_numbers<[1], [0], [0], [1], [0, 0, 1, 1], [], []>, transpose_lhs_hint = false} : vector<2000x128xf32>, vector<128x128xf32>, vector<2000x128xf32> -> vector<2000x128xf32>
    %mul3A = vector.broadcast %get3A_1 : vector<2000x1xf32> to vector<2000x128xf32>
    %mul3A_16 = arith.mulf %dot_general3A_15, %mul3A : vector<2000x128xf32>
    %get3A_17 = arith.constant 0 : index
    %get3A_18 = arith.constant 0 : index
    %get3A_19 = vector.load %arg4[%get3A_17, %get3A_18] : memref<1x128xf32, #tpu.memory_space<vmem>>, vector<1x128xf32>
    %add3A_20 = vector.broadcast %get3A_19 : vector<1x128xf32> to vector<2000x128xf32>
    %add3A_21 = arith.addf %mul3A_16, %add3A_20 : vector<2000x128xf32>
    %get3A_22 = arith.constant 0 : index
    %get3A_23 = arith.constant 0 : index
    %get3A_24 = vector.load %arg5[%get3A_22, %get3A_23] : memref<1x128xf32, #tpu.memory_space<vmem>>, vector<1x128xf32>
    %get3A_25 = arith.constant 0 : index
    %get3A_26 = arith.constant 0 : index
    %get3A_27 = vector.load %arg8[%get3A_25, %get3A_26] : memref<1x128xf32, #tpu.memory_space<vmem>>, vector<1x128xf32>
    %add3A_28 = arith.constant 9.99999974E-6 : f32
    %add3A_29 = vector.broadcast %add3A_28 : f32 to vector<1x128xf32>
    %add3A_30 = arith.addf %get3A_27, %add3A_29 : vector<1x128xf32>
    %rsqrt3A = math.rsqrt %add3A_30 : vector<1x128xf32>
    %mul3A_31 = arith.mulf %get3A_24, %rsqrt3A : vector<1x128xf32>
    %get3A_32 = arith.constant 0 : index
    %get3A_33 = arith.constant 0 : index
    %get3A_34 = vector.load %arg7[%get3A_32, %get3A_33] : memref<1x128xf32, #tpu.memory_space<vmem>>, vector<1x128xf32>
    %sub3A = vector.broadcast %get3A_34 : vector<1x128xf32> to vector<2000x128xf32>
    %sub3A_35 = arith.subf %add3A_21, %sub3A : vector<2000x128xf32>
    %mul3A_36 = vector.broadcast %mul3A_31 : vector<1x128xf32> to vector<2000x128xf32>
    %mul3A_37 = arith.mulf %sub3A_35, %mul3A_36 : vector<2000x128xf32>
    %get3A_38 = arith.constant 0 : index
    %get3A_39 = arith.constant 0 : index
    %get3A_40 = vector.load %arg6[%get3A_38, %get3A_39] : memref<1x128xf32, #tpu.memory_space<vmem>>, vector<1x128xf32>
    %add3A_41 = vector.broadcast %get3A_40 : vector<1x128xf32> to vector<2000x128xf32>
    %add3A_42 = arith.addf %mul3A_37, %add3A_41 : vector<2000x128xf32>
    %max3A = arith.constant 0.000000e+00 : f32
    %max3A_43 = vector.broadcast %max3A : f32 to vector<2000x128xf32>
    %max3A_44 = arith.maximumf %add3A_42, %max3A_43 : vector<2000x128xf32>
    %mul3A_45 = vector.broadcast %get3A_1 : vector<2000x1xf32> to vector<2000x128xf32>
    %mul3A_46 = arith.mulf %max3A_44, %mul3A_45 : vector<2000x128xf32>
    %swap3A = arith.constant 0 : index
    %swap3A_47 = arith.constant 0 : index
    %swap3A_48 = vector.load %arg9[%swap3A, %swap3A_47] : memref<2000x128xf32, #tpu.memory_space<vmem>>, vector<2000x128xf32>
    tpu.vector_store %arg9[%swap3A, %swap3A_47], %mul3A_46 {strides = array<i32>} : memref<2000x128xf32, #tpu.memory_space<vmem>>, vector<2000x128xf32>,
    return
  }
  func.func @transform_0(%arg0: i32) -> (i32, i32, i32) {
    %c0_i32 = arith.constant 0 : i32
    %c0_i32_0 = arith.constant 0 : i32
    %c0_i32_1 = arith.constant 0 : i32
    return %c0_i32, %arg0, %c0_i32_0 : i32, i32, i32
  }
  func.func @transform_1(%arg0: i32) -> (i32, i32) {
    %c0_i32 = arith.constant 0 : i32
    %c0_i32_0 = arith.constant 0 : i32
    return %arg0, %c0_i32 : i32, i32
  }
  func.func @transform_2(%arg0: i32) -> (i32, i32) {
    %c0_i32 = arith.constant 0 : i32
    %c0_i32_0 = arith.constant 0 : i32
    %c0_i32_1 = arith.constant 0 : i32
    return %c0_i32, %c0_i32_0 : i32, i32
  }
  func.func @transform_3(%arg0: i32) -> (i32, i32) {
    %c0_i32 = arith.constant 0 : i32
    %c0_i32_0 = arith.constant 0 : i32
    %c0_i32_1 = arith.constant 0 : i32
    return %c0_i32, %c0_i32_0 : i32, i32
  }
  func.func @transform_4(%arg0: i32) -> (i32, i32) {
    %c0_i32 = arith.constant 0 : i32
    %c0_i32_0 = arith.constant 0 : i32
    %c0_i32_1 = arith.constant 0 : i32
    return %c0_i32, %c0_i32_0 : i32, i32
  }
  func.func @transform_5(%arg0: i32) -> (i32, i32) {
    %c0_i32 = arith.constant 0 : i32
    %c0_i32_0 = arith.constant 0 : i32
    %c0_i32_1 = arith.constant 0 : i32
    return %c0_i32, %c0_i32_0 : i32, i32
  }
  func.func @transform_6(%arg0: i32) -> (i32, i32) {
    %c0_i32 = arith.constant 0 : i32
    %c0_i32_0 = arith.constant 0 : i32
    %c0_i32_1 = arith.constant 0 : i32
    return %c0_i32, %c0_i32_0 : i32, i32
  }
  func.func @transform_7(%arg0: i32) -> (i32, i32) {
    %c0_i32 = arith.constant 0 : i32
    %c0_i32_0 = arith.constant 0 : i32
    %c0_i32_1 = arith.constant 0 : i32
    return %c0_i32, %c0_i32_0 : i32, i32
  }
  func.func @transform_8(%arg0: i32) -> (i32, i32) {
    %c0_i32 = arith.constant 0 : i32
    %c0_i32_0 = arith.constant 0 : i32
    return %arg0, %c0_i32 : i32, i32
  }
}

</mosaic_0001>

<sc_bundles>
// kernel: kernel.10.cloned.1.call-start
scs
__scs_entry_jumppad:
0x0: {  	(pc) =	sbr.rel $0x88, $3  }
0x1: {  	(tag) =	ssettag $0x0;
	lr =	simm.s32 $0x1  }
0x2: {  	[smem:$0x3F90] =	sst lr;
	_ =	strace $0xD0000000  }
0x3: {  	_ = 	snop  }
0x4: {  	_ = 	snop  }
0x5: {  	_ = 	snop  }
0x6: {  	_ = 	snop  }
0x7: {  	_ = 	snop  }
__scs_overlays_trampoline_lowered:
0x8: {  	[smem:$0x3F9F] =	sst s0  }
0x9: {  	[smem:$0x3FA0] =	sst s1  }
0xa: {  	[smem:$0x3FA1] =	sst s2  }
0xb: {  	[smem:$0x3FA2] =	sst s3  }
0xc: {  	[smem:$0x3FA3] =	sst s4  }
0xd: {  	[smem:$0x3FA4] =	sst s5  }
0xe: {  	[smem:$0x3FA5] =	sst s6  }
0xf: {  	[smem:$0x3FA6] =	sst s7  }
0x10: {  	[smem:$0x3FA7] =	sst s8  }
0x11: {  	[smem:$0x3FA8] =	sst s9;
	s0 =	simm.s32 @!p0 $0x0  }
0x12: {  	s1 =	sld [smem:$0x3F8E];
	s0 =	simm.s32 @p0 $0x1  }
0x13: {  	[smem:$0x3FA9] =	sst s0;
	s0 =	simm.s32 @!p1 $0x0  }
0x14: {  	s2 =	sld [smem:$0x3F8D];
	s0 =	simm.s32 @p1 $0x1  }
0x15: {  	[smem:$0x3FAA] =	sst s0;
	s0 =	simm.s32 @!p2 $0x0  }
0x16: {  	s3 =	sld [smem:$0x3FDB];
	s0 =	simm.s32 @p2 $0x1  }
0x17: {  	s4 =	simm.s32 $0x1BF5;
	[smem:$0x3FAC] =	sst s0  }
0x18: {  	s0 =	sld [smem:$0x3F8F];
	_ =	swait.ge [sflag:s4], $0x0  }
0x19: {  	s7 =	sld [smem:$0x3F90]  }
0x1a: {  	s8 =	sadd.s32 $0xFFFFE003, lr  }
0x1b: {  	s9 =	sadd.s32 $0xFFFFFEF7, lr;
	s5 =	simm.s32 $0xFFFFFFFF;
	p2 =	slt.u32 s8, $0xFFFFF086  }
0x1c: {  	p1 =	slt.u32 s9, $0xF7A;
	s5 =	simm.s32 @!p2 $0x0  }
0x1d: {  	s5 =	simm.s32 @p1 $0x1;
	p0 =	seq.s32 s7, s2  }
0x1e: {  	s7 =	smul.u32 @!p0 $0xF7A, s2;
	p2 =	seq.s32 @!p0 s5, $0x0  }
0x1f: {  	s9 =	smul.u32 $0xF7A, s1;
	s8 =	simm.s32 @!p0 $0x1BF5;
	p2 =	por !p2, p0  }
0x20: {  	[sflag:s8] =	ssyncset.s32 @!p0 $0xFFFFF086;
	s6 =	sadd.s32 @!p0 s3, s7;
	s7 =	simm.s32 @!p0 $0x108  }
0x21: {  	s3 =	sadd.s32 s3, s9;
	s6 =	sadd.s32 @!p0 $0x88, s6;
	s7 =	simm.s32 @p2 $0x1082  }
0x22: {  	[simem:s7], [sflag:s8] =	dma.local @!p0 [hbm:s6], $0xF7A  }
0x23: {  	s9 =	sor.u32 $0xD0000000, s2;
	s6 =	simm.s32 $0x108;
	_ =	swait.ge @!p0 [sflag:s8], $0x0  }
0x24: {  	s3 =	sadd.s32 $0x88, s3;
	s6 =	simm.s32 @!p1 $0x1082;
	[sflag:s4] =	ssyncset.s32 $0xFFFFF086  }
0x25: {  	[simem:s6], [sflag:s4] =	dma.local [hbm:s3], $0xF7A  }
0x26: {  	[smem:$0x3F90] =	sst s1;
	(tag) =	ssettag s2;
	_ =	strace s9  }
0x27: {  	s1 =	sld [smem:$0x3FA0]  }
0x28: {  	s2 =	sld [smem:$0x3FA1]  }
0x29: {  	s4 =	sld [smem:$0x3FA3]  }
0x2a: {  	p0 =	seq.s32 s5, $0x0;
	s5 =	sld [smem:$0x3FA4]  }
0x2b: {  	s6 =	sld [smem:$0x3FA5]  }
0x2c: {  	s7 =	sld [smem:$0x3FA6]  }
0x2d: {  	s3 =	simm.s32 $0x108;
	s8 =	sld [smem:$0x3FA7]  }
0x2e: {  	s3 =	simm.s32 @!p0 $0x1082;
	s9 =	sld [smem:$0x3FA8]  }
0x2f: {  	lr =	sadd.s32 s0, s3;
	s0 =	sld [smem:$0x3F9F]  }
0x30: {  	s3 =	sld [smem:$0x3FA2]  }
0x31: {  	[smem:$0x3FAB] =	sst s10  }
0x32: {  	s10 =	sld [smem:$0x3FA9];
	_ =	sdelay $0x3  }
0x33: {  	p0 =	seq.s32 s10, $0x1;
	s10 =	sld [smem:$0x3FAB];
	_ =	sdelay $0x3  }
0x34: {  	[smem:$0x3FAB] =	sst s10  }
0x35: {  	s10 =	sld [smem:$0x3FAA];
	_ =	sdelay $0x3  }
0x36: {  	p1 =	seq.s32 s10, $0x1;
	s10 =	sld [smem:$0x3FAB];
	_ =	sdelay $0x3  }
0x37: {  	[smem:$0x3FAB] =	sst s10  }
0x38: {  	s10 =	sld [smem:$0x3FAC]  }
0x39: {  	_ = 	snop;
	(pc) =	sbr.ind lr, $3  }
0x3a: {  	_ = 	snop  }
0x3b: {  	_ = 	snop  }
0x3c: {  	p2 =	seq.s32 s10, $0x1;
	s10 =	sld [smem:$0x3FAB]  }
0x3d: {  	_ =	shalt  }
0x3e: {  	_ =	shalt  }
0x3f: {  	_ =	shalt  }
0x40: {  	_ =	shalt  }
0x41: {  	_ =	shalt  }
0x42: {  	_ =	shalt  }
0x43: {  	_ =	shalt  }
0x44: {  	_ =	shalt  }
0x45: {  	_ =	shalt  }
0x46: {  	_ =	shalt  }
0x47: {  	_ =	shalt  }
0x48: {  	_ =	shalt  }
0x49: {  	_ =	shalt  }
0x4a: {  	_ =	shalt  }
0x4b: {  	_ =	shalt  }
0x4c: {  	_ =	shalt  }
0x4d: {  	_ =	shalt  }
0x4e: {  	_ =	shalt  }
0x4f: {  	_ =	shalt  }
0x50: {  	_ =	shalt  }
0x51: {  	_ =	shalt  }
0x52: {  	_ =	shalt  }
0x53: {  	_ =	shalt  }
0x54: {  	_ =	shalt  }
0x55: {  	_ =	shalt  }
0x56: {  	_ =	shalt  }
0x57: {  	_ =	shalt  }
0x58: {  	_ =	shalt  }
0x59: {  	_ =	shalt  }
0x5a: {  	_ =	shalt  }
0x5b: {  	_ =	shalt  }
0x5c: {  	_ =	shalt  }
0x5d: {  	_ =	shalt  }
0x5e: {  	_ =	shalt  }
0x5f: {  	_ =	shalt  }
0x60: {  	_ =	shalt  }
0x61: {  	_ =	shalt  }
0x62: {  	_ =	shalt  }
0x63: {  	_ =	shalt  }
0x64: {  	_ =	shalt  }
0x65: {  	_ =	shalt  }
0x66: {  	_ =	shalt  }
0x67: {  	_ =	shalt  }
0x68: {  	_ =	shalt  }
0x69: {  	_ =	shalt  }
0x6a: {  	_ =	shalt  }
0x6b: {  	_ =	shalt  }
0x6c: {  	_ =	shalt  }
0x6d: {  	_ =	shalt  }
0x6e: {  	_ =	shalt  }
0x6f: {  	_ =	shalt  }
0x70: {  	_ =	shalt  }
0x71: {  	_ =	shalt  }
0x72: {  	_ =	shalt  }
0x73: {  	_ =	shalt  }
0x74: {  	_ =	shalt  }
0x75: {  	_ =	shalt  }
0x76: {  	_ =	shalt  }
0x77: {  	_ =	shalt  }
0x78: {  	_ =	shalt  }
0x79: {  	_ =	shalt  }
0x7a: {  	_ =	shalt  }
0x7b: {  	_ =	shalt  }
0x7c: {  	_ =	shalt  }
0x7d: {  	_ =	shalt  }
0x7e: {  	_ =	shalt  }
0x7f: {  	_ =	shalt  }
0x80: {  	_ =	shalt  }
0x81: {  	_ =	shalt  }
0x82: {  	_ =	shalt  }
0x83: {  	_ =	shalt  }
0x84: {  	_ =	shalt  }
0x85: {  	_ =	shalt  }
0x86: {  	_ =	shalt  }
0x87: {  	_ =	shalt  }
.Lfunc_end0:
.L_simem_size_0:
called_computation_lowered:
.L_overlay_start_0:
0x88: {  	s2 =	sld [smem:$0x3FD9]  }
0x89: {  	s3 =	sld [smem:$0x3FFE];
	_ =	sdelay $0x1  }
0x8a: {  	s1 =	srdreg.scid  }
0x8b: {  	s0 =	sand.u32 $0x1, s1  }
0x8c: {  	s17 =	sshll.u32 s0, $0xA;
	s2 =	sadd.s32 s3, s2  }
0x8d: {  	s2 =	sadd.s32 s2, s17  }
0x8e: {  	[smem:$0x3FB7] =	sst s2  }
0x8f: {  	_ = 	snop  }
0x90: {  	s2 =	sld [smem:$0x3FD0];
	(tm) =	ssettm $0x1  }
0x91: {  	s18 =	sld [smem:$0x3FFB];
	_ =	sdelay $0x3  }
0x92: {  	_ =	strace s18  }
0x93: {  	s3 =	sld [smem:$0x3FFC];
	_ =	sdelay $0x3  }
0x94: {  	_ =	strace s3  }
0x95: {  	s3 =	sld [smem:$0x3FFD];
	_ =	sdelay $0x3  }
0x96: {  	_ =	strace s3  }
0x97: {  	_ =	strace $0x8FFFFFFF  }
0x98: {  	s19 =	sld [smem:$0x3FDB];
	_ =	sdelay $0x1  }
0x99: {  	s4 =	simm.s32 $_scs_section_size  }
0x9a: {  	s5 =	simm.s32 $_size__tile_overlayer_lowered;
	s6 =	simm.s32 $_tile_overlayer_lowered  }
0x9b: {  	s22 =	simm.s32 $0x1BFF;
	s21 =	sshll.u32 s6, $0x1;
	s3 =	sadd.s32 s4, s19  }
0x9c: {  	s7 =	simm.s32 $0x0;
	s20 =	sshll.u32 s5, $0x1;
	s5 =	sadd.s32 s21, s3  }
0x9d: {  	[timem:s7], [sflag:s22] =	dma.local [hbm:s5], s20  }
0x9e: {  	_ =	swait.ge [sflag:s22], s20  }
0x9f: {  	s4 =	ssub.s32 $0x0, s20;
	[sflag:s22] =	ssyncset.done $0x0  }
0xa0: {  	[sflag:s22] =	ssyncadd.s32 s4;
	_ =	sdelay $0x1  }
0xa1: {  	s23 =	simm.s32 $0x1B8B  }
0xa2: {  	_ =	swait.ge [sflag:s23], $0x1  }
0xa3: {  	[sflag:s23] =	ssyncset.done $0x0  }
0xa4: {  	s25 =	simm.s32 $0x1B8E;
	s24 =	sld [smem:$0x3FFE];
	[sflag:s23] =	ssyncadd.s32 $0xFFFFFFFF  }
0xa5: {  	s26 =	simm.s32 $execute0_lowered;
	[smem:$0x3FD2] =	sst s25  }
0xa6: {  	s5 =	sshll.u32 s26, $0x1;
	_ =	strace $0x80000046;
	[dreg:$0x1] =	wrdreg $0xFFFFFFFF  }
0xa7: {  	s28 =	simm.s32 $_size_execute0_lowered;
	s3 =	sadd.s32 s3, s5;
	[dreg:$0x0] =	wrdreg $0x0  }
0xa8: {  	s5 =	sshll.u32 s28, $0x1;
	[dreg:$0x2] =	wrdreg s3  }
0xa9: {  	[dreg:$0x3] =	wrdreg s5  }
0xaa: {  	[dreg:$0x4] =	wrdreg $0xC0  }
0xab: {  	_ =	task [dreg:s7], $0x5FFFF  }
0xac: {  	[dreg:$0x1] =	wrdreg $0xFFFFFFFF  }
0xad: {  	[dreg:$0x0] =	wrdreg $0x60  }
0xae: {  	[dreg:$0x2] =	wrdreg s24  }
0xaf: {  	[dreg:$0x3] =	wrdreg s2  }
0xb0: {  	[dreg:$0x4] =	wrdreg $0x42000  }
0xb1: {  	[dreg:$0x5] =	wrdreg $0x9  }
0xb2: {  	_ =	task.clear_ibuf [dreg:s7], $0x6FFFF;
	_ =	strace $0x90000046  }
0xb3: {  	s29 =	simm.s32 $0x9;
	_ =	strace $0x80000048  }
0xb4: {  	_ =	swait.ge [sflag:s29], $0x1  }
0xb5: {  	[sflag:s29] =	ssyncadd.s32 $0xFFFFFFFF  }
0xb6: {  	_ =	strace $0x90000048  }
0xb7: {  	_ =	sfence  }
0xb8: {  	s30 =	sld [smem:$0x0];
	_ =	sdelay $0x2  }
0xb9: {  	s31 =	sshll.u32 s1, $0xD;
	s1 =	sshrl.u32 s1, $0x2  }
0xba: {  	s3 =	sand.u32 $0x4000, s31;
	s1 =	sadd.s32 s1, s30  }
0xbb: {  	s0 =	sor.u32 s3, s0;
	s1 =	sshll.u32 s1, $0x11  }
0xbc: {  	s0 =	sor.u32 s1, s0  }
0xbd: {  	s0 =	sadd.s32 $0x8F2B, s0  }
0xbe: {  	[sflag:s0] =	ssyncadd.remote.s32 $0x1  }
0xbf: {  	_ =	sfence.sel $0xFFFF  }
0xc0: {  	[dreg:$0x0] =	wrdreg $0xFFFFFFFF;
	(pc) =	sbr.abs _section_cstart, $3  }
0xc1: {  	[dreg:$0x1] =	wrdreg $0xFFFFFFFF  }
0xc2: {  	_ =	task.clear_ibuf [dreg:s7], $0x2FFFF;
	_ =	strace $0x9FFFFFFF  }
0xc3: {  	(tm) =	ssettm $0x7FFFFFFF  }
tec
execute0_lowered:
.L_overlay_start_1:
0x0: {  	(tag) =	ssettag $0x1  }
0x1: {  	s0 =	rddreg [dreg:$0x0]  }
0x2: {  	s3 =	rddreg [dreg:$0x2]  }
0x3: {  	s21 =	stileid.u32;
	s4 =	simm.s32 $0x0;
	s5 =	srdreg.scid  }
0x4: {  	s28 =	simm.s32 $0x4;
	s29 =	simm.s32 $0x3;
	s30 =	simm.s32 $0x5  }
0x5: {  	s31 =	simm.s32 $0x6;
	s1 =	smul.u32 $0x13800, s21;
	[smem:$0x7FF] =	sst s4  }
0x6: {  	s19 =	sadd.s32 $0x3C00, s0;
	s10 =	sand.u32 $0x1, s5;
	s6 =	smul.u32 $0x4E000, s21  }
0x7: {  	s7 =	sshll.u32 s21, $0x1;
	s11 =	sadd.s32 $0x35200, s0;
	s16 =	sshll.u32 s21, $0x6  }
0x8: {  	s23 =	smul.u32 $0x5100, s21;
	p0 =	sne.s32 s21, $0xF;
	s21 =	simm.s32 $0x7  }
0x9: {  	_ =	strace $0x80000047;
	s5 =	ssub.s32 $0x2, s10;
	s7 =	sor.u32 s10, s7  }
0xa: {  	s12 =	smul.u32 $0x138800, s10;
	s2 =	sshrl.u32 s1, $0x3;
	s8 =	sshrl.u32 s5, $0x1  }
0xb: {  	s15 =	sshrl.u32 s6, $0x2;
	s7 =	smul.u32 $0x2880, s7;
	s6 =	sor.u32 $0x1C07, s16  }
0xc: {  	s2 =	sadd.s32 s2, s0;
	s13 =	ssub.s32 s5, s8;
	s20 =	sadd.s32 s15, s3  }
0xd: {  	s8 =	sadd.s32 $0x35000, s0;
	s18 =	sadd.s32 s1, s12;
	s22 =	sshrl.u32 s12, $0x3  }
0xe: {  	s15 =	smul.u32 $0x2880, s10;
	s2 =	sadd.s32 $0xE000, s2;
	s17 =	sshrl.u32 s7, $0x3  }
0xf: {  	s7 =	sadd.s32 $0x138000, s3;
	s0 =	sshrl.u32 s18, $0x3;
	s1 =	sadd.s32 s11, s22  }
0x10: {  	s13 =	smax.u32 s13, $0x1;
	s20 =	sshrl.u32 s20, $0x3;
	s22 =	simm.s32 $0x200  }
0x11: {  	[dreg:$0x4] =	wrdreg s2;
	s9 =	sadd.s32 s19, s17;
	s11 =	sadd.s32 s11, s0  }
0x12: {  	s12 =	sadd.s32 $0x27000, s1;
	s24 =	sadd.s32 s15, s23;
	s23 =	simm.s32 $0x80  }
0x13: {  	s10 =	sadd.s32 $0x10, s9;
	s14 =	sadd.s32 $0x20, s9;
	s15 =	sadd.s32 $0x30, s9  }
.Ltmp0:
0x14: {  	s16 =	sadd.s32 $0x40, s9;
	s25 =	sadd.s32 $0x380, s24;
	(pc) =	sbr.rel .LBB2_1-.Ltmp0, $4  }
0x15: {  	s2 =	sadd.s32 $0x300, s24;
	s0 =	sadd.s32 $0x280, s24;
	s24 =	simm.s32 $0x1  }
0x16: {  	s1 =	sshrl.u32 s25, $0x3;
	s26 =	sshrl.u32 s2, $0x3;
	s0 =	sshrl.u32 s0, $0x3  }
0x17: {  	s25 =	simm.s32 $0x100;
	s17 =	sadd.s32 s1, s19;
	s18 =	sadd.s32 s26, s19  }
0x18: {  	s19 =	sadd.s32 s0, s19;
	s26 =	simm.s32 $0x2;
	s0 =	simm.s32 $0x0  }
.LBB2_4:
0x19: {  	_ =	swait.ge [sflag:s29], $0x80  }
0x1a: {  	[sflag:s29] =	ssyncset.done $0x0  }
0x1b: {  	[sflag:s29] =	ssyncadd.s32 $0xFFFFFF80  }
0x1c: {  	[spmem:s3] =	stream.indirect.scatter.add.f32 [tilespmem:s22], [sflag:$0x6], $0x80, s25, s23, $0xb8;
	[tilespmem:$0x17B00] =	vst v63  }
0x1d: {  	_ =	swait.ge [sflag:s30], $0x4000  }
0x1e: {  	[sflag:s30] =	ssyncset.done $0x0  }
0x1f: {  	[sflag:s30] =	ssyncadd.s32 $0xFFFFC000  }
0x20: {  	_ =	swait.ge [sflag:s31], $0x4000  }
0x21: {  	[sflag:s31] =	ssyncset.done $0x0  }
0x22: {  	[sflag:s31] =	ssyncadd.s32 $0xFFFFC000  }
0x23: {  	[bflag:$0x0] =	sbarrier.arrive $0xFFFF  }
0x24: {  	[hbm:s11], [sflag:s6] =	dma.local [spmem:s20], $0x2700  }
0x25: {  	_ =	swait.ge [sflag:s21], $0x2700  }
0x26: {  	s0 =	sadd.s32 $0x1, s0;
	[sflag:s21] =	ssyncset.done $0x0  }
0x27: {  	p1 =	sne.s32 s0, s13;
	[sflag:s21] =	ssyncadd.s32 $0xFFFFD900  }
0x28: {  	[hbm:s12], [sflag:s6] =	dma.local @!p0 [spmem:s1], $0x100  }
.Ltmp1:
0x29: {  	_ = 	snop;
	(pc) =	sbr.rel @!p1 .LBB2_5-.Ltmp1, $4  }
0x2a: {  	s1 =	simm.s32 @!p0 $0x7  }
0x2b: {  	_ =	swait.ge @!p0 [sflag:s1], $0x100  }
0x2c: {  	[sflag:s1] =	ssyncset.done @!p0 $0x0  }
0x2d: {  	[sflag:s1] =	ssyncadd.s32 @!p0 $0xFFFFFF00  }
.LBB2_1:
0x2e: {  	s1 =	rddreg [dreg:$0x4]  }
0x2f: {  	[spmem:s20], [sflag:s6] =	dma.local [hbm:s1], $0x2700  }
0x30: {  	_ =	swait.ge [sflag:s21], $0x2700  }
0x31: {  	[sflag:s21] =	ssyncset.done $0x0  }
0x32: {  	s2 =	simm.s32 @!p0 $0x7;
	s1 =	sshrl.u32 @!p0 s7, $0x3;
	[sflag:s21] =	ssyncadd.s32 $0xFFFFD900  }
0x33: {  	[spmem:s1], [sflag:s6] =	dma.local @!p0 [hbm:s8], $0x200  }
0x34: {  	_ =	swait.ge @!p0 [sflag:s2], $0x200  }
0x35: {  	[sflag:s2] =	ssyncset.done @!p0 $0x0  }
0x36: {  	[sflag:s2] =	ssyncadd.s32 @!p0 $0xFFFFFE00  }
0x37: {  	s2 =	rddreg [dreg:$0x1]  }
0x38: {  	[tilespmem:s22], [sflag:$0x7] =	stream.linear.gather [hbm4b:s2+s4], $0x4000, $0x38;
	[tilespmem:$0x17B00] =	vst v63  }
0x39: {  	_ =	swait.ge [sflag:s21], $0x4000  }
0x3a: {  	[sflag:s21] =	ssyncset.done $0x0  }
0x3b: {  	[sflag:s21] =	ssyncadd.s32 $0xFFFFC000  }
0x3c: {  	[tilespmem:s4], [sflag:$0x1] =	stream.linear.gather [hbm4b:s9+s4], $0x80, $0x38;
	[tilespmem:$0x17B00] =	vst v63  }
0x3d: {  	_ = 	snop  }
0x3e: {  	[tilespmem:s23], [sflag:$0x2] =	stream.linear.gather [hbm4b:s10+s4], $0x80, $0x38;
	[tilespmem:$0x17B00] =	vst v63  }
0x3f: {  	[bflag:$0x0] =	sbarrier.arrive $0xFFFF  }
0x40: {  	_ =	swait.ge [sflag:s24], $0x80  }
0x41: {  	[sflag:s24] =	ssyncset.done $0x0  }
0x42: {  	[sflag:s24] =	ssyncadd.s32 $0xFFFFFF80  }
0x43: {  	[spmem:s3] =	stream.indirect.scatter.add.f32 [tilespmem:s22], [sflag:$0x4], $0x80, s4, s23, $0xb8;
	[tilespmem:$0x17B00] =	vst v63  }
0x44: {  	_ = 	snop  }
0x45: {  	[tilespmem:s25], [sflag:$0x3] =	stream.linear.gather [hbm4b:s14+s4], $0x80, $0x38;
	[tilespmem:$0x17B00] =	vst v63  }
0x46: {  	_ =	swait.ge [sflag:s26], $0x80  }
0x47: {  	[sflag:s26] =	ssyncset.done $0x0  }
0x48: {  	[sflag:s26] =	ssyncadd.s32 $0xFFFFFF80  }
0x49: {  	[spmem:s3] =	stream.indirect.scatter.add.f32 [tilespmem:s22], [sflag:$0x5], $0x80, s23, s23, $0xb8;
	[tilespmem:$0x17B00] =	vst v63  }
0x4a: {  	_ =	swait.ge [sflag:s28], $0x4000  }
0x4b: {  	[sflag:s28] =	ssyncset.done $0x0  }
0x4c: {  	[sflag:s28] =	ssyncadd.s32 $0xFFFFC000  }
0x4d: {  	[tilespmem:s4], [sflag:$0x1] =	stream.linear.gather [hbm4b:s15+s4], $0x80, $0x38;
	[tilespmem:$0x17B00] =	vst v63  }
0x4e: {  	_ =	swait.ge [sflag:s29], $0x80  }
0x4f: {  	[sflag:s29] =	ssyncset.done $0x0  }
0x50: {  	[sflag:s29] =	ssyncadd.s32 $0xFFFFFF80  }
0x51: {  	[spmem:s3] =	stream.indirect.scatter.add.f32 [tilespmem:s22], [sflag:$0x6], $0x80, s25, s23, $0xb8;
	[tilespmem:$0x17B00] =	vst v63  }
0x52: {  	_ =	swait.ge [sflag:s30], $0x4000  }
0x53: {  	[sflag:s30] =	ssyncset.done $0x0  }
0x54: {  	s2 =	simm.s32 $0x0;
	[sflag:s30] =	ssyncadd.s32 $0xFFFFC000  }
0x55: {  	[tilespmem:s23], [sflag:$0x2] =	stream.linear.gather [hbm4b:s16+s4], $0x80, $0x38;
	[tilespmem:$0x17B00] =	vst v63  }
.LBB2_2:
0x56: {  	_ =	swait.ge [sflag:s24], $0x80  }
0x57: {  	[sflag:s24] =	ssyncset.done $0x0  }
0x58: {  	[sflag:s24] =	ssyncadd.s32 $0xFFFFFF80  }
0x59: {  	[spmem:s3] =	stream.indirect.scatter.add.f32 [tilespmem:s22], [sflag:$0x4], $0x80, s4, s23, $0xb8;
	[tilespmem:$0x17B00] =	vst v63  }
0x5a: {  	_ =	swait.ge [sflag:s31], $0x4000  }
0x5b: {  	[sflag:s31] =	ssyncset.done $0x0  }
0x5c: {  	s5 =	sadd.s32 s2, s19;
	[sflag:s31] =	ssyncadd.s32 $0xFFFFC000  }
0x5d: {  	[tilespmem:s25], [sflag:$0x3] =	stream.linear.gather [hbm4b:s5+s4], $0x80, $0x38;
	[tilespmem:$0x17B00] =	vst v63  }
0x5e: {  	_ =	swait.ge [sflag:s26], $0x80  }
0x5f: {  	p1 =	seq.s32 s2, $0x4B0;
	[sflag:s26] =	ssyncset.done $0x0  }
.Ltmp2:
0x60: {  	[sflag:s26] =	ssyncadd.s32 $0xFFFFFF80;
	(pc) =	sbr.rel @p1 .LBB2_4-.Ltmp2, $4  }
0x61: {  	[spmem:s3] =	stream.indirect.scatter.add.f32 [tilespmem:s22], [sflag:$0x5], $0x80, s23, s23, $0xb8;
	[tilespmem:$0x17B00] =	vst v63  }
0x62: {  	_ =	swait.ge [sflag:s28], $0x4000  }
0x63: {  	[sflag:s28] =	ssyncset.done $0x0  }
0x64: {  	[sflag:s28] =	ssyncadd.s32 $0xFFFFC000  }
0x65: {  	s5 =	sadd.s32 s2, s18  }
0x66: {  	[tilespmem:s4], [sflag:$0x1] =	stream.linear.gather [hbm4b:s5+s4], $0x80, $0x38;
	[tilespmem:$0x17B00] =	vst v63  }
0x67: {  	_ =	swait.ge [sflag:s29], $0x80  }
0x68: {  	[sflag:s29] =	ssyncset.done $0x0  }
0x69: {  	[sflag:s29] =	ssyncadd.s32 $0xFFFFFF80  }
0x6a: {  	[spmem:s3] =	stream.indirect.scatter.add.f32 [tilespmem:s22], [sflag:$0x6], $0x80, s25, s23, $0xb8;
	[tilespmem:$0x17B00] =	vst v63  }
.Ltmp3:
0x6b: {  	_ = 	snop;
	(pc) =	sbr.rel .LBB2_2-.Ltmp3, $4  }
0x6c: {  	_ =	swait.ge [sflag:s30], $0x4000  }
0x6d: {  	[sflag:s30] =	ssyncset.done $0x0  }
0x6e: {  	s5 =	sadd.s32 s2, s17;
	s2 =	sadd.s32 $0x30, s2;
	[sflag:s30] =	ssyncadd.s32 $0xFFFFC000  }
0x6f: {  	[tilespmem:s23], [sflag:$0x2] =	stream.linear.gather [hbm4b:s5+s4], $0x80, $0x38;
	[tilespmem:$0x17B00] =	vst v63  }
.LBB2_5:
0x70: {  	_ =	sfence.sel $0x180000  }
0x71: {  	[bflag:$0x0] =	sbarrier.arrive $0xFFFF  }
0x72: {  	_ =	strace $0x90000047  }
0x73: {  	s0 =	stileid.u32;
	[bflag:$0x2] =	sbarrier.arrive $0xFFFF  }
0x74: {  	p0 =	sne.s32 s0, $0x0;
	s0 =	rddreg [dreg:$0x3]  }
0x75: {  	s0 =	sadd.s32 @!p0 $0x100000, s0  }
0x76: {  	[sflag:s0] =	ssyncadd.tile.s32 @!p0 $0x1;
	_ =	shalt  }
.Lfunc_end2:
_tile_overlayer_lowered:
.L_overlay_start_2:
0x77: {  	(tag) =	ssettag $0x2  }
0x78: {  	s0 =	rddreg [dreg:$0x0];
	s2 =	stileid.u32  }
0x79: {  	s1 =	rddreg [dreg:$0x1];
	p0 =	sne.s32 s2, $0x0  }
0x7a: {  	s3 =	rddreg [dreg:$0x2];
	[bflag:$0x3] =	sbarrier.arrive $0xFFFF;
	s2 =	simm.s32 @!p0 $0x1C07  }
0x7b: {  	[timem:s3], [sflag:s2] =	dma.local @!p0 [hbm:s0], s1  }
0x7c: {  	s0 =	simm.s32 @!p0 $0x7  }
0x7d: {  	_ =	swait.ge @!p0 [sflag:s0], s1  }
0x7e: {  	s1 =	ssub.s32 @!p0 $0x0, s1;
	[sflag:s0] =	ssyncset.done @!p0 $0x0  }
0x7f: {  	[sflag:s0] =	ssyncadd.s32 @!p0 s1  }
0x80: {  	[bflag:$0x3] =	sbarrier.arrive $0xFFFF  }
0x81: {  	_ =	shalt  }

// kernel: kernel.13.cloned.1.call-start
scs
__scs_entry_jumppad:
0x0: {  	(pc) =	sbr.rel $0x88, $3  }
0x1: {  	(tag) =	ssettag $0x0;
	lr =	simm.s32 $0x1  }
0x2: {  	[smem:$0x3F90] =	sst lr;
	_ =	strace $0xD0000000  }
0x3: {  	_ = 	snop  }
0x4: {  	_ = 	snop  }
0x5: {  	_ = 	snop  }
0x6: {  	_ = 	snop  }
0x7: {  	_ = 	snop  }
__scs_overlays_trampoline_lowered:
0x8: {  	[smem:$0x3F9F] =	sst s0  }
0x9: {  	[smem:$0x3FA0] =	sst s1  }
0xa: {  	[smem:$0x3FA1] =	sst s2  }
0xb: {  	[smem:$0x3FA2] =	sst s3  }
0xc: {  	[smem:$0x3FA3] =	sst s4  }
0xd: {  	[smem:$0x3FA4] =	sst s5  }
0xe: {  	[smem:$0x3FA5] =	sst s6  }
0xf: {  	[smem:$0x3FA6] =	sst s7  }
0x10: {  	[smem:$0x3FA7] =	sst s8  }
0x11: {  	[smem:$0x3FA8] =	sst s9;
	s0 =	simm.s32 @!p0 $0x0  }
0x12: {  	s1 =	sld [smem:$0x3F8E];
	s0 =	simm.s32 @p0 $0x1  }
0x13: {  	[smem:$0x3FA9] =	sst s0;
	s0 =	simm.s32 @!p1 $0x0  }
0x14: {  	s2 =	sld [smem:$0x3F8D];
	s0 =	simm.s32 @p1 $0x1  }
0x15: {  	[smem:$0x3FAA] =	sst s0;
	s0 =	simm.s32 @!p2 $0x0  }
0x16: {  	s3 =	sld [smem:$0x3FDB];
	s0 =	simm.s32 @p2 $0x1  }
0x17: {  	s4 =	simm.s32 $0x1BF5;
	[smem:$0x3FAC] =	sst s0  }
0x18: {  	s0 =	sld [smem:$0x3F8F];
	_ =	swait.ge [sflag:s4], $0x0  }
0x19: {  	s7 =	sld [smem:$0x3F90]  }
0x1a: {  	s8 =	sadd.s32 $0xFFFFE003, lr  }
0x1b: {  	s9 =	sadd.s32 $0xFFFFFEF7, lr;
	s5 =	simm.s32 $0xFFFFFFFF;
	p2 =	slt.u32 s8, $0xFFFFF086  }
0x1c: {  	p1 =	slt.u32 s9, $0xF7A;
	s5 =	simm.s32 @!p2 $0x0  }
0x1d: {  	s5 =	simm.s32 @p1 $0x1;
	p0 =	seq.s32 s7, s2  }
0x1e: {  	s7 =	smul.u32 @!p0 $0xF7A, s2;
	p2 =	seq.s32 @!p0 s5, $0x0  }
0x1f: {  	s9 =	smul.u32 $0xF7A, s1;
	s8 =	simm.s32 @!p0 $0x1BF5;
	p2 =	por !p2, p0  }
0x20: {  	[sflag:s8] =	ssyncset.s32 @!p0 $0xFFFFF086;
	s6 =	sadd.s32 @!p0 s3, s7;
	s7 =	simm.s32 @!p0 $0x108  }
0x21: {  	s3 =	sadd.s32 s3, s9;
	s6 =	sadd.s32 @!p0 $0x88, s6;
	s7 =	simm.s32 @p2 $0x1082  }
0x22: {  	[simem:s7], [sflag:s8] =	dma.local @!p0 [hbm:s6], $0xF7A  }
0x23: {  	s9 =	sor.u32 $0xD0000000, s2;
	s6 =	simm.s32 $0x108;
	_ =	swait.ge @!p0 [sflag:s8], $0x0  }
0x24: {  	s3 =	sadd.s32 $0x88, s3;
	s6 =	simm.s32 @!p1 $0x1082;
	[sflag:s4] =	ssyncset.s32 $0xFFFFF086  }
0x25: {  	[simem:s6], [sflag:s4] =	dma.local [hbm:s3], $0xF7A  }
0x26: {  	[smem:$0x3F90] =	sst s1;
	(tag) =	ssettag s2;
	_ =	strace s9  }
0x27: {  	s1 =	sld [smem:$0x3FA0]  }
0x28: {  	s2 =	sld [smem:$0x3FA1]  }
0x29: {  	s4 =	sld [smem:$0x3FA3]  }
0x2a: {  	p0 =	seq.s32 s5, $0x0;
	s5 =	sld [smem:$0x3FA4]  }
0x2b: {  	s6 =	sld [smem:$0x3FA5]  }
0x2c: {  	s7 =	sld [smem:$0x3FA6]  }
0x2d: {  	s3 =	simm.s32 $0x108;
	s8 =	sld [smem:$0x3FA7]  }
0x2e: {  	s3 =	simm.s32 @!p0 $0x1082;
	s9 =	sld [smem:$0x3FA8]  }
0x2f: {  	lr =	sadd.s32 s0, s3;
	s0 =	sld [smem:$0x3F9F]  }
0x30: {  	s3 =	sld [smem:$0x3FA2]  }
0x31: {  	[smem:$0x3FAB] =	sst s10  }
0x32: {  	s10 =	sld [smem:$0x3FA9];
	_ =	sdelay $0x3  }
0x33: {  	p0 =	seq.s32 s10, $0x1;
	s10 =	sld [smem:$0x3FAB];
	_ =	sdelay $0x3  }
0x34: {  	[smem:$0x3FAB] =	sst s10  }
0x35: {  	s10 =	sld [smem:$0x3FAA];
	_ =	sdelay $0x3  }
0x36: {  	p1 =	seq.s32 s10, $0x1;
	s10 =	sld [smem:$0x3FAB];
	_ =	sdelay $0x3  }
0x37: {  	[smem:$0x3FAB] =	sst s10  }
0x38: {  	s10 =	sld [smem:$0x3FAC]  }
0x39: {  	_ = 	snop;
	(pc) =	sbr.ind lr, $3  }
0x3a: {  	_ = 	snop  }
0x3b: {  	_ = 	snop  }
0x3c: {  	p2 =	seq.s32 s10, $0x1;
	s10 =	sld [smem:$0x3FAB]  }
0x3d: {  	_ =	shalt  }
0x3e: {  	_ =	shalt  }
0x3f: {  	_ =	shalt  }
0x40: {  	_ =	shalt  }
0x41: {  	_ =	shalt  }
0x42: {  	_ =	shalt  }
0x43: {  	_ =	shalt  }
0x44: {  	_ =	shalt  }
0x45: {  	_ =	shalt  }
0x46: {  	_ =	shalt  }
0x47: {  	_ =	shalt  }
0x48: {  	_ =	shalt  }
0x49: {  	_ =	shalt  }
0x4a: {  	_ =	shalt  }
0x4b: {  	_ =	shalt  }
0x4c: {  	_ =	shalt  }
0x4d: {  	_ =	shalt  }
0x4e: {  	_ =	shalt  }
0x4f: {  	_ =	shalt  }
0x50: {  	_ =	shalt  }
0x51: {  	_ =	shalt  }
0x52: {  	_ =	shalt  }
0x53: {  	_ =	shalt  }
0x54: {  	_ =	shalt  }
0x55: {  	_ =	shalt  }
0x56: {  	_ =	shalt  }
0x57: {  	_ =	shalt  }
0x58: {  	_ =	shalt  }
0x59: {  	_ =	shalt  }
0x5a: {  	_ =	shalt  }
0x5b: {  	_ =	shalt  }
0x5c: {  	_ =	shalt  }
0x5d: {  	_ =	shalt  }
0x5e: {  	_ =	shalt  }
0x5f: {  	_ =	shalt  }
0x60: {  	_ =	shalt  }
0x61: {  	_ =	shalt  }
0x62: {  	_ =	shalt  }
0x63: {  	_ =	shalt  }
0x64: {  	_ =	shalt  }
0x65: {  	_ =	shalt  }
0x66: {  	_ =	shalt  }
0x67: {  	_ =	shalt  }
0x68: {  	_ =	shalt  }
0x69: {  	_ =	shalt  }
0x6a: {  	_ =	shalt  }
0x6b: {  	_ =	shalt  }
0x6c: {  	_ =	shalt  }
0x6d: {  	_ =	shalt  }
0x6e: {  	_ =	shalt  }
0x6f: {  	_ =	shalt  }
0x70: {  	_ =	shalt  }
0x71: {  	_ =	shalt  }
0x72: {  	_ =	shalt  }
0x73: {  	_ =	shalt  }
0x74: {  	_ =	shalt  }
0x75: {  	_ =	shalt  }
0x76: {  	_ =	shalt  }
0x77: {  	_ =	shalt  }
0x78: {  	_ =	shalt  }
0x79: {  	_ =	shalt  }
0x7a: {  	_ =	shalt  }
0x7b: {  	_ =	shalt  }
0x7c: {  	_ =	shalt  }
0x7d: {  	_ =	shalt  }
0x7e: {  	_ =	shalt  }
0x7f: {  	_ =	shalt  }
0x80: {  	_ =	shalt  }
0x81: {  	_ =	shalt  }
0x82: {  	_ =	shalt  }
0x83: {  	_ =	shalt  }
0x84: {  	_ =	shalt  }
0x85: {  	_ =	shalt  }
0x86: {  	_ =	shalt  }
0x87: {  	_ =	shalt  }
.Lfunc_end0:
.L_simem_size_0:
called_computation.1_lowered:
.L_overlay_start_0:
0x88: {  	s2 =	sld [smem:$0x3FD9]  }
0x89: {  	s3 =	sld [smem:$0x3FFE];
	_ =	sdelay $0x1  }
0x8a: {  	s1 =	srdreg.scid  }
0x8b: {  	s0 =	sand.u32 $0x1, s1  }
0x8c: {  	s16 =	sshll.u32 s0, $0xA;
	s2 =	sadd.s32 s3, s2  }
0x8d: {  	s2 =	sadd.s32 s2, s16  }
0x8e: {  	[smem:$0x3FB7] =	sst s2  }
0x8f: {  	_ = 	snop  }
0x90: {  	(tm) =	ssettm $0x1  }
0x91: {  	s17 =	sld [smem:$0x3FFB];
	_ =	sdelay $0x3  }
0x92: {  	_ =	strace s17  }
0x93: {  	s2 =	sld [smem:$0x3FFC];
	_ =	sdelay $0x3  }
0x94: {  	_ =	strace s2  }
0x95: {  	s2 =	sld [smem:$0x3FFD];
	_ =	sdelay $0x3  }
0x96: {  	_ =	strace s2  }
0x97: {  	_ =	strace $0x8FFFFFFF  }
0x98: {  	s18 =	sld [smem:$0x3FDB];
	_ =	sdelay $0x1  }
0x99: {  	s19 =	simm.s32 $_scs_section_size  }
0x9a: {  	s4 =	simm.s32 $_size__tile_overlayer_lowered;
	s5 =	simm.s32 $_tile_overlayer_lowered  }
0x9b: {  	s22 =	simm.s32 $0x1BFF;
	s21 =	sshll.u32 s5, $0x1;
	s2 =	sadd.s32 s19, s18  }
0x9c: {  	s6 =	simm.s32 $0x0;
	s20 =	sshll.u32 s4, $0x1;
	s4 =	sadd.s32 s21, s2  }
0x9d: {  	[timem:s6], [sflag:s22] =	dma.local [hbm:s4], s20  }
0x9e: {  	_ =	swait.ge [sflag:s22], s20  }
0x9f: {  	s3 =	ssub.s32 $0x0, s20;
	[sflag:s22] =	ssyncset.done $0x0  }
0xa0: {  	[sflag:s22] =	ssyncadd.s32 s3;
	_ =	sdelay $0x1  }
0xa1: {  	s23 =	simm.s32 $0x1B8B  }
0xa2: {  	_ =	swait.ge [sflag:s23], $0x1  }
0xa3: {  	[sflag:s23] =	ssyncset.done $0x0  }
0xa4: {  	s25 =	simm.s32 $0x1B8E;
	s24 =	sld [smem:$0x3FFE];
	[sflag:s23] =	ssyncadd.s32 $0xFFFFFFFF  }
0xa5: {  	s26 =	simm.s32 $execute0_lowered;
	[smem:$0x3FD2] =	sst s25  }
0xa6: {  	s4 =	sshll.u32 s26, $0x1;
	_ =	strace $0x80000049;
	[dreg:$0x1] =	wrdreg $0xFFFFFFFF  }
0xa7: {  	s28 =	simm.s32 $_size_execute0_lowered;
	s2 =	sadd.s32 s2, s4;
	[dreg:$0x0] =	wrdreg $0x0  }
0xa8: {  	s4 =	sshll.u32 s28, $0x1;
	[dreg:$0x2] =	wrdreg s2  }
0xa9: {  	[dreg:$0x3] =	wrdreg s4  }
0xaa: {  	[dreg:$0x4] =	wrdreg $0xC0  }
0xab: {  	_ =	task [dreg:s6], $0x5FFFF  }
0xac: {  	[dreg:$0x1] =	wrdreg $0xFFFFFFFF  }
0xad: {  	[dreg:$0x0] =	wrdreg $0x60  }
0xae: {  	[dreg:$0x2] =	wrdreg s24  }
0xaf: {  	[dreg:$0x3] =	wrdreg $0x82000  }
0xb0: {  	[dreg:$0x4] =	wrdreg $0x9  }
0xb1: {  	_ =	task.clear_ibuf [dreg:s6], $0x5FFFF;
	_ =	strace $0x90000049  }
0xb2: {  	s29 =	simm.s32 $0x9;
	_ =	strace $0x8000004B  }
0xb3: {  	_ =	swait.ge [sflag:s29], $0x1  }
0xb4: {  	[sflag:s29] =	ssyncadd.s32 $0xFFFFFFFF  }
0xb5: {  	_ =	strace $0x9000004B  }
0xb6: {  	_ =	sfence  }
0xb7: {  	s30 =	sld [smem:$0x0];
	_ =	sdelay $0x2  }
0xb8: {  	s31 =	sshll.u32 s1, $0xD;
	s1 =	sshrl.u32 s1, $0x2  }
0xb9: {  	s3 =	sand.u32 $0x4000, s31;
	s1 =	sadd.s32 s1, s30  }
0xba: {  	s0 =	sor.u32 s3, s0;
	s1 =	sshll.u32 s1, $0x11  }
0xbb: {  	s0 =	sor.u32 s1, s0  }
0xbc: {  	s0 =	sadd.s32 $0x8F2B, s0  }
0xbd: {  	[sflag:s0] =	ssyncadd.remote.s32 $0x1  }
0xbe: {  	_ =	sfence.sel $0xFFFF  }
0xbf: {  	[dreg:$0x0] =	wrdreg $0xFFFFFFFF;
	(pc) =	sbr.abs _section_cstart, $3  }
0xc0: {  	[dreg:$0x1] =	wrdreg $0xFFFFFFFF  }
0xc1: {  	_ =	task.clear_ibuf [dreg:s6], $0x2FFFF;
	_ =	strace $0x9FFFFFFF  }
0xc2: {  	(tm) =	ssettm $0x7FFFFFFF  }
0xc3: {  	_ =	shalt  }
tec
execute0_lowered:
.L_overlay_start_1:
0x0: {  	(tag) =	ssettag $0x1  }
0x1: {  	s0 =	rddreg [dreg:$0x0]  }
0x2: {  	s2 =	rddreg [dreg:$0x1];
	s3 =	simm.s32 $0x0;
	s14 =	stileid.u32  }
0x3: {  	s6 =	srdreg.scid;
	s28 =	simm.s32 $0x200;
	s29 =	simm.s32 $0x4  }
0x4: {  	s30 =	simm.s32 $0x4200;
	s31 =	simm.s32 $0x1;
	[smem:$0x7FF] =	sst s3  }
0x5: {  	s1 =	smul.u32 $0x13800, s14;
	s4 =	sadd.s32 $0x83400, s0;
	s5 =	sadd.s32 $0x3C00, s0  }
0x6: {  	s8 =	sand.u32 $0x1, s6;
	s6 =	sadd.s32 $0x35200, s0;
	s11 =	smul.u32 $0x4E000, s14  }
0x7: {  	s12 =	sshll.u32 s14, $0x1;
	s17 =	sadd.s32 $0x8D800, s0;
	s26 =	sshll.u32 s14, $0x6  }
0x8: {  	s15 =	sadd.s32 $0x138000, s2;
	s20 =	smul.u32 $0x5100, s14;
	p0 =	sne.s32 s14, $0xF  }
0x9: {  	_ =	strace $0x8000004A;
	s9 =	ssub.s32 $0x2, s8;
	s18 =	smul.u32 $0x138800, s8  }
0xa: {  	s25 =	sor.u32 s8, s12;
	[dreg:$0x5] =	wrdreg s15;
	s8 =	smul.u32 $0x2880, s8  }
0xb: {  	s7 =	sshrl.u32 s1, $0x3;
	s10 =	sshrl.u32 s9, $0x1;
	s11 =	sshrl.u32 s11, $0x2  }
0xc: {  	s13 =	smul.u32 $0x2880, s25;
	s7 =	sadd.s32 s7, s0;
	s10 =	ssub.s32 s9, s10  }
0xd: {  	s11 =	sadd.s32 s11, s2;
	s9 =	sor.u32 $0x1C05, s26;
	s0 =	sadd.s32 $0x35000, s0  }
0xe: {  	s1 =	sadd.s32 s1, s18;
	s23 =	sshrl.u32 s18, $0x3;
	[dreg:$0x3] =	wrdreg s11  }
0xf: {  	s7 =	sadd.s32 $0xE000, s7;
	s16 =	sshrl.u32 s13, $0x3;
	[dreg:$0x6] =	wrdreg s0  }
0x10: {  	s1 =	sshrl.u32 s1, $0x3;
	s0 =	sadd.s32 s8, s20;
	s24 =	sadd.s32 s17, s23  }
0x11: {  	s18 =	smax.u32 s10, $0x1;
	s23 =	simm.s32 $0x100;
	[dreg:$0x4] =	wrdreg s7  }
0x12: {  	s19 =	sadd.s32 s4, s16;
	s21 =	sadd.s32 s5, s16;
	s7 =	sadd.s32 $0x10, s16  }
0x13: {  	s16 =	sadd.s32 s17, s1;
	s25 =	sadd.s32 $0x180, s0;
	s17 =	sadd.s32 $0x27000, s24  }
0x14: {  	s24 =	simm.s32 $0x80;
	s1 =	simm.s32 $0x0;
	[dreg:$0x7] =	wrdreg s19  }
0x15: {  	[dreg:$0x8] =	wrdreg s21;
	s22 =	sadd.s32 s4, s7;
	s15 =	sadd.s32 s5, s7  }
0x16: {  	s26 =	sshrl.u32 s25, $0x3;
	s21 =	sadd.s32 $0x100, s0;
	s25 =	simm.s32 $0x180  }
0x17: {  	s0 =	simm.s32 $0x2;
	[dreg:$0x9] =	wrdreg s22;
	s19 =	sadd.s32 s26, s5  }
0x18: {  	s20 =	sadd.s32 s26, s4;
	s22 =	simm.s32 $0x5;
	s26 =	simm.s32 $0x3  }
.LBB2_1:
0x19: {  	s7 =	rddreg [dreg:$0x3]  }
0x1a: {  	s8 =	rddreg [dreg:$0x4];
	s7 =	sshrl.u32 s7, $0x3  }
0x1b: {  	[spmem:s7], [sflag:s9] =	dma.local [hbm:s8], $0x2700  }
0x1c: {  	_ =	swait.ge [sflag:s22], $0x2700  }
0x1d: {  	[sflag:s22] =	ssyncset.done $0x0;
	s8 =	rddreg [dreg:$0x5]  }
0x1e: {  	s10 =	rddreg [dreg:$0x6];
	[sflag:s22] =	ssyncadd.s32 $0xFFFFD900;
	s8 =	sshrl.u32 @!p0 s8, $0x3  }
0x1f: {  	[spmem:s8], [sflag:s9] =	dma.local @!p0 [hbm:s10], $0x200  }
0x20: {  	s10 =	simm.s32 @!p0 $0x5  }
0x21: {  	_ =	swait.ge @!p0 [sflag:s10], $0x200  }
0x22: {  	[sflag:s10] =	ssyncset.done @!p0 $0x0  }
0x23: {  	s14 =	rddreg [dreg:$0x7];
	[sflag:s10] =	ssyncadd.s32 @!p0 $0xFFFFFE00  }
0x24: {  	[tilespmem:s3], [sflag:$0x3] =	stream.linear.gather [hbm4b:s14+s3], $0x80, $0x38;
	[tilespmem:$0x1BB00] =	vst v63  }
0x25: {  	s11 =	rddreg [dreg:$0x8]  }
0x26: {  	[tilespmem:s23], [sflag:$0x3] =	stream.linear.gather [hbm4b:s11+s3], $0x80, $0x38;
	[tilespmem:$0x1BB00] =	vst v63  }
0x27: {  	s12 =	rddreg [dreg:$0x9]  }
0x28: {  	[tilespmem:s24], [sflag:$0x4] =	stream.linear.gather [hbm4b:s12+s3], $0x80, $0x38;
	[tilespmem:$0x1BB00] =	vst v63  }
0x29: {  	_ = 	snop  }
0x2a: {  	[tilespmem:s25], [sflag:$0x4] =	stream.linear.gather [hbm4b:s15+s3], $0x80, $0x38;
	[tilespmem:$0x1BB00] =	vst v63  }
0x2b: {  	[bflag:$0x0] =	sbarrier.arrive $0xFFFF  }
0x2c: {  	_ =	swait.ge [sflag:s26], $0x80  }
0x2d: {  	[sflag:s26] =	ssyncset.done $0x0  }
0x2e: {  	[sflag:s26] =	ssyncadd.s32 $0xFFFFFF80  }
0x2f: {  	_ =	swait.ge [sflag:s26], $0x80  }
0x30: {  	[sflag:s26] =	ssyncset.done $0x0  }
0x31: {  	[sflag:s26] =	ssyncadd.s32 $0xFFFFFF80  }
0x32: {  	[tilespmem:s28], [sflag:$0x1] =	stream.indirect.gather [hbm4b:s6+s24], $0x80, s3, s24, $0xb8;
	[tilespmem:$0x1BB00] =	vst v63  }
0x33: {  	_ =	swait.ge [sflag:s29], $0x80  }
0x34: {  	[sflag:s29] =	ssyncset.done $0x0  }
0x35: {  	[sflag:s29] =	ssyncadd.s32 $0xFFFFFF80  }
0x36: {  	_ =	swait.ge [sflag:s29], $0x80  }
0x37: {  	[sflag:s29] =	ssyncset.done $0x0  }
0x38: {  	[sflag:s29] =	ssyncadd.s32 $0xFFFFFF80  }
0x39: {  	[tilespmem:s30], [sflag:$0x2] =	stream.indirect.gather [hbm4b:s6+s24], $0x80, s24, s24, $0xb8;
	[tilespmem:$0x1BB00] =	vst v63  }
0x3a: {  	_ =	swait.ge [sflag:s31], $0x4000  }
0x3b: {  	[sflag:s31] =	ssyncset.done $0x0  }
0x3c: {  	[sflag:s31] =	ssyncadd.s32 $0xFFFFC000  }
0x3d: {  	[spmem:s2] =	stream.indirect.scatter.add.f32 [tilespmem:s28], [sflag:$0x5], $0x80, s23, s24, $0xb8;
	[tilespmem:$0x1BB00] =	vst v63  }
0x3e: {  	_ =	swait.ge [sflag:s22], $0x4000  }
0x3f: {  	s13 =	sshrl.u32 s21, $0x3;
	[sflag:s22] =	ssyncset.done $0x0  }
0x40: {  	s11 =	sadd.s32 s4, s13;
	[sflag:s22] =	ssyncadd.s32 $0xFFFFC000  }
0x41: {  	[tilespmem:s3], [sflag:$0x3] =	stream.linear.gather [hbm4b:s11+s3], $0x80, $0x38;
	[tilespmem:$0x1BB00] =	vst v63  }
0x42: {  	s10 =	sadd.s32 s5, s13  }
0x43: {  	[tilespmem:s23], [sflag:$0x3] =	stream.linear.gather [hbm4b:s10+s3], $0x80, $0x38;
	[tilespmem:$0x1BB00] =	vst v63  }
0x44: {  	_ =	swait.ge [sflag:s26], $0x80  }
0x45: {  	[sflag:s26] =	ssyncset.done $0x0  }
0x46: {  	[sflag:s26] =	ssyncadd.s32 $0xFFFFFF80  }
0x47: {  	_ =	swait.ge [sflag:s26], $0x80  }
0x48: {  	[sflag:s26] =	ssyncset.done $0x0  }
0x49: {  	[sflag:s26] =	ssyncadd.s32 $0xFFFFFF80  }
0x4a: {  	[tilespmem:s28], [sflag:$0x1] =	stream.indirect.gather [hbm4b:s6+s24], $0x80, s3, s24, $0xb8;
	[tilespmem:$0x1BB00] =	vst v63  }
0x4b: {  	_ =	swait.ge [sflag:s0], $0x4000  }
0x4c: {  	[sflag:s0] =	ssyncset.done $0x0  }
0x4d: {  	[sflag:s0] =	ssyncadd.s32 $0xFFFFC000  }
0x4e: {  	[spmem:s2] =	stream.indirect.scatter.add.f32 [tilespmem:s30], [sflag:$0x5], $0x80, s25, s24, $0xb8;
	[tilespmem:$0x1BB00] =	vst v63  }
0x4f: {  	_ =	swait.ge [sflag:s22], $0x4000  }
0x50: {  	s14 =	sadd.s32 $0x0, s20;
	s12 =	sadd.s32 $0x0, s19;
	[sflag:s22] =	ssyncset.done $0x0  }
0x51: {  	s11 =	sadd.s32 $0x100, s21;
	s10 =	simm.s32 $0x20;
	[sflag:s22] =	ssyncadd.s32 $0xFFFFC000  }
0x52: {  	[tilespmem:s24], [sflag:$0x4] =	stream.linear.gather [hbm4b:s14+s3], $0x80, $0x38;
	[tilespmem:$0x1BB00] =	vst v63  }
.LBB2_2:
0x53: {  	[tilespmem:s25], [sflag:$0x4] =	stream.linear.gather [hbm4b:s12+s3], $0x80, $0x38;
	[tilespmem:$0x1BB00] =	vst v63  }
0x54: {  	s12 =	smov.u32 s10  }
0x55: {  	p1 =	sne.s32 s10, $0x4E0;
	s10 =	sadd.s32 $0x20, s10;
	_ =	swait.ge [sflag:s29], $0x80  }
0x56: {  	[sflag:s29] =	ssyncset.done $0x0  }
0x57: {  	[sflag:s29] =	ssyncadd.s32 $0xFFFFFF80  }
0x58: {  	_ =	swait.ge [sflag:s29], $0x80  }
0x59: {  	[sflag:s29] =	ssyncset.done $0x0  }
0x5a: {  	[sflag:s29] =	ssyncadd.s32 $0xFFFFFF80  }
0x5b: {  	[tilespmem:s30], [sflag:$0x2] =	stream.indirect.gather [hbm4b:s6+s24], $0x80, s24, s24, $0xb8;
	[tilespmem:$0x1BB00] =	vst v63  }
0x5c: {  	_ =	swait.ge [sflag:s31], $0x4000  }
0x5d: {  	[sflag:s31] =	ssyncset.done $0x0  }
0x5e: {  	[sflag:s31] =	ssyncadd.s32 $0xFFFFC000  }
0x5f: {  	[spmem:s2] =	stream.indirect.scatter.add.f32 [tilespmem:s28], [sflag:$0x5], $0x80, s23, s24, $0xb8;
	[tilespmem:$0x1BB00] =	vst v63  }
0x60: {  	_ =	swait.ge [sflag:s22], $0x4000  }
0x61: {  	s13 =	sshrl.u32 s11, $0x3;
	[sflag:s22] =	ssyncset.done $0x0  }
0x62: {  	s14 =	sadd.s32 s4, s13;
	[sflag:s22] =	ssyncadd.s32 $0xFFFFC000  }
0x63: {  	[tilespmem:s3], [sflag:$0x3] =	stream.linear.gather [hbm4b:s14+s3], $0x80, $0x38;
	[tilespmem:$0x1BB00] =	vst v63  }
0x64: {  	s13 =	sadd.s32 s5, s13  }
0x65: {  	[tilespmem:s23], [sflag:$0x3] =	stream.linear.gather [hbm4b:s13+s3], $0x80, $0x38;
	[tilespmem:$0x1BB00] =	vst v63  }
0x66: {  	_ =	swait.ge [sflag:s26], $0x80  }
0x67: {  	[sflag:s26] =	ssyncset.done $0x0  }
0x68: {  	[sflag:s26] =	ssyncadd.s32 $0xFFFFFF80  }
0x69: {  	_ =	swait.ge [sflag:s26], $0x80  }
0x6a: {  	[sflag:s26] =	ssyncset.done $0x0  }
0x6b: {  	[sflag:s26] =	ssyncadd.s32 $0xFFFFFF80  }
0x6c: {  	[tilespmem:s28], [sflag:$0x1] =	stream.indirect.gather [hbm4b:s6+s24], $0x80, s3, s24, $0xb8;
	[tilespmem:$0x1BB00] =	vst v63  }
0x6d: {  	_ =	swait.ge [sflag:s0], $0x4000  }
0x6e: {  	[sflag:s0] =	ssyncset.done $0x0  }
0x6f: {  	[sflag:s0] =	ssyncadd.s32 $0xFFFFC000  }
0x70: {  	[spmem:s2] =	stream.indirect.scatter.add.f32 [tilespmem:s30], [sflag:$0x5], $0x80, s25, s24, $0xb8;
	[tilespmem:$0x1BB00] =	vst v63  }
.Ltmp0:
0x71: {  	_ =	swait.ge [sflag:s22], $0x4000;
	(pc) =	sbr.rel @p1 .LBB2_2-.Ltmp0, $4  }
0x72: {  	[sflag:s22] =	ssyncset.done $0x0  }
0x73: {  	s13 =	sadd.s32 s12, s20;
	[sflag:s22] =	ssyncadd.s32 $0xFFFFC000  }
0x74: {  	[tilespmem:s24], [sflag:$0x4] =	stream.linear.gather [hbm4b:s13+s3], $0x80, $0x38;
	[tilespmem:$0x1BB00] =	vst v63  }
0x75: {  	s11 =	sadd.s32 $0x100, s11;
	s12 =	sadd.s32 s12, s19  }
0x76: {  	[tilespmem:s25], [sflag:$0x4] =	stream.linear.gather [hbm4b:s12+s3], $0x80, $0x38;
	[tilespmem:$0x1BB00] =	vst v63  }
0x77: {  	_ =	swait.ge [sflag:s31], $0x4000  }
0x78: {  	[sflag:s31] =	ssyncset.done $0x0  }
0x79: {  	[sflag:s31] =	ssyncadd.s32 $0xFFFFC000  }
0x7a: {  	[spmem:s2] =	stream.indirect.scatter.add.f32 [tilespmem:s28], [sflag:$0x5], $0x80, s23, s24, $0xb8;
	[tilespmem:$0x1BB00] =	vst v63  }
0x7b: {  	_ =	swait.ge [sflag:s22], $0x4000  }
0x7c: {  	[sflag:s22] =	ssyncset.done $0x0  }
0x7d: {  	[sflag:s22] =	ssyncadd.s32 $0xFFFFC000  }
0x7e: {  	_ =	swait.ge [sflag:s29], $0x80  }
0x7f: {  	[sflag:s29] =	ssyncset.done $0x0  }
0x80: {  	[sflag:s29] =	ssyncadd.s32 $0xFFFFFF80  }
0x81: {  	_ =	swait.ge [sflag:s29], $0x80  }
0x82: {  	[sflag:s29] =	ssyncset.done $0x0  }
0x83: {  	[sflag:s29] =	ssyncadd.s32 $0xFFFFFF80  }
0x84: {  	[bflag:$0x0] =	sbarrier.arrive $0xFFFF  }
0x85: {  	[hbm:s16], [sflag:s9] =	dma.local [spmem:s7], $0x2700  }
0x86: {  	s1 =	sadd.s32 $0x1, s1;
	_ =	swait.ge [sflag:s22], $0x2700  }
0x87: {  	p1 =	sne.s32 s1, s18;
	[sflag:s22] =	ssyncset.done $0x0  }
.Ltmp1:
0x88: {  	s7 =	simm.s32 @!p0 $0x5;
	[sflag:s22] =	ssyncadd.s32 $0xFFFFD900;
	(pc) =	sbr.rel @p1 .LBB2_1-.Ltmp1, $4  }
0x89: {  	[hbm:s17], [sflag:s9] =	dma.local @!p0 [spmem:s8], $0x100  }
0x8a: {  	_ =	swait.ge @!p0 [sflag:s7], $0x100  }
0x8b: {  	[sflag:s7] =	ssyncset.done @!p0 $0x0  }
0x8c: {  	[sflag:s7] =	ssyncadd.s32 @!p0 $0xFFFFFF00  }
0x8d: {  	_ =	sfence.sel $0x180000  }
0x8e: {  	[bflag:$0x0] =	sbarrier.arrive $0xFFFF  }
0x8f: {  	_ =	strace $0x9000004A  }
0x90: {  	s0 =	stileid.u32;
	[bflag:$0x2] =	sbarrier.arrive $0xFFFF  }
0x91: {  	p0 =	sne.s32 s0, $0x0;
	s0 =	rddreg [dreg:$0x2]  }
0x92: {  	s0 =	sadd.s32 @!p0 $0x100000, s0  }
0x93: {  	[sflag:s0] =	ssyncadd.tile.s32 @!p0 $0x1;
	_ =	shalt  }
.Lfunc_end2:
_tile_overlayer_lowered:
.L_overlay_start_2:
0x94: {  	(tag) =	ssettag $0x2  }
0x95: {  	s0 =	rddreg [dreg:$0x0];
	s2 =	stileid.u32  }
0x96: {  	s1 =	rddreg [dreg:$0x1];
	p0 =	sne.s32 s2, $0x0  }
0x97: {  	s3 =	rddreg [dreg:$0x2];
	[bflag:$0x3] =	sbarrier.arrive $0xFFFF;
	s2 =	simm.s32 @!p0 $0x1C05  }
0x98: {  	[timem:s3], [sflag:s2] =	dma.local @!p0 [hbm:s0], s1  }
0x99: {  	s0 =	simm.s32 @!p0 $0x5  }
0x9a: {  	_ =	swait.ge @!p0 [sflag:s0], s1  }
0x9b: {  	s1 =	ssub.s32 @!p0 $0x0, s1;
	[sflag:s0] =	ssyncset.done @!p0 $0x0  }
0x9c: {  	[sflag:s0] =	ssyncadd.s32 @!p0 s1  }
0x9d: {  	[bflag:$0x3] =	sbarrier.arrive $0xFFFF  }
0x9e: {  	_ =	shalt  }

// kernel: kernel.16.cloned.1.call-start
scs
__scs_entry_jumppad:
0x0: {  	(pc) =	sbr.rel $0x88, $3  }
0x1: {  	(tag) =	ssettag $0x0;
	lr =	simm.s32 $0x1  }
0x2: {  	[smem:$0x3F90] =	sst lr;
	_ =	strace $0xD0000000  }
0x3: {  	_ = 	snop  }
0x4: {  	_ = 	snop  }
0x5: {  	_ = 	snop  }
0x6: {  	_ = 	snop  }
0x7: {  	_ = 	snop  }
__scs_overlays_trampoline_lowered:
0x8: {  	[smem:$0x3F9F] =	sst s0  }
0x9: {  	[smem:$0x3FA0] =	sst s1  }
0xa: {  	[smem:$0x3FA1] =	sst s2  }
0xb: {  	[smem:$0x3FA2] =	sst s3  }
0xc: {  	[smem:$0x3FA3] =	sst s4  }
0xd: {  	[smem:$0x3FA4] =	sst s5  }
0xe: {  	[smem:$0x3FA5] =	sst s6  }
0xf: {  	[smem:$0x3FA6] =	sst s7  }
0x10: {  	[smem:$0x3FA7] =	sst s8  }
0x11: {  	[smem:$0x3FA8] =	sst s9;
	s0 =	simm.s32 @!p0 $0x0  }
0x12: {  	s1 =	sld [smem:$0x3F8E];
	s0 =	simm.s32 @p0 $0x1  }
0x13: {  	[smem:$0x3FA9] =	sst s0;
	s0 =	simm.s32 @!p1 $0x0  }
0x14: {  	s2 =	sld [smem:$0x3F8D];
	s0 =	simm.s32 @p1 $0x1  }
0x15: {  	[smem:$0x3FAA] =	sst s0;
	s0 =	simm.s32 @!p2 $0x0  }
0x16: {  	s3 =	sld [smem:$0x3FDB];
	s0 =	simm.s32 @p2 $0x1  }
0x17: {  	s4 =	simm.s32 $0x1BF5;
	[smem:$0x3FAC] =	sst s0  }
0x18: {  	s0 =	sld [smem:$0x3F8F];
	_ =	swait.ge [sflag:s4], $0x0  }
0x19: {  	s7 =	sld [smem:$0x3F90]  }
0x1a: {  	s8 =	sadd.s32 $0xFFFFE003, lr  }
0x1b: {  	s9 =	sadd.s32 $0xFFFFFEF7, lr;
	s5 =	simm.s32 $0xFFFFFFFF;
	p2 =	slt.u32 s8, $0xFFFFF086  }
0x1c: {  	p1 =	slt.u32 s9, $0xF7A;
	s5 =	simm.s32 @!p2 $0x0  }
0x1d: {  	s5 =	simm.s32 @p1 $0x1;
	p0 =	seq.s32 s7, s2  }
0x1e: {  	s7 =	smul.u32 @!p0 $0xF7A, s2;
	p2 =	seq.s32 @!p0 s5, $0x0  }
0x1f: {  	s9 =	smul.u32 $0xF7A, s1;
	s8 =	simm.s32 @!p0 $0x1BF5;
	p2 =	por !p2, p0  }
0x20: {  	[sflag:s8] =	ssyncset.s32 @!p0 $0xFFFFF086;
	s6 =	sadd.s32 @!p0 s3, s7;
	s7 =	simm.s32 @!p0 $0x108  }
0x21: {  	s3 =	sadd.s32 s3, s9;
	s6 =	sadd.s32 @!p0 $0x88, s6;
	s7 =	simm.s32 @p2 $0x1082  }
0x22: {  	[simem:s7], [sflag:s8] =	dma.local @!p0 [hbm:s6], $0xF7A  }
0x23: {  	s9 =	sor.u32 $0xD0000000, s2;
	s6 =	simm.s32 $0x108;
	_ =	swait.ge @!p0 [sflag:s8], $0x0  }
0x24: {  	s3 =	sadd.s32 $0x88, s3;
	s6 =	simm.s32 @!p1 $0x1082;
	[sflag:s4] =	ssyncset.s32 $0xFFFFF086  }
0x25: {  	[simem:s6], [sflag:s4] =	dma.local [hbm:s3], $0xF7A  }
0x26: {  	[smem:$0x3F90] =	sst s1;
	(tag) =	ssettag s2;
	_ =	strace s9  }
0x27: {  	s1 =	sld [smem:$0x3FA0]  }
0x28: {  	s2 =	sld [smem:$0x3FA1]  }
0x29: {  	s4 =	sld [smem:$0x3FA3]  }
0x2a: {  	p0 =	seq.s32 s5, $0x0;
	s5 =	sld [smem:$0x3FA4]  }
0x2b: {  	s6 =	sld [smem:$0x3FA5]  }
0x2c: {  	s7 =	sld [smem:$0x3FA6]  }
0x2d: {  	s3 =	simm.s32 $0x108;
	s8 =	sld [smem:$0x3FA7]  }
0x2e: {  	s3 =	simm.s32 @!p0 $0x1082;
	s9 =	sld [smem:$0x3FA8]  }
0x2f: {  	lr =	sadd.s32 s0, s3;
	s0 =	sld [smem:$0x3F9F]  }
0x30: {  	s3 =	sld [smem:$0x3FA2]  }
0x31: {  	[smem:$0x3FAB] =	sst s10  }
0x32: {  	s10 =	sld [smem:$0x3FA9];
	_ =	sdelay $0x3  }
0x33: {  	p0 =	seq.s32 s10, $0x1;
	s10 =	sld [smem:$0x3FAB];
	_ =	sdelay $0x3  }
0x34: {  	[smem:$0x3FAB] =	sst s10  }
0x35: {  	s10 =	sld [smem:$0x3FAA];
	_ =	sdelay $0x3  }
0x36: {  	p1 =	seq.s32 s10, $0x1;
	s10 =	sld [smem:$0x3FAB];
	_ =	sdelay $0x3  }
0x37: {  	[smem:$0x3FAB] =	sst s10  }
0x38: {  	s10 =	sld [smem:$0x3FAC]  }
0x39: {  	_ = 	snop;
	(pc) =	sbr.ind lr, $3  }
0x3a: {  	_ = 	snop  }
0x3b: {  	_ = 	snop  }
0x3c: {  	p2 =	seq.s32 s10, $0x1;
	s10 =	sld [smem:$0x3FAB]  }
0x3d: {  	_ =	shalt  }
0x3e: {  	_ =	shalt  }
0x3f: {  	_ =	shalt  }
0x40: {  	_ =	shalt  }
0x41: {  	_ =	shalt  }
0x42: {  	_ =	shalt  }
0x43: {  	_ =	shalt  }
0x44: {  	_ =	shalt  }
0x45: {  	_ =	shalt  }
0x46: {  	_ =	shalt  }
0x47: {  	_ =	shalt  }
0x48: {  	_ =	shalt  }
0x49: {  	_ =	shalt  }
0x4a: {  	_ =	shalt  }
0x4b: {  	_ =	shalt  }
0x4c: {  	_ =	shalt  }
0x4d: {  	_ =	shalt  }
0x4e: {  	_ =	shalt  }
0x4f: {  	_ =	shalt  }
0x50: {  	_ =	shalt  }
0x51: {  	_ =	shalt  }
0x52: {  	_ =	shalt  }
0x53: {  	_ =	shalt  }
0x54: {  	_ =	shalt  }
0x55: {  	_ =	shalt  }
0x56: {  	_ =	shalt  }
0x57: {  	_ =	shalt  }
0x58: {  	_ =	shalt  }
0x59: {  	_ =	shalt  }
0x5a: {  	_ =	shalt  }
0x5b: {  	_ =	shalt  }
0x5c: {  	_ =	shalt  }
0x5d: {  	_ =	shalt  }
0x5e: {  	_ =	shalt  }
0x5f: {  	_ =	shalt  }
0x60: {  	_ =	shalt  }
0x61: {  	_ =	shalt  }
0x62: {  	_ =	shalt  }
0x63: {  	_ =	shalt  }
0x64: {  	_ =	shalt  }
0x65: {  	_ =	shalt  }
0x66: {  	_ =	shalt  }
0x67: {  	_ =	shalt  }
0x68: {  	_ =	shalt  }
0x69: {  	_ =	shalt  }
0x6a: {  	_ =	shalt  }
0x6b: {  	_ =	shalt  }
0x6c: {  	_ =	shalt  }
0x6d: {  	_ =	shalt  }
0x6e: {  	_ =	shalt  }
0x6f: {  	_ =	shalt  }
0x70: {  	_ =	shalt  }
0x71: {  	_ =	shalt  }
0x72: {  	_ =	shalt  }
0x73: {  	_ =	shalt  }
0x74: {  	_ =	shalt  }
0x75: {  	_ =	shalt  }
0x76: {  	_ =	shalt  }
0x77: {  	_ =	shalt  }
0x78: {  	_ =	shalt  }
0x79: {  	_ =	shalt  }
0x7a: {  	_ =	shalt  }
0x7b: {  	_ =	shalt  }
0x7c: {  	_ =	shalt  }
0x7d: {  	_ =	shalt  }
0x7e: {  	_ =	shalt  }
0x7f: {  	_ =	shalt  }
0x80: {  	_ =	shalt  }
0x81: {  	_ =	shalt  }
0x82: {  	_ =	shalt  }
0x83: {  	_ =	shalt  }
0x84: {  	_ =	shalt  }
0x85: {  	_ =	shalt  }
0x86: {  	_ =	shalt  }
0x87: {  	_ =	shalt  }
.Lfunc_end0:
.L_simem_size_0:
called_computation.2_lowered:
.L_overlay_start_0:
0x88: {  	s2 =	sld [smem:$0x3FD9]  }
0x89: {  	s3 =	sld [smem:$0x3FFE];
	_ =	sdelay $0x1  }
0x8a: {  	s1 =	srdreg.scid  }
0x8b: {  	s0 =	sand.u32 $0x1, s1  }
0x8c: {  	s16 =	sshll.u32 s0, $0xA;
	s2 =	sadd.s32 s3, s2  }
0x8d: {  	s2 =	sadd.s32 s2, s16  }
0x8e: {  	[smem:$0x3FB7] =	sst s2  }
0x8f: {  	_ = 	snop  }
0x90: {  	(tm) =	ssettm $0x1  }
0x91: {  	s17 =	sld [smem:$0x3FFB];
	_ =	sdelay $0x3  }
0x92: {  	_ =	strace s17  }
0x93: {  	s2 =	sld [smem:$0x3FFC];
	_ =	sdelay $0x3  }
0x94: {  	_ =	strace s2  }
0x95: {  	s2 =	sld [smem:$0x3FFD];
	_ =	sdelay $0x3  }
0x96: {  	_ =	strace s2  }
0x97: {  	_ =	strace $0x8FFFFFFF  }
0x98: {  	s18 =	sld [smem:$0x3FDB];
	_ =	sdelay $0x1  }
0x99: {  	s19 =	simm.s32 $_scs_section_size  }
0x9a: {  	s4 =	simm.s32 $_size__tile_overlayer_lowered;
	s5 =	simm.s32 $_tile_overlayer_lowered  }
0x9b: {  	s22 =	simm.s32 $0x1BFF;
	s21 =	sshll.u32 s5, $0x1;
	s2 =	sadd.s32 s19, s18  }
0x9c: {  	s6 =	simm.s32 $0x0;
	s20 =	sshll.u32 s4, $0x1;
	s4 =	sadd.s32 s21, s2  }
0x9d: {  	[timem:s6], [sflag:s22] =	dma.local [hbm:s4], s20  }
0x9e: {  	_ =	swait.ge [sflag:s22], s20  }
0x9f: {  	s3 =	ssub.s32 $0x0, s20;
	[sflag:s22] =	ssyncset.done $0x0  }
0xa0: {  	[sflag:s22] =	ssyncadd.s32 s3;
	_ =	sdelay $0x1  }
0xa1: {  	s23 =	simm.s32 $0x1B8B  }
0xa2: {  	_ =	swait.ge [sflag:s23], $0x1  }
0xa3: {  	[sflag:s23] =	ssyncset.done $0x0  }
0xa4: {  	s25 =	simm.s32 $0x1B8E;
	s24 =	sld [smem:$0x3FFE];
	[sflag:s23] =	ssyncadd.s32 $0xFFFFFFFF  }
0xa5: {  	s26 =	simm.s32 $execute0_lowered;
	[smem:$0x3FD2] =	sst s25  }
0xa6: {  	s4 =	sshll.u32 s26, $0x1;
	_ =	strace $0x8000004C;
	[dreg:$0x1] =	wrdreg $0xFFFFFFFF  }
0xa7: {  	s28 =	simm.s32 $_size_execute0_lowered;
	s2 =	sadd.s32 s2, s4;
	[dreg:$0x0] =	wrdreg $0x0  }
0xa8: {  	s4 =	sshll.u32 s28, $0x1;
	[dreg:$0x2] =	wrdreg s2  }
0xa9: {  	[dreg:$0x3] =	wrdreg s4  }
0xaa: {  	[dreg:$0x4] =	wrdreg $0xC0  }
0xab: {  	_ =	task [dreg:s6], $0x5FFFF  }
0xac: {  	[dreg:$0x1] =	wrdreg $0xFFFFFFFF  }
0xad: {  	[dreg:$0x0] =	wrdreg $0x60  }
0xae: {  	[dreg:$0x2] =	wrdreg s24  }
0xaf: {  	[dreg:$0x3] =	wrdreg $0x82000  }
0xb0: {  	[dreg:$0x4] =	wrdreg $0x9  }
0xb1: {  	_ =	task.clear_ibuf [dreg:s6], $0x5FFFF;
	_ =	strace $0x9000004C  }
0xb2: {  	s29 =	simm.s32 $0x9;
	_ =	strace $0x8000004E  }
0xb3: {  	_ =	swait.ge [sflag:s29], $0x1  }
0xb4: {  	[sflag:s29] =	ssyncadd.s32 $0xFFFFFFFF  }
0xb5: {  	_ =	strace $0x9000004E  }
0xb6: {  	_ =	sfence  }
0xb7: {  	s30 =	sld [smem:$0x0];
	_ =	sdelay $0x2  }
0xb8: {  	s31 =	sshll.u32 s1, $0xD;
	s1 =	sshrl.u32 s1, $0x2  }
0xb9: {  	s3 =	sand.u32 $0x4000, s31;
	s1 =	sadd.s32 s1, s30  }
0xba: {  	s0 =	sor.u32 s3, s0;
	s1 =	sshll.u32 s1, $0x11  }
0xbb: {  	s0 =	sor.u32 s1, s0  }
0xbc: {  	s0 =	sadd.s32 $0x8F2B, s0  }
0xbd: {  	[sflag:s0] =	ssyncadd.remote.s32 $0x1  }
0xbe: {  	_ =	sfence.sel $0xFFFF  }
0xbf: {  	[dreg:$0x0] =	wrdreg $0xFFFFFFFF;
	(pc) =	sbr.abs _section_cstart, $3  }
0xc0: {  	[dreg:$0x1] =	wrdreg $0xFFFFFFFF  }
0xc1: {  	_ =	task.clear_ibuf [dreg:s6], $0x2FFFF;
	_ =	strace $0x9FFFFFFF  }
0xc2: {  	(tm) =	ssettm $0x7FFFFFFF  }
0xc3: {  	_ =	shalt  }
tec
execute0_lowered:
.L_overlay_start_1:
0x0: {  	(tag) =	ssettag $0x1  }
0x1: {  	s0 =	rddreg [dreg:$0x0]  }
0x2: {  	s2 =	rddreg [dreg:$0x1];
	s3 =	simm.s32 $0x0;
	s14 =	stileid.u32  }
0x3: {  	s6 =	srdreg.scid;
	s28 =	simm.s32 $0x200;
	s29 =	simm.s32 $0x4  }
0x4: {  	s30 =	simm.s32 $0x4200;
	s31 =	simm.s32 $0x1;
	[smem:$0x7FF] =	sst s3  }
0x5: {  	s1 =	smul.u32 $0x13800, s14;
	s4 =	sadd.s32 $0x83400, s0;
	s5 =	sadd.s32 $0x3C00, s0  }
0x6: {  	s8 =	sand.u32 $0x1, s6;
	s6 =	sadd.s32 $0x35200, s0;
	s11 =	smul.u32 $0x4E000, s14  }
0x7: {  	s12 =	sshll.u32 s14, $0x1;
	s17 =	sadd.s32 $0x8D800, s0;
	s26 =	sshll.u32 s14, $0x6  }
0x8: {  	s15 =	sadd.s32 $0x138000, s2;
	s20 =	smul.u32 $0x5100, s14;
	p0 =	sne.s32 s14, $0xF  }
0x9: {  	_ =	strace $0x8000004D;
	s9 =	ssub.s32 $0x2, s8;
	s18 =	smul.u32 $0x138800, s8  }
0xa: {  	s25 =	sor.u32 s8, s12;
	[dreg:$0x5] =	wrdreg s15;
	s8 =	smul.u32 $0x2880, s8  }
0xb: {  	s7 =	sshrl.u32 s1, $0x3;
	s10 =	sshrl.u32 s9, $0x1;
	s11 =	sshrl.u32 s11, $0x2  }
0xc: {  	s13 =	smul.u32 $0x2880, s25;
	s7 =	sadd.s32 s7, s0;
	s10 =	ssub.s32 s9, s10  }
0xd: {  	s11 =	sadd.s32 s11, s2;
	s9 =	sor.u32 $0x1C05, s26;
	s0 =	sadd.s32 $0x35000, s0  }
0xe: {  	s1 =	sadd.s32 s1, s18;
	s23 =	sshrl.u32 s18, $0x3;
	[dreg:$0x3] =	wrdreg s11  }
0xf: {  	s7 =	sadd.s32 $0xE000, s7;
	s16 =	sshrl.u32 s13, $0x3;
	[dreg:$0x6] =	wrdreg s0  }
0x10: {  	s1 =	sshrl.u32 s1, $0x3;
	s0 =	sadd.s32 s8, s20;
	s24 =	sadd.s32 s17, s23  }
0x11: {  	s18 =	smax.u32 s10, $0x1;
	s23 =	simm.s32 $0x100;
	[dreg:$0x4] =	wrdreg s7  }
0x12: {  	s19 =	sadd.s32 s4, s16;
	s21 =	sadd.s32 s5, s16;
	s7 =	sadd.s32 $0x10, s16  }
0x13: {  	s16 =	sadd.s32 s17, s1;
	s25 =	sadd.s32 $0x180, s0;
	s17 =	sadd.s32 $0x27000, s24  }
0x14: {  	s24 =	simm.s32 $0x80;
	s1 =	simm.s32 $0x0;
	[dreg:$0x7] =	wrdreg s19  }
0x15: {  	[dreg:$0x8] =	wrdreg s21;
	s22 =	sadd.s32 s4, s7;
	s15 =	sadd.s32 s5, s7  }
0x16: {  	s26 =	sshrl.u32 s25, $0x3;
	s21 =	sadd.s32 $0x100, s0;
	s25 =	simm.s32 $0x180  }
0x17: {  	s0 =	simm.s32 $0x2;
	[dreg:$0x9] =	wrdreg s22;
	s19 =	sadd.s32 s26, s5  }
0x18: {  	s20 =	sadd.s32 s26, s4;
	s22 =	simm.s32 $0x5;
	s26 =	simm.s32 $0x3  }
.LBB2_1:
0x19: {  	s7 =	rddreg [dreg:$0x3]  }
0x1a: {  	s8 =	rddreg [dreg:$0x4];
	s7 =	sshrl.u32 s7, $0x3  }
0x1b: {  	[spmem:s7], [sflag:s9] =	dma.local [hbm:s8], $0x2700  }
0x1c: {  	_ =	swait.ge [sflag:s22], $0x2700  }
0x1d: {  	[sflag:s22] =	ssyncset.done $0x0;
	s8 =	rddreg [dreg:$0x5]  }
0x1e: {  	s10 =	rddreg [dreg:$0x6];
	[sflag:s22] =	ssyncadd.s32 $0xFFFFD900;
	s8 =	sshrl.u32 @!p0 s8, $0x3  }
0x1f: {  	[spmem:s8], [sflag:s9] =	dma.local @!p0 [hbm:s10], $0x200  }
0x20: {  	s10 =	simm.s32 @!p0 $0x5  }
0x21: {  	_ =	swait.ge @!p0 [sflag:s10], $0x200  }
0x22: {  	[sflag:s10] =	ssyncset.done @!p0 $0x0  }
0x23: {  	s14 =	rddreg [dreg:$0x7];
	[sflag:s10] =	ssyncadd.s32 @!p0 $0xFFFFFE00  }
0x24: {  	[tilespmem:s3], [sflag:$0x3] =	stream.linear.gather [hbm4b:s14+s3], $0x80, $0x38;
	[tilespmem:$0x1BB00] =	vst v63  }
0x25: {  	s11 =	rddreg [dreg:$0x8]  }
0x26: {  	[tilespmem:s23], [sflag:$0x3] =	stream.linear.gather [hbm4b:s11+s3], $0x80, $0x38;
	[tilespmem:$0x1BB00] =	vst v63  }
0x27: {  	s12 =	rddreg [dreg:$0x9]  }
0x28: {  	[tilespmem:s24], [sflag:$0x4] =	stream.linear.gather [hbm4b:s12+s3], $0x80, $0x38;
	[tilespmem:$0x1BB00] =	vst v63  }
0x29: {  	_ = 	snop  }
0x2a: {  	[tilespmem:s25], [sflag:$0x4] =	stream.linear.gather [hbm4b:s15+s3], $0x80, $0x38;
	[tilespmem:$0x1BB00] =	vst v63  }
0x2b: {  	[bflag:$0x0] =	sbarrier.arrive $0xFFFF  }
0x2c: {  	_ =	swait.ge [sflag:s26], $0x80  }
0x2d: {  	[sflag:s26] =	ssyncset.done $0x0  }
0x2e: {  	[sflag:s26] =	ssyncadd.s32 $0xFFFFFF80  }
0x2f: {  	_ =	swait.ge [sflag:s26], $0x80  }
0x30: {  	[sflag:s26] =	ssyncset.done $0x0  }
0x31: {  	[sflag:s26] =	ssyncadd.s32 $0xFFFFFF80  }
0x32: {  	[tilespmem:s28], [sflag:$0x1] =	stream.indirect.gather [hbm4b:s6+s24], $0x80, s3, s24, $0xb8;
	[tilespmem:$0x1BB00] =	vst v63  }
0x33: {  	_ =	swait.ge [sflag:s29], $0x80  }
0x34: {  	[sflag:s29] =	ssyncset.done $0x0  }
0x35: {  	[sflag:s29] =	ssyncadd.s32 $0xFFFFFF80  }
0x36: {  	_ =	swait.ge [sflag:s29], $0x80  }
0x37: {  	[sflag:s29] =	ssyncset.done $0x0  }
0x38: {  	[sflag:s29] =	ssyncadd.s32 $0xFFFFFF80  }
0x39: {  	[tilespmem:s30], [sflag:$0x2] =	stream.indirect.gather [hbm4b:s6+s24], $0x80, s24, s24, $0xb8;
	[tilespmem:$0x1BB00] =	vst v63  }
0x3a: {  	_ =	swait.ge [sflag:s31], $0x4000  }
0x3b: {  	[sflag:s31] =	ssyncset.done $0x0  }
0x3c: {  	[sflag:s31] =	ssyncadd.s32 $0xFFFFC000  }
0x3d: {  	[spmem:s2] =	stream.indirect.scatter.add.f32 [tilespmem:s28], [sflag:$0x5], $0x80, s23, s24, $0xb8;
	[tilespmem:$0x1BB00] =	vst v63  }
0x3e: {  	_ =	swait.ge [sflag:s22], $0x4000  }
0x3f: {  	s13 =	sshrl.u32 s21, $0x3;
	[sflag:s22] =	ssyncset.done $0x0  }
0x40: {  	s11 =	sadd.s32 s4, s13;
	[sflag:s22] =	ssyncadd.s32 $0xFFFFC000  }
0x41: {  	[tilespmem:s3], [sflag:$0x3] =	stream.linear.gather [hbm4b:s11+s3], $0x80, $0x38;
	[tilespmem:$0x1BB00] =	vst v63  }
0x42: {  	s10 =	sadd.s32 s5, s13  }
0x43: {  	[tilespmem:s23], [sflag:$0x3] =	stream.linear.gather [hbm4b:s10+s3], $0x80, $0x38;
	[tilespmem:$0x1BB00] =	vst v63  }
0x44: {  	_ =	swait.ge [sflag:s26], $0x80  }
0x45: {  	[sflag:s26] =	ssyncset.done $0x0  }
0x46: {  	[sflag:s26] =	ssyncadd.s32 $0xFFFFFF80  }
0x47: {  	_ =	swait.ge [sflag:s26], $0x80  }
0x48: {  	[sflag:s26] =	ssyncset.done $0x0  }
0x49: {  	[sflag:s26] =	ssyncadd.s32 $0xFFFFFF80  }
0x4a: {  	[tilespmem:s28], [sflag:$0x1] =	stream.indirect.gather [hbm4b:s6+s24], $0x80, s3, s24, $0xb8;
	[tilespmem:$0x1BB00] =	vst v63  }
0x4b: {  	_ =	swait.ge [sflag:s0], $0x4000  }
0x4c: {  	[sflag:s0] =	ssyncset.done $0x0  }
0x4d: {  	[sflag:s0] =	ssyncadd.s32 $0xFFFFC000  }
0x4e: {  	[spmem:s2] =	stream.indirect.scatter.add.f32 [tilespmem:s30], [sflag:$0x5], $0x80, s25, s24, $0xb8;
	[tilespmem:$0x1BB00] =	vst v63  }
0x4f: {  	_ =	swait.ge [sflag:s22], $0x4000  }
0x50: {  	s14 =	sadd.s32 $0x0, s20;
	s12 =	sadd.s32 $0x0, s19;
	[sflag:s22] =	ssyncset.done $0x0  }
0x51: {  	s11 =	sadd.s32 $0x100, s21;
	s10 =	simm.s32 $0x20;
	[sflag:s22] =	ssyncadd.s32 $0xFFFFC000  }
0x52: {  	[tilespmem:s24], [sflag:$0x4] =	stream.linear.gather [hbm4b:s14+s3], $0x80, $0x38;
	[tilespmem:$0x1BB00] =	vst v63  }
.LBB2_2:
0x53: {  	[tilespmem:s25], [sflag:$0x4] =	stream.linear.gather [hbm4b:s12+s3], $0x80, $0x38;
	[tilespmem:$0x1BB00] =	vst v63  }
0x54: {  	s12 =	smov.u32 s10  }
0x55: {  	p1 =	sne.s32 s10, $0x4E0;
	s10 =	sadd.s32 $0x20, s10;
	_ =	swait.ge [sflag:s29], $0x80  }
0x56: {  	[sflag:s29] =	ssyncset.done $0x0  }
0x57: {  	[sflag:s29] =	ssyncadd.s32 $0xFFFFFF80  }
0x58: {  	_ =	swait.ge [sflag:s29], $0x80  }
0x59: {  	[sflag:s29] =	ssyncset.done $0x0  }
0x5a: {  	[sflag:s29] =	ssyncadd.s32 $0xFFFFFF80  }
0x5b: {  	[tilespmem:s30], [sflag:$0x2] =	stream.indirect.gather [hbm4b:s6+s24], $0x80, s24, s24, $0xb8;
	[tilespmem:$0x1BB00] =	vst v63  }
0x5c: {  	_ =	swait.ge [sflag:s31], $0x4000  }
0x5d: {  	[sflag:s31] =	ssyncset.done $0x0  }
0x5e: {  	[sflag:s31] =	ssyncadd.s32 $0xFFFFC000  }
0x5f: {  	[spmem:s2] =	stream.indirect.scatter.add.f32 [tilespmem:s28], [sflag:$0x5], $0x80, s23, s24, $0xb8;
	[tilespmem:$0x1BB00] =	vst v63  }
0x60: {  	_ =	swait.ge [sflag:s22], $0x4000  }
0x61: {  	s13 =	sshrl.u32 s11, $0x3;
	[sflag:s22] =	ssyncset.done $0x0  }
0x62: {  	s14 =	sadd.s32 s4, s13;
	[sflag:s22] =	ssyncadd.s32 $0xFFFFC000  }
0x63: {  	[tilespmem:s3], [sflag:$0x3] =	stream.linear.gather [hbm4b:s14+s3], $0x80, $0x38;
	[tilespmem:$0x1BB00] =	vst v63  }
0x64: {  	s13 =	sadd.s32 s5, s13  }
0x65: {  	[tilespmem:s23], [sflag:$0x3] =	stream.linear.gather [hbm4b:s13+s3], $0x80, $0x38;
	[tilespmem:$0x1BB00] =	vst v63  }
0x66: {  	_ =	swait.ge [sflag:s26], $0x80  }
0x67: {  	[sflag:s26] =	ssyncset.done $0x0  }
0x68: {  	[sflag:s26] =	ssyncadd.s32 $0xFFFFFF80  }
0x69: {  	_ =	swait.ge [sflag:s26], $0x80  }
0x6a: {  	[sflag:s26] =	ssyncset.done $0x0  }
0x6b: {  	[sflag:s26] =	ssyncadd.s32 $0xFFFFFF80  }
0x6c: {  	[tilespmem:s28], [sflag:$0x1] =	stream.indirect.gather [hbm4b:s6+s24], $0x80, s3, s24, $0xb8;
	[tilespmem:$0x1BB00] =	vst v63  }
0x6d: {  	_ =	swait.ge [sflag:s0], $0x4000  }
0x6e: {  	[sflag:s0] =	ssyncset.done $0x0  }
0x6f: {  	[sflag:s0] =	ssyncadd.s32 $0xFFFFC000  }
0x70: {  	[spmem:s2] =	stream.indirect.scatter.add.f32 [tilespmem:s30], [sflag:$0x5], $0x80, s25, s24, $0xb8;
	[tilespmem:$0x1BB00] =	vst v63  }
.Ltmp0:
0x71: {  	_ =	swait.ge [sflag:s22], $0x4000;
	(pc) =	sbr.rel @p1 .LBB2_2-.Ltmp0, $4  }
0x72: {  	[sflag:s22] =	ssyncset.done $0x0  }
0x73: {  	s13 =	sadd.s32 s12, s20;
	[sflag:s22] =	ssyncadd.s32 $0xFFFFC000  }
0x74: {  	[tilespmem:s24], [sflag:$0x4] =	stream.linear.gather [hbm4b:s13+s3], $0x80, $0x38;
	[tilespmem:$0x1BB00] =	vst v63  }
0x75: {  	s11 =	sadd.s32 $0x100, s11;
	s12 =	sadd.s32 s12, s19  }
0x76: {  	[tilespmem:s25], [sflag:$0x4] =	stream.linear.gather [hbm4b:s12+s3], $0x80, $0x38;
	[tilespmem:$0x1BB00] =	vst v63  }
0x77: {  	_ =	swait.ge [sflag:s31], $0x4000  }
0x78: {  	[sflag:s31] =	ssyncset.done $0x0  }
0x79: {  	[sflag:s31] =	ssyncadd.s32 $0xFFFFC000  }
0x7a: {  	[spmem:s2] =	stream.indirect.scatter.add.f32 [tilespmem:s28], [sflag:$0x5], $0x80, s23, s24, $0xb8;
	[tilespmem:$0x1BB00] =	vst v63  }
0x7b: {  	_ =	swait.ge [sflag:s22], $0x4000  }
0x7c: {  	[sflag:s22] =	ssyncset.done $0x0  }
0x7d: {  	[sflag:s22] =	ssyncadd.s32 $0xFFFFC000  }
0x7e: {  	_ =	swait.ge [sflag:s29], $0x80  }
0x7f: {  	[sflag:s29] =	ssyncset.done $0x0  }
0x80: {  	[sflag:s29] =	ssyncadd.s32 $0xFFFFFF80  }
0x81: {  	_ =	swait.ge [sflag:s29], $0x80  }
0x82: {  	[sflag:s29] =	ssyncset.done $0x0  }
0x83: {  	[sflag:s29] =	ssyncadd.s32 $0xFFFFFF80  }
0x84: {  	[bflag:$0x0] =	sbarrier.arrive $0xFFFF  }
0x85: {  	[hbm:s16], [sflag:s9] =	dma.local [spmem:s7], $0x2700  }
0x86: {  	s1 =	sadd.s32 $0x1, s1;
	_ =	swait.ge [sflag:s22], $0x2700  }
0x87: {  	p1 =	sne.s32 s1, s18;
	[sflag:s22] =	ssyncset.done $0x0  }
.Ltmp1:
0x88: {  	s7 =	simm.s32 @!p0 $0x5;
	[sflag:s22] =	ssyncadd.s32 $0xFFFFD900;
	(pc) =	sbr.rel @p1 .LBB2_1-.Ltmp1, $4  }
0x89: {  	[hbm:s17], [sflag:s9] =	dma.local @!p0 [spmem:s8], $0x100  }
0x8a: {  	_ =	swait.ge @!p0 [sflag:s7], $0x100  }
0x8b: {  	[sflag:s7] =	ssyncset.done @!p0 $0x0  }
0x8c: {  	[sflag:s7] =	ssyncadd.s32 @!p0 $0xFFFFFF00  }
0x8d: {  	_ =	sfence.sel $0x180000  }
0x8e: {  	[bflag:$0x0] =	sbarrier.arrive $0xFFFF  }
0x8f: {  	_ =	strace $0x9000004D  }
0x90: {  	s0 =	stileid.u32;
	[bflag:$0x2] =	sbarrier.arrive $0xFFFF  }
0x91: {  	p0 =	sne.s32 s0, $0x0;
	s0 =	rddreg [dreg:$0x2]  }
0x92: {  	s0 =	sadd.s32 @!p0 $0x100000, s0  }
0x93: {  	[sflag:s0] =	ssyncadd.tile.s32 @!p0 $0x1;
	_ =	shalt  }
.Lfunc_end2:
_tile_overlayer_lowered:
.L_overlay_start_2:
0x94: {  	(tag) =	ssettag $0x2  }
0x95: {  	s0 =	rddreg [dreg:$0x0];
	s2 =	stileid.u32  }
0x96: {  	s1 =	rddreg [dreg:$0x1];
	p0 =	sne.s32 s2, $0x0  }
0x97: {  	s3 =	rddreg [dreg:$0x2];
	[bflag:$0x3] =	sbarrier.arrive $0xFFFF;
	s2 =	simm.s32 @!p0 $0x1C05  }
0x98: {  	[timem:s3], [sflag:s2] =	dma.local @!p0 [hbm:s0], s1  }
0x99: {  	s0 =	simm.s32 @!p0 $0x5  }
0x9a: {  	_ =	swait.ge @!p0 [sflag:s0], s1  }
0x9b: {  	s1 =	ssub.s32 @!p0 $0x0, s1;
	[sflag:s0] =	ssyncset.done @!p0 $0x0  }
0x9c: {  	[sflag:s0] =	ssyncadd.s32 @!p0 s1  }
0x9d: {  	[bflag:$0x3] =	sbarrier.arrive $0xFFFF  }
0x9e: {  	_ =	shalt  }

// kernel: kernel.19.cloned.1.call-start
scs
__scs_entry_jumppad:
0x0: {  	(pc) =	sbr.rel $0x88, $3  }
0x1: {  	(tag) =	ssettag $0x0;
	lr =	simm.s32 $0x1  }
0x2: {  	[smem:$0x3F90] =	sst lr;
	_ =	strace $0xD0000000  }
0x3: {  	_ = 	snop  }
0x4: {  	_ = 	snop  }
0x5: {  	_ = 	snop  }
0x6: {  	_ = 	snop  }
0x7: {  	_ = 	snop  }
__scs_overlays_trampoline_lowered:
0x8: {  	[smem:$0x3F9F] =	sst s0  }
0x9: {  	[smem:$0x3FA0] =	sst s1  }
0xa: {  	[smem:$0x3FA1] =	sst s2  }
0xb: {  	[smem:$0x3FA2] =	sst s3  }
0xc: {  	[smem:$0x3FA3] =	sst s4  }
0xd: {  	[smem:$0x3FA4] =	sst s5  }
0xe: {  	[smem:$0x3FA5] =	sst s6  }
0xf: {  	[smem:$0x3FA6] =	sst s7  }
0x10: {  	[smem:$0x3FA7] =	sst s8  }
0x11: {  	[smem:$0x3FA8] =	sst s9;
	s0 =	simm.s32 @!p0 $0x0  }
0x12: {  	s1 =	sld [smem:$0x3F8E];
	s0 =	simm.s32 @p0 $0x1  }
0x13: {  	[smem:$0x3FA9] =	sst s0;
	s0 =	simm.s32 @!p1 $0x0  }
0x14: {  	s2 =	sld [smem:$0x3F8D];
	s0 =	simm.s32 @p1 $0x1  }
0x15: {  	[smem:$0x3FAA] =	sst s0;
	s0 =	simm.s32 @!p2 $0x0  }
0x16: {  	s3 =	sld [smem:$0x3FDB];
	s0 =	simm.s32 @p2 $0x1  }
0x17: {  	s4 =	simm.s32 $0x1BF5;
	[smem:$0x3FAC] =	sst s0  }
0x18: {  	s0 =	sld [smem:$0x3F8F];
	_ =	swait.ge [sflag:s4], $0x0  }
0x19: {  	s7 =	sld [smem:$0x3F90]  }
0x1a: {  	s8 =	sadd.s32 $0xFFFFE003, lr  }
0x1b: {  	s9 =	sadd.s32 $0xFFFFFEF7, lr;
	s5 =	simm.s32 $0xFFFFFFFF;
	p2 =	slt.u32 s8, $0xFFFFF086  }
0x1c: {  	p1 =	slt.u32 s9, $0xF7A;
	s5 =	simm.s32 @!p2 $0x0  }
0x1d: {  	s5 =	simm.s32 @p1 $0x1;
	p0 =	seq.s32 s7, s2  }
0x1e: {  	s7 =	smul.u32 @!p0 $0xF7A, s2;
	p2 =	seq.s32 @!p0 s5, $0x0  }
0x1f: {  	s9 =	smul.u32 $0xF7A, s1;
	s8 =	simm.s32 @!p0 $0x1BF5;
	p2 =	por !p2, p0  }
0x20: {  	[sflag:s8] =	ssyncset.s32 @!p0 $0xFFFFF086;
	s6 =	sadd.s32 @!p0 s3, s7;
	s7 =	simm.s32 @!p0 $0x108  }
0x21: {  	s3 =	sadd.s32 s3, s9;
	s6 =	sadd.s32 @!p0 $0x88, s6;
	s7 =	simm.s32 @p2 $0x1082  }
0x22: {  	[simem:s7], [sflag:s8] =	dma.local @!p0 [hbm:s6], $0xF7A  }
0x23: {  	s9 =	sor.u32 $0xD0000000, s2;
	s6 =	simm.s32 $0x108;
	_ =	swait.ge @!p0 [sflag:s8], $0x0  }
0x24: {  	s3 =	sadd.s32 $0x88, s3;
	s6 =	simm.s32 @!p1 $0x1082;
	[sflag:s4] =	ssyncset.s32 $0xFFFFF086  }
0x25: {  	[simem:s6], [sflag:s4] =	dma.local [hbm:s3], $0xF7A  }
0x26: {  	[smem:$0x3F90] =	sst s1;
	(tag) =	ssettag s2;
	_ =	strace s9  }
0x27: {  	s1 =	sld [smem:$0x3FA0]  }
0x28: {  	s2 =	sld [smem:$0x3FA1]  }
0x29: {  	s4 =	sld [smem:$0x3FA3]  }
0x2a: {  	p0 =	seq.s32 s5, $0x0;
	s5 =	sld [smem:$0x3FA4]  }
0x2b: {  	s6 =	sld [smem:$0x3FA5]  }
0x2c: {  	s7 =	sld [smem:$0x3FA6]  }
0x2d: {  	s3 =	simm.s32 $0x108;
	s8 =	sld [smem:$0x3FA7]  }
0x2e: {  	s3 =	simm.s32 @!p0 $0x1082;
	s9 =	sld [smem:$0x3FA8]  }
0x2f: {  	lr =	sadd.s32 s0, s3;
	s0 =	sld [smem:$0x3F9F]  }
0x30: {  	s3 =	sld [smem:$0x3FA2]  }
0x31: {  	[smem:$0x3FAB] =	sst s10  }
0x32: {  	s10 =	sld [smem:$0x3FA9];
	_ =	sdelay $0x3  }
0x33: {  	p0 =	seq.s32 s10, $0x1;
	s10 =	sld [smem:$0x3FAB];
	_ =	sdelay $0x3  }
0x34: {  	[smem:$0x3FAB] =	sst s10  }
0x35: {  	s10 =	sld [smem:$0x3FAA];
	_ =	sdelay $0x3  }
0x36: {  	p1 =	seq.s32 s10, $0x1;
	s10 =	sld [smem:$0x3FAB];
	_ =	sdelay $0x3  }
0x37: {  	[smem:$0x3FAB] =	sst s10  }
0x38: {  	s10 =	sld [smem:$0x3FAC]  }
0x39: {  	_ = 	snop;
	(pc) =	sbr.ind lr, $3  }
0x3a: {  	_ = 	snop  }
0x3b: {  	_ = 	snop  }
0x3c: {  	p2 =	seq.s32 s10, $0x1;
	s10 =	sld [smem:$0x3FAB]  }
0x3d: {  	_ =	shalt  }
0x3e: {  	_ =	shalt  }
0x3f: {  	_ =	shalt  }
0x40: {  	_ =	shalt  }
0x41: {  	_ =	shalt  }
0x42: {  	_ =	shalt  }
0x43: {  	_ =	shalt  }
0x44: {  	_ =	shalt  }
0x45: {  	_ =	shalt  }
0x46: {  	_ =	shalt  }
0x47: {  	_ =	shalt  }
0x48: {  	_ =	shalt  }
0x49: {  	_ =	shalt  }
0x4a: {  	_ =	shalt  }
0x4b: {  	_ =	shalt  }
0x4c: {  	_ =	shalt  }
0x4d: {  	_ =	shalt  }
0x4e: {  	_ =	shalt  }
0x4f: {  	_ =	shalt  }
0x50: {  	_ =	shalt  }
0x51: {  	_ =	shalt  }
0x52: {  	_ =	shalt  }
0x53: {  	_ =	shalt  }
0x54: {  	_ =	shalt  }
0x55: {  	_ =	shalt  }
0x56: {  	_ =	shalt  }
0x57: {  	_ =	shalt  }
0x58: {  	_ =	shalt  }
0x59: {  	_ =	shalt  }
0x5a: {  	_ =	shalt  }
0x5b: {  	_ =	shalt  }
0x5c: {  	_ =	shalt  }
0x5d: {  	_ =	shalt  }
0x5e: {  	_ =	shalt  }
0x5f: {  	_ =	shalt  }
0x60: {  	_ =	shalt  }
0x61: {  	_ =	shalt  }
0x62: {  	_ =	shalt  }
0x63: {  	_ =	shalt  }
0x64: {  	_ =	shalt  }
0x65: {  	_ =	shalt  }
0x66: {  	_ =	shalt  }
0x67: {  	_ =	shalt  }
0x68: {  	_ =	shalt  }
0x69: {  	_ =	shalt  }
0x6a: {  	_ =	shalt  }
0x6b: {  	_ =	shalt  }
0x6c: {  	_ =	shalt  }
0x6d: {  	_ =	shalt  }
0x6e: {  	_ =	shalt  }
0x6f: {  	_ =	shalt  }
0x70: {  	_ =	shalt  }
0x71: {  	_ =	shalt  }
0x72: {  	_ =	shalt  }
0x73: {  	_ =	shalt  }
0x74: {  	_ =	shalt  }
0x75: {  	_ =	shalt  }
0x76: {  	_ =	shalt  }
0x77: {  	_ =	shalt  }
0x78: {  	_ =	shalt  }
0x79: {  	_ =	shalt  }
0x7a: {  	_ =	shalt  }
0x7b: {  	_ =	shalt  }
0x7c: {  	_ =	shalt  }
0x7d: {  	_ =	shalt  }
0x7e: {  	_ =	shalt  }
0x7f: {  	_ =	shalt  }
0x80: {  	_ =	shalt  }
0x81: {  	_ =	shalt  }
0x82: {  	_ =	shalt  }
0x83: {  	_ =	shalt  }
0x84: {  	_ =	shalt  }
0x85: {  	_ =	shalt  }
0x86: {  	_ =	shalt  }
0x87: {  	_ =	shalt  }
.Lfunc_end0:
.L_simem_size_0:
called_computation.3_lowered:
.L_overlay_start_0:
0x88: {  	s2 =	sld [smem:$0x3FD9]  }
0x89: {  	s3 =	sld [smem:$0x3FFE];
	_ =	sdelay $0x1  }
0x8a: {  	s1 =	srdreg.scid  }
0x8b: {  	s0 =	sand.u32 $0x1, s1  }
0x8c: {  	s16 =	sshll.u32 s0, $0xA;
	s2 =	sadd.s32 s3, s2  }
0x8d: {  	s2 =	sadd.s32 s2, s16  }
0x8e: {  	[smem:$0x3FB7] =	sst s2  }
0x8f: {  	_ = 	snop  }
0x90: {  	(tm) =	ssettm $0x1  }
0x91: {  	s17 =	sld [smem:$0x3FFB];
	_ =	sdelay $0x3  }
0x92: {  	_ =	strace s17  }
0x93: {  	s2 =	sld [smem:$0x3FFC];
	_ =	sdelay $0x3  }
0x94: {  	_ =	strace s2  }
0x95: {  	s2 =	sld [smem:$0x3FFD];
	_ =	sdelay $0x3  }
0x96: {  	_ =	strace s2  }
0x97: {  	_ =	strace $0x8FFFFFFF  }
0x98: {  	s18 =	sld [smem:$0x3FDB];
	_ =	sdelay $0x1  }
0x99: {  	s19 =	simm.s32 $_scs_section_size  }
0x9a: {  	s4 =	simm.s32 $_size__tile_overlayer_lowered;
	s5 =	simm.s32 $_tile_overlayer_lowered  }
0x9b: {  	s22 =	simm.s32 $0x1BFF;
	s21 =	sshll.u32 s5, $0x1;
	s2 =	sadd.s32 s19, s18  }
0x9c: {  	s6 =	simm.s32 $0x0;
	s20 =	sshll.u32 s4, $0x1;
	s4 =	sadd.s32 s21, s2  }
0x9d: {  	[timem:s6], [sflag:s22] =	dma.local [hbm:s4], s20  }
0x9e: {  	_ =	swait.ge [sflag:s22], s20  }
0x9f: {  	s3 =	ssub.s32 $0x0, s20;
	[sflag:s22] =	ssyncset.done $0x0  }
0xa0: {  	[sflag:s22] =	ssyncadd.s32 s3;
	_ =	sdelay $0x1  }
0xa1: {  	s23 =	simm.s32 $0x1B8B  }
0xa2: {  	_ =	swait.ge [sflag:s23], $0x1  }
0xa3: {  	[sflag:s23] =	ssyncset.done $0x0  }
0xa4: {  	s25 =	simm.s32 $0x1B8E;
	s24 =	sld [smem:$0x3FFE];
	[sflag:s23] =	ssyncadd.s32 $0xFFFFFFFF  }
0xa5: {  	s26 =	simm.s32 $execute0_lowered;
	[smem:$0x3FD2] =	sst s25  }
0xa6: {  	s4 =	sshll.u32 s26, $0x1;
	_ =	strace $0x8000004F;
	[dreg:$0x1] =	wrdreg $0xFFFFFFFF  }
0xa7: {  	s28 =	simm.s32 $_size_execute0_lowered;
	s2 =	sadd.s32 s2, s4;
	[dreg:$0x0] =	wrdreg $0x0  }
0xa8: {  	s4 =	sshll.u32 s28, $0x1;
	[dreg:$0x2] =	wrdreg s2  }
0xa9: {  	[dreg:$0x3] =	wrdreg s4  }
0xaa: {  	[dreg:$0x4] =	wrdreg $0xC0  }
0xab: {  	_ =	task [dreg:s6], $0x5FFFF  }
0xac: {  	[dreg:$0x1] =	wrdreg $0xFFFFFFFF  }
0xad: {  	[dreg:$0x0] =	wrdreg $0x60  }
0xae: {  	[dreg:$0x2] =	wrdreg s24  }
0xaf: {  	[dreg:$0x3] =	wrdreg $0x82000  }
0xb0: {  	[dreg:$0x4] =	wrdreg $0x9  }
0xb1: {  	_ =	task.clear_ibuf [dreg:s6], $0x5FFFF;
	_ =	strace $0x9000004F  }
0xb2: {  	s29 =	simm.s32 $0x9;
	_ =	strace $0x80000051  }
0xb3: {  	_ =	swait.ge [sflag:s29], $0x1  }
0xb4: {  	[sflag:s29] =	ssyncadd.s32 $0xFFFFFFFF  }
0xb5: {  	_ =	strace $0x90000051  }
0xb6: {  	_ =	sfence  }
0xb7: {  	s30 =	sld [smem:$0x0];
	_ =	sdelay $0x2  }
0xb8: {  	s31 =	sshll.u32 s1, $0xD;
	s1 =	sshrl.u32 s1, $0x2  }
0xb9: {  	s3 =	sand.u32 $0x4000, s31;
	s1 =	sadd.s32 s1, s30  }
0xba: {  	s0 =	sor.u32 s3, s0;
	s1 =	sshll.u32 s1, $0x11  }
0xbb: {  	s0 =	sor.u32 s1, s0  }
0xbc: {  	s0 =	sadd.s32 $0x8F2B, s0  }
0xbd: {  	[sflag:s0] =	ssyncadd.remote.s32 $0x1  }
0xbe: {  	_ =	sfence.sel $0xFFFF  }
0xbf: {  	[dreg:$0x0] =	wrdreg $0xFFFFFFFF;
	(pc) =	sbr.abs _section_cstart, $3  }
0xc0: {  	[dreg:$0x1] =	wrdreg $0xFFFFFFFF  }
0xc1: {  	_ =	task.clear_ibuf [dreg:s6], $0x2FFFF;
	_ =	strace $0x9FFFFFFF  }
0xc2: {  	(tm) =	ssettm $0x7FFFFFFF  }
0xc3: {  	_ =	shalt  }
tec
execute0_lowered:
.L_overlay_start_1:
0x0: {  	(tag) =	ssettag $0x1  }
0x1: {  	s0 =	rddreg [dreg:$0x0]  }
0x2: {  	s2 =	rddreg [dreg:$0x1];
	s3 =	simm.s32 $0x0;
	s14 =	stileid.u32  }
0x3: {  	s6 =	srdreg.scid;
	s28 =	simm.s32 $0x200;
	s29 =	simm.s32 $0x4  }
0x4: {  	s30 =	simm.s32 $0x4200;
	s31 =	simm.s32 $0x1;
	[smem:$0x7FF] =	sst s3  }
0x5: {  	s1 =	smul.u32 $0x13800, s14;
	s4 =	sadd.s32 $0x83400, s0;
	s5 =	sadd.s32 $0x3C00, s0  }
0x6: {  	s8 =	sand.u32 $0x1, s6;
	s6 =	sadd.s32 $0x35200, s0;
	s11 =	smul.u32 $0x4E000, s14  }
0x7: {  	s12 =	sshll.u32 s14, $0x1;
	s17 =	sadd.s32 $0x8D800, s0;
	s26 =	sshll.u32 s14, $0x6  }
0x8: {  	s15 =	sadd.s32 $0x138000, s2;
	s20 =	smul.u32 $0x5100, s14;
	p0 =	sne.s32 s14, $0xF  }
0x9: {  	_ =	strace $0x80000050;
	s9 =	ssub.s32 $0x2, s8;
	s18 =	smul.u32 $0x138800, s8  }
0xa: {  	s25 =	sor.u32 s8, s12;
	[dreg:$0x5] =	wrdreg s15;
	s8 =	smul.u32 $0x2880, s8  }
0xb: {  	s7 =	sshrl.u32 s1, $0x3;
	s10 =	sshrl.u32 s9, $0x1;
	s11 =	sshrl.u32 s11, $0x2  }
0xc: {  	s13 =	smul.u32 $0x2880, s25;
	s7 =	sadd.s32 s7, s0;
	s10 =	ssub.s32 s9, s10  }
0xd: {  	s11 =	sadd.s32 s11, s2;
	s9 =	sor.u32 $0x1C05, s26;
	s0 =	sadd.s32 $0x35000, s0  }
0xe: {  	s1 =	sadd.s32 s1, s18;
	s23 =	sshrl.u32 s18, $0x3;
	[dreg:$0x3] =	wrdreg s11  }
0xf: {  	s7 =	sadd.s32 $0xE000, s7;
	s16 =	sshrl.u32 s13, $0x3;
	[dreg:$0x6] =	wrdreg s0  }
0x10: {  	s1 =	sshrl.u32 s1, $0x3;
	s0 =	sadd.s32 s8, s20;
	s24 =	sadd.s32 s17, s23  }
0x11: {  	s18 =	smax.u32 s10, $0x1;
	s23 =	simm.s32 $0x100;
	[dreg:$0x4] =	wrdreg s7  }
0x12: {  	s19 =	sadd.s32 s4, s16;
	s21 =	sadd.s32 s5, s16;
	s7 =	sadd.s32 $0x10, s16  }
0x13: {  	s16 =	sadd.s32 s17, s1;
	s25 =	sadd.s32 $0x180, s0;
	s17 =	sadd.s32 $0x27000, s24  }
0x14: {  	s24 =	simm.s32 $0x80;
	s1 =	simm.s32 $0x0;
	[dreg:$0x7] =	wrdreg s19  }
0x15: {  	[dreg:$0x8] =	wrdreg s21;
	s22 =	sadd.s32 s4, s7;
	s15 =	sadd.s32 s5, s7  }
0x16: {  	s26 =	sshrl.u32 s25, $0x3;
	s21 =	sadd.s32 $0x100, s0;
	s25 =	simm.s32 $0x180  }
0x17: {  	s0 =	simm.s32 $0x2;
	[dreg:$0x9] =	wrdreg s22;
	s19 =	sadd.s32 s26, s5  }
0x18: {  	s20 =	sadd.s32 s26, s4;
	s22 =	simm.s32 $0x5;
	s26 =	simm.s32 $0x3  }
.LBB2_1:
0x19: {  	s7 =	rddreg [dreg:$0x3]  }
0x1a: {  	s8 =	rddreg [dreg:$0x4];
	s7 =	sshrl.u32 s7, $0x3  }
0x1b: {  	[spmem:s7], [sflag:s9] =	dma.local [hbm:s8], $0x2700  }
0x1c: {  	_ =	swait.ge [sflag:s22], $0x2700  }
0x1d: {  	[sflag:s22] =	ssyncset.done $0x0;
	s8 =	rddreg [dreg:$0x5]  }
0x1e: {  	s10 =	rddreg [dreg:$0x6];
	[sflag:s22] =	ssyncadd.s32 $0xFFFFD900;
	s8 =	sshrl.u32 @!p0 s8, $0x3  }
0x1f: {  	[spmem:s8], [sflag:s9] =	dma.local @!p0 [hbm:s10], $0x200  }
0x20: {  	s10 =	simm.s32 @!p0 $0x5  }
0x21: {  	_ =	swait.ge @!p0 [sflag:s10], $0x200  }
0x22: {  	[sflag:s10] =	ssyncset.done @!p0 $0x0  }
0x23: {  	s14 =	rddreg [dreg:$0x7];
	[sflag:s10] =	ssyncadd.s32 @!p0 $0xFFFFFE00  }
0x24: {  	[tilespmem:s3], [sflag:$0x3] =	stream.linear.gather [hbm4b:s14+s3], $0x80, $0x38;
	[tilespmem:$0x1BB00] =	vst v63  }
0x25: {  	s11 =	rddreg [dreg:$0x8]  }
0x26: {  	[tilespmem:s23], [sflag:$0x3] =	stream.linear.gather [hbm4b:s11+s3], $0x80, $0x38;
	[tilespmem:$0x1BB00] =	vst v63  }
0x27: {  	s12 =	rddreg [dreg:$0x9]  }
0x28: {  	[tilespmem:s24], [sflag:$0x4] =	stream.linear.gather [hbm4b:s12+s3], $0x80, $0x38;
	[tilespmem:$0x1BB00] =	vst v63  }
0x29: {  	_ = 	snop  }
0x2a: {  	[tilespmem:s25], [sflag:$0x4] =	stream.linear.gather [hbm4b:s15+s3], $0x80, $0x38;
	[tilespmem:$0x1BB00] =	vst v63  }
0x2b: {  	[bflag:$0x0] =	sbarrier.arrive $0xFFFF  }
0x2c: {  	_ =	swait.ge [sflag:s26], $0x80  }
0x2d: {  	[sflag:s26] =	ssyncset.done $0x0  }
0x2e: {  	[sflag:s26] =	ssyncadd.s32 $0xFFFFFF80  }
0x2f: {  	_ =	swait.ge [sflag:s26], $0x80  }
0x30: {  	[sflag:s26] =	ssyncset.done $0x0  }
0x31: {  	[sflag:s26] =	ssyncadd.s32 $0xFFFFFF80  }
0x32: {  	[tilespmem:s28], [sflag:$0x1] =	stream.indirect.gather [hbm4b:s6+s24], $0x80, s3, s24, $0xb8;
	[tilespmem:$0x1BB00] =	vst v63  }
0x33: {  	_ =	swait.ge [sflag:s29], $0x80  }
0x34: {  	[sflag:s29] =	ssyncset.done $0x0  }
0x35: {  	[sflag:s29] =	ssyncadd.s32 $0xFFFFFF80  }
0x36: {  	_ =	swait.ge [sflag:s29], $0x80  }
0x37: {  	[sflag:s29] =	ssyncset.done $0x0  }
0x38: {  	[sflag:s29] =	ssyncadd.s32 $0xFFFFFF80  }
0x39: {  	[tilespmem:s30], [sflag:$0x2] =	stream.indirect.gather [hbm4b:s6+s24], $0x80, s24, s24, $0xb8;
	[tilespmem:$0x1BB00] =	vst v63  }
0x3a: {  	_ =	swait.ge [sflag:s31], $0x4000  }
0x3b: {  	[sflag:s31] =	ssyncset.done $0x0  }
0x3c: {  	[sflag:s31] =	ssyncadd.s32 $0xFFFFC000  }
0x3d: {  	[spmem:s2] =	stream.indirect.scatter.add.f32 [tilespmem:s28], [sflag:$0x5], $0x80, s23, s24, $0xb8;
	[tilespmem:$0x1BB00] =	vst v63  }
0x3e: {  	_ =	swait.ge [sflag:s22], $0x4000  }
0x3f: {  	s13 =	sshrl.u32 s21, $0x3;
	[sflag:s22] =	ssyncset.done $0x0  }
0x40: {  	s11 =	sadd.s32 s4, s13;
	[sflag:s22] =	ssyncadd.s32 $0xFFFFC000  }
0x41: {  	[tilespmem:s3], [sflag:$0x3] =	stream.linear.gather [hbm4b:s11+s3], $0x80, $0x38;
	[tilespmem:$0x1BB00] =	vst v63  }
0x42: {  	s10 =	sadd.s32 s5, s13  }
0x43: {  	[tilespmem:s23], [sflag:$0x3] =	stream.linear.gather [hbm4b:s10+s3], $0x80, $0x38;
	[tilespmem:$0x1BB00] =	vst v63  }
0x44: {  	_ =	swait.ge [sflag:s26], $0x80  }
0x45: {  	[sflag:s26] =	ssyncset.done $0x0  }
0x46: {  	[sflag:s26] =	ssyncadd.s32 $0xFFFFFF80  }
0x47: {  	_ =	swait.ge [sflag:s26], $0x80  }
0x48: {  	[sflag:s26] =	ssyncset.done $0x0  }
0x49: {  	[sflag:s26] =	ssyncadd.s32 $0xFFFFFF80  }
0x4a: {  	[tilespmem:s28], [sflag:$0x1] =	stream.indirect.gather [hbm4b:s6+s24], $0x80, s3, s24, $0xb8;
	[tilespmem:$0x1BB00] =	vst v63  }
0x4b: {  	_ =	swait.ge [sflag:s0], $0x4000  }
0x4c: {  	[sflag:s0] =	ssyncset.done $0x0  }
0x4d: {  	[sflag:s0] =	ssyncadd.s32 $0xFFFFC000  }
0x4e: {  	[spmem:s2] =	stream.indirect.scatter.add.f32 [tilespmem:s30], [sflag:$0x5], $0x80, s25, s24, $0xb8;
	[tilespmem:$0x1BB00] =	vst v63  }
0x4f: {  	_ =	swait.ge [sflag:s22], $0x4000  }
0x50: {  	s14 =	sadd.s32 $0x0, s20;
	s12 =	sadd.s32 $0x0, s19;
	[sflag:s22] =	ssyncset.done $0x0  }
0x51: {  	s11 =	sadd.s32 $0x100, s21;
	s10 =	simm.s32 $0x20;
	[sflag:s22] =	ssyncadd.s32 $0xFFFFC000  }
0x52: {  	[tilespmem:s24], [sflag:$0x4] =	stream.linear.gather [hbm4b:s14+s3], $0x80, $0x38;
	[tilespmem:$0x1BB00] =	vst v63  }
.LBB2_2:
0x53: {  	[tilespmem:s25], [sflag:$0x4] =	stream.linear.gather [hbm4b:s12+s3], $0x80, $0x38;
	[tilespmem:$0x1BB00] =	vst v63  }
0x54: {  	s12 =	smov.u32 s10  }
0x55: {  	p1 =	sne.s32 s10, $0x4E0;
	s10 =	sadd.s32 $0x20, s10;
	_ =	swait.ge [sflag:s29], $0x80  }
0x56: {  	[sflag:s29] =	ssyncset.done $0x0  }
0x57: {  	[sflag:s29] =	ssyncadd.s32 $0xFFFFFF80  }
0x58: {  	_ =	swait.ge [sflag:s29], $0x80  }
0x59: {  	[sflag:s29] =	ssyncset.done $0x0  }
0x5a: {  	[sflag:s29] =	ssyncadd.s32 $0xFFFFFF80  }
0x5b: {  	[tilespmem:s30], [sflag:$0x2] =	stream.indirect.gather [hbm4b:s6+s24], $0x80, s24, s24, $0xb8;
	[tilespmem:$0x1BB00] =	vst v63  }
0x5c: {  	_ =	swait.ge [sflag:s31], $0x4000  }
0x5d: {  	[sflag:s31] =	ssyncset.done $0x0  }
0x5e: {  	[sflag:s31] =	ssyncadd.s32 $0xFFFFC000  }
0x5f: {  	[spmem:s2] =	stream.indirect.scatter.add.f32 [tilespmem:s28], [sflag:$0x5], $0x80, s23, s24, $0xb8;
	[tilespmem:$0x1BB00] =	vst v63  }
0x60: {  	_ =	swait.ge [sflag:s22], $0x4000  }
0x61: {  	s13 =	sshrl.u32 s11, $0x3;
	[sflag:s22] =	ssyncset.done $0x0  }
0x62: {  	s14 =	sadd.s32 s4, s13;
	[sflag:s22] =	ssyncadd.s32 $0xFFFFC000  }
0x63: {  	[tilespmem:s3], [sflag:$0x3] =	stream.linear.gather [hbm4b:s14+s3], $0x80, $0x38;
	[tilespmem:$0x1BB00] =	vst v63  }
0x64: {  	s13 =	sadd.s32 s5, s13  }
0x65: {  	[tilespmem:s23], [sflag:$0x3] =	stream.linear.gather [hbm4b:s13+s3], $0x80, $0x38;
	[tilespmem:$0x1BB00] =	vst v63  }
0x66: {  	_ =	swait.ge [sflag:s26], $0x80  }
0x67: {  	[sflag:s26] =	ssyncset.done $0x0  }
0x68: {  	[sflag:s26] =	ssyncadd.s32 $0xFFFFFF80  }
0x69: {  	_ =	swait.ge [sflag:s26], $0x80  }
0x6a: {  	[sflag:s26] =	ssyncset.done $0x0  }
0x6b: {  	[sflag:s26] =	ssyncadd.s32 $0xFFFFFF80  }
0x6c: {  	[tilespmem:s28], [sflag:$0x1] =	stream.indirect.gather [hbm4b:s6+s24], $0x80, s3, s24, $0xb8;
	[tilespmem:$0x1BB00] =	vst v63  }
0x6d: {  	_ =	swait.ge [sflag:s0], $0x4000  }
0x6e: {  	[sflag:s0] =	ssyncset.done $0x0  }
0x6f: {  	[sflag:s0] =	ssyncadd.s32 $0xFFFFC000  }
0x70: {  	[spmem:s2] =	stream.indirect.scatter.add.f32 [tilespmem:s30], [sflag:$0x5], $0x80, s25, s24, $0xb8;
	[tilespmem:$0x1BB00] =	vst v63  }
.Ltmp0:
0x71: {  	_ =	swait.ge [sflag:s22], $0x4000;
	(pc) =	sbr.rel @p1 .LBB2_2-.Ltmp0, $4  }
0x72: {  	[sflag:s22] =	ssyncset.done $0x0  }
0x73: {  	s13 =	sadd.s32 s12, s20;
	[sflag:s22] =	ssyncadd.s32 $0xFFFFC000  }
0x74: {  	[tilespmem:s24], [sflag:$0x4] =	stream.linear.gather [hbm4b:s13+s3], $0x80, $0x38;
	[tilespmem:$0x1BB00] =	vst v63  }
0x75: {  	s11 =	sadd.s32 $0x100, s11;
	s12 =	sadd.s32 s12, s19  }
0x76: {  	[tilespmem:s25], [sflag:$0x4] =	stream.linear.gather [hbm4b:s12+s3], $0x80, $0x38;
	[tilespmem:$0x1BB00] =	vst v63  }
0x77: {  	_ =	swait.ge [sflag:s31], $0x4000  }
0x78: {  	[sflag:s31] =	ssyncset.done $0x0  }
0x79: {  	[sflag:s31] =	ssyncadd.s32 $0xFFFFC000  }
0x7a: {  	[spmem:s2] =	stream.indirect.scatter.add.f32 [tilespmem:s28], [sflag:$0x5], $0x80, s23, s24, $0xb8;
	[tilespmem:$0x1BB00] =	vst v63  }
0x7b: {  	_ =	swait.ge [sflag:s22], $0x4000  }
0x7c: {  	[sflag:s22] =	ssyncset.done $0x0  }
0x7d: {  	[sflag:s22] =	ssyncadd.s32 $0xFFFFC000  }
0x7e: {  	_ =	swait.ge [sflag:s29], $0x80  }
0x7f: {  	[sflag:s29] =	ssyncset.done $0x0  }
0x80: {  	[sflag:s29] =	ssyncadd.s32 $0xFFFFFF80  }
0x81: {  	_ =	swait.ge [sflag:s29], $0x80  }
0x82: {  	[sflag:s29] =	ssyncset.done $0x0  }
0x83: {  	[sflag:s29] =	ssyncadd.s32 $0xFFFFFF80  }
0x84: {  	[bflag:$0x0] =	sbarrier.arrive $0xFFFF  }
0x85: {  	[hbm:s16], [sflag:s9] =	dma.local [spmem:s7], $0x2700  }
0x86: {  	s1 =	sadd.s32 $0x1, s1;
	_ =	swait.ge [sflag:s22], $0x2700  }
0x87: {  	p1 =	sne.s32 s1, s18;
	[sflag:s22] =	ssyncset.done $0x0  }
.Ltmp1:
0x88: {  	s7 =	simm.s32 @!p0 $0x5;
	[sflag:s22] =	ssyncadd.s32 $0xFFFFD900;
	(pc) =	sbr.rel @p1 .LBB2_1-.Ltmp1, $4  }
0x89: {  	[hbm:s17], [sflag:s9] =	dma.local @!p0 [spmem:s8], $0x100  }
0x8a: {  	_ =	swait.ge @!p0 [sflag:s7], $0x100  }
0x8b: {  	[sflag:s7] =	ssyncset.done @!p0 $0x0  }
0x8c: {  	[sflag:s7] =	ssyncadd.s32 @!p0 $0xFFFFFF00  }
0x8d: {  	_ =	sfence.sel $0x180000  }
0x8e: {  	[bflag:$0x0] =	sbarrier.arrive $0xFFFF  }
0x8f: {  	_ =	strace $0x90000050  }
0x90: {  	s0 =	stileid.u32;
	[bflag:$0x2] =	sbarrier.arrive $0xFFFF  }
0x91: {  	p0 =	sne.s32 s0, $0x0;
	s0 =	rddreg [dreg:$0x2]  }
0x92: {  	s0 =	sadd.s32 @!p0 $0x100000, s0  }
0x93: {  	[sflag:s0] =	ssyncadd.tile.s32 @!p0 $0x1;
	_ =	shalt  }
.Lfunc_end2:
_tile_overlayer_lowered:
.L_overlay_start_2:
0x94: {  	(tag) =	ssettag $0x2  }
0x95: {  	s0 =	rddreg [dreg:$0x0];
	s2 =	stileid.u32  }
0x96: {  	s1 =	rddreg [dreg:$0x1];
	p0 =	sne.s32 s2, $0x0  }
0x97: {  	s3 =	rddreg [dreg:$0x2];
	[bflag:$0x3] =	sbarrier.arrive $0xFFFF;
	s2 =	simm.s32 @!p0 $0x1C05  }
0x98: {  	[timem:s3], [sflag:s2] =	dma.local @!p0 [hbm:s0], s1  }
0x99: {  	s0 =	simm.s32 @!p0 $0x5  }
0x9a: {  	_ =	swait.ge @!p0 [sflag:s0], s1  }
0x9b: {  	s1 =	ssub.s32 @!p0 $0x0, s1;
	[sflag:s0] =	ssyncset.done @!p0 $0x0  }
0x9c: {  	[sflag:s0] =	ssyncadd.s32 @!p0 s1  }
0x9d: {  	[bflag:$0x3] =	sbarrier.arrive $0xFFFF  }
0x9e: {  	_ =	shalt  }

</sc_bundles>
